<compile_context>
chip_gen: v7x
topology: tpu7x:2x2x1
jax: 0.10.2.dev20260603
libtpu: 0.0.44.dev20260713+nightly
codegen_flags: <defaults>
</compile_context>

<pallas_src>
import functools

import jax
import jax.numpy as jnp
from jax import lax
from jax.experimental import pallas as pl
from jax.experimental.pallas import tpu as pltpu
from jax.experimental.pallas import tpu_sc as plsc

G = 128
L = 5



@functools.lru_cache(maxsize=None)
def _make_edge_scatter(N, D, E):
  info = plsc.get_sparse_core_info()
  NC, NS = info.num_cores, info.num_subcores
  NW = NC * NS
  assert E % NW == 0
  epw = E // NW
  C = 80
  assert epw % C == 0
  nchunks = epw // C
  rpt = (N // NS) // 8 * 8
  extra = N - NS * rpt
  assert extra % 8 == 0
  mesh = plsc.VectorSubcoreMesh(core_axis_name="c", subcore_axis_name="s")

  @functools.partial(
      pl.kernel, mesh=mesh,
      out_type=jax.ShapeDtypeStruct((NC, N, D), jnp.float32),
      scratch_types=[
          pltpu.VMEM((C,), jnp.int32),
          pltpu.VMEM((C,), jnp.int32),
          pltpu.VMEM((C, D), jnp.float32),
          pltpu.VMEM_SHARED((N, D), jnp.float32),
          pltpu.SemaphoreType.DMA,
      ])
  def sc_kernel(h_hbm, src_hbm, dst_hbm, out_hbm, si, di, rows, acc, sem):
    c = lax.axis_index("c")
    s = lax.axis_index("s")
    wid = s * NC + c

    def zrow(i, carry):
      def zcol(j, carry2):
        rows[i, pl.ds(j * 16, 16)] = jnp.zeros((16,), jnp.float32)
        return carry2
      return lax.fori_loop(0, D // 16, zcol, carry)
    lax.fori_loop(0, C, zrow, 0)

    base_row = s * rpt
    nfull = rpt // C
    tail = rpt - nfull * C
    for k in range(nfull):
      pltpu.sync_copy(rows, acc.at[pl.ds(base_row + k * C, C)])
    if tail:
      pltpu.sync_copy(rows.at[pl.ds(0, tail)],
                      acc.at[pl.ds(base_row + nfull * C, tail)])
    if extra:
      @pl.when(s == NS - 1)
      def _zero_extra():
        pltpu.sync_copy(rows.at[pl.ds(0, extra)],
                        acc.at[pl.ds(NS * rpt, extra)])
    plsc.subcore_barrier()

    ebase = wid * epw
    def chunk(k, carry):
      off = ebase + k * C
      pltpu.sync_copy(src_hbm.at[pl.ds(off, C)], si)
      pltpu.sync_copy(dst_hbm.at[pl.ds(off, C)], di)
      pltpu.async_copy(h_hbm.at[si], rows, sem).wait()
      pltpu.sync_copy(rows, acc.at[di], add=True)
      return carry
    lax.fori_loop(0, nchunks, chunk, 0)

    plsc.subcore_barrier()
    pltpu.sync_copy(acc.at[pl.ds(base_row, rpt)],
                    out_hbm.at[c, pl.ds(base_row, rpt)])
    if extra:
      @pl.when(s == NS - 1)
      def _write_extra():
        pltpu.sync_copy(acc.at[pl.ds(NS * rpt, extra)],
                        out_hbm.at[c, pl.ds(NS * rpt, extra)])

  return sc_kernel



def _dot3(x, w):
  d = functools.partial(jnp.dot, preferred_element_type=jnp.float32)
  return d(x.astype(jnp.bfloat16), w.astype(jnp.bfloat16))


def _mlp_body(h_ref, na_ref, nb_ref, w1_ref, b1_ref, w2_ref, b2_ref,
              g_ref, be_ref, eps_ref):
  z = (1.0 + eps_ref[0, 0]) * h_ref[...] + na_ref[...] + nb_ref[...]
  y = _dot3(z, w1_ref[...]) + b1_ref[...]
  y = jnp.maximum(y, 0.0)
  y = _dot3(y, w2_ref[...]) + b2_ref[...]
  mu = jnp.mean(y, axis=0, keepdims=True)
  d = y - mu
  var = jnp.mean(d * d, axis=0, keepdims=True)
  v = var + 1e-5
  r = lax.rsqrt(v)
  r = r * (1.5 - 0.5 * v * r * r)
  return d * r * g_ref[...] + be_ref[...]


def _mlp_mid_kernel(h_ref, na_ref, nb_ref, w1_ref, b1_ref, w2_ref, b2_ref,
                    g_ref, be_ref, eps_ref, o_ref):
  out = _mlp_body(h_ref, na_ref, nb_ref, w1_ref, b1_ref, w2_ref, b2_ref,
                  g_ref, be_ref, eps_ref)
  o_ref[...] = jnp.maximum(out, 0.0)


def _mlp_last_kernel(h_ref, na_ref, nb_ref, w1_ref, b1_ref, w2_ref, b2_ref,
                     g_ref, be_ref, eps_ref, ids_ref, o_ref):
  out = _mlp_body(h_ref, na_ref, nb_ref, w1_ref, b1_ref, w2_ref, b2_ref,
                  g_ref, be_ref, eps_ref)
  n = out.shape[0]
  seg = lax.broadcasted_iota(jnp.int32, (G, n), 0)
  m = (seg == ids_ref[...]).astype(jnp.float32)
  sums = jnp.dot(m, out, preferred_element_type=jnp.float32,
                 precision=lax.Precision.HIGHEST)
  counts = jnp.sum(m, axis=1, keepdims=True)
  o_ref[...] = sums / jnp.maximum(counts, 1.0)


@functools.lru_cache(maxsize=None)
def _make_mlp(N, D, last):
  if last:
    return pl.pallas_call(
        _mlp_last_kernel,
        out_shape=jax.ShapeDtypeStruct((G, D), jnp.float32))
  return pl.pallas_call(
      _mlp_mid_kernel,
      out_shape=jax.ShapeDtypeStruct((N, D), jnp.float32))



def kernel(node_feats, edge_index, graph_ids, W1, b1, W2, b2, gamma, beta,
           eps):
  N, D = node_feats.shape
  E = edge_index.shape[1]
  src = edge_index[0]
  dst = edge_index[1]
  ids = graph_ids.reshape(1, N)

  edge_scatter = _make_edge_scatter(N, D, E)
  h = node_feats
  for l in range(L):
    partials = edge_scatter(h, src, dst)
    args = (h, partials[0], partials[1], W1[l], b1[l].reshape(1, 2 * D),
            W2[l], b2[l].reshape(1, D), gamma[l].reshape(1, D),
            beta[l].reshape(1, D), eps[l].reshape(1, 1))
    if l < L - 1:
      h = _make_mlp(N, D, False)(*args)
    else:
      h = _make_mlp(N, D, True)(*args, ids)
  return h

# --- scband reference (transcript-rebuilt; emitter-appended) ---
"""Pipeline reference for scband-ginencoder-42820823941375 (READ-ONLY COPY).

The authoritative reference and input builder live on the scoring server;
editing this copy changes nothing except your own understanding.
"""

import jax, jax.numpy as jnp
import numpy as np

N = 10000
E = 320000
D = 128
G = 128
L = 5

def setup_inputs(seed: int = 0) -> dict:
    key = jax.random.key(seed)
    ks = jax.random.split(key, 10)
    node_feats = jax.random.normal(ks[0], (N, D), dtype=jnp.float32)
    edge_index = jax.random.randint(ks[1], (2, E), 0, N, dtype=jnp.int32)
    graph_ids = jnp.sort(jax.random.randint(ks[2], (N,), 0, G, dtype=jnp.int32))
    W1 = jax.random.normal(ks[3], (L, D, 2 * D), dtype=jnp.float32) * 0.05
    b1 = jnp.zeros((L, 2 * D), dtype=jnp.float32)
    W2 = jax.random.normal(ks[4], (L, 2 * D, D), dtype=jnp.float32) * 0.05
    b2 = jnp.zeros((L, D), dtype=jnp.float32)
    gamma = jnp.ones((L, D), dtype=jnp.float32)
    beta = jnp.zeros((L, D), dtype=jnp.float32)
    eps = jnp.zeros((L,), dtype=jnp.float32)
    return {"node_feats": node_feats, "edge_index": edge_index, "graph_ids": graph_ids,
            "W1": W1, "b1": b1, "W2": W2, "b2": b2, "gamma": gamma, "beta": beta, "eps": eps}

def reference(node_feats, edge_index, graph_ids, W1, b1, W2, b2, gamma, beta, eps):
    src = edge_index[0]
    dst = edge_index[1]
    h = node_feats
    for l in range(L):
        # copy_u -> sum aggregation: scatter-add messages from src into dst
        msg = h[src]
        neigh = jnp.zeros_like(h).at[dst].add(msg)
        z = (1.0 + eps[l]) * h + neigh
        # MLP: Linear(D, 2D) -> ReLU -> Linear(2D, D)
        z = z @ W1[l] + b1[l]
        z = jax.nn.relu(z)
        z = z @ W2[l] + b2[l]
        # BatchNorm1d (training-mode batch statistics)
        mean = jnp.mean(z, axis=0)
        var = jnp.var(z, axis=0)
        z = (z - mean) / jnp.sqrt(var + 1e-5) * gamma[l] + beta[l]
        if l < L - 1:
            z = jax.nn.relu(z)
        h = z  # dropout p=0.0 is identity
    # JK = 'last'; AvgPooling readout: mean of node feats per graph
    sums = jax.ops.segment_sum(h, graph_ids, num_segments=G)
    counts = jax.ops.segment_sum(jnp.ones((N, 1), dtype=jnp.float32), graph_ids, num_segments=G)
    return sums / jnp.maximum(counts, 1.0)

if __name__ == "__main__":
    import jax
    _d = setup_inputs()
    print(jax.jit(kernel)(*tuple(_d.values())))

</pallas_src>

<mosaic_0001>
#map = affine_map<(d0, d1) -> (0, 0)>
#map1 = affine_map<(d0, d1) -> (0)>
#map2 = affine_map<(d0, d1) -> (0, 0, 0)>
module attributes {stable_mosaic.version = 14 : i64} {
  func.func @sc_kernel(%arg0: i32, %arg1: i32, %arg2: memref<10000x128xf32, #tpu.memory_space<hbm>>, %arg3: memref<320000xi32, #tpu.memory_space<hbm>>, %arg4: memref<320000xi32, #tpu.memory_space<hbm>>, %arg5: memref<2x10000x128xf32, #tpu.memory_space<hbm>>, %arg6: memref<80xi32, #tpu.memory_space<vmem>>, %arg7: memref<80xi32, #tpu.memory_space<vmem>>, %arg8: memref<80x128xf32, #tpu.memory_space<vmem>>, %arg9: memref<10000x128xf32, #tpu.memory_space<vmem_shared>>, %arg10: memref<!tpu.dma_semaphore, #tpu.memory_space<semaphore_mem>>) attributes {dimension_semantics = [#tpu.dimension_semantics<core_parallel>, #tpu.dimension_semantics<subcore_parallel>], iteration_bounds = array<i64: 2, 16>, scalar_prefetch = 0 : i64, scratch_operands = 5 : i64, tpu.core_type = #tpu.core_type<sc_vector_subcore>, window_params = [{transform_indices = #map}, {transform_indices = #map1}, {transform_indices = #map1}, {transform_indices = #map2}]} {
    %mul3A = arith.constant 2 : i32
    %mul3A_0 = arith.muli %arg1, %mul3A : i32
    %add3A = arith.addi %mul3A_0, %arg0 : i32
    %scan3A = arith.constant 0 : i32
    %scan3A_1 = arith.constant 0 : i32
    %scan3A_2 = arith.constant 80 : i32
    %scan3A_3 = arith.addi %scan3A_1, %scan3A_2 : i32
    %scan3A_4 = arith.constant 1 : i32
    scf.for %scan3A_40 = %scan3A_1 to %scan3A_3 step %scan3A_4  : i32 {
      %scan3A_41 = arith.constant 0 : i32
      %scan3A_42 = arith.constant 8 : i32
      %scan3A_43 = arith.addi %scan3A_41, %scan3A_42 : i32
      %scan3A_44 = arith.constant 1 : i32
      scf.for %scan3A_46 = %scan3A_41 to %scan3A_43 step %scan3A_44  : i32 {
        %broadcast_in_dim3A = arith.constant 0.000000e+00 : f32
        %broadcast_in_dim3A_47 = vector.broadcast %broadcast_in_dim3A : f32 to vector<16xf32>
        %mul3A_48 = arith.constant 16 : i32
        %mul3A_49 = arith.muli %scan3A_46, %mul3A_48 : i32
        %swap3A = arith.index_cast %scan3A_40 : i32 to index
        %swap3A_50 = arith.index_cast %mul3A_49 : i32 to index
        %swap3A_51 = tpu.vector_load %arg8[%swap3A, %swap3A_50] {strides = array<i32>} : memref<80x128xf32, #tpu.memory_space<vmem>>, vector<1x16xf32>,
        %swap3A_52 = vector.shape_cast %swap3A_51 : vector<1x16xf32> to vector<16xf32>
        %swap3A_53 = vector.shape_cast %broadcast_in_dim3A_47 : vector<16xf32> to vector<1x16xf32>
        tpu.vector_store %arg8[%swap3A, %swap3A_50], %swap3A_53 {strides = array<i32>} : memref<80x128xf32, #tpu.memory_space<vmem>>, vector<1x16xf32>,
      }
      %scan3A_45 = arith.constant 8 : i32
    }
    %scan3A_5 = arith.constant 80 : i32
    %mul3A_6 = arith.constant 624 : i32
    %mul3A_7 = arith.muli %arg1, %mul3A_6 : i32
    %add3A_8 = arith.constant 0 : i32
    %add3A_9 = arith.addi %mul3A_7, %add3A_8 : i32
    "tpu.region"() ({
      %run_scoped3A = tpu.sem_alloc : memref<!tpu.dma_semaphore, #tpu.memory_space<semaphore_mem>>
      %dma_start3A = arith.constant 0 : i32
      %dma_start3A_40 = tpu.memref_slice %arg9[%add3A_9, %dma_start3A] : memref<10000x128xf32, #tpu.memory_space<vmem_shared>> -> memref<80x128xf32, #tpu.memory_space<vmem_shared>>
      %dma_start3A_41 = arith.constant 0 : i32
      %dma_start3A_42 = tpu.memref_slice %arg9[%add3A_9, %dma_start3A_41] : memref<10000x128xf32, #tpu.memory_space<vmem_shared>> -> memref<80x128xf32, #tpu.memory_space<vmem_shared>>
      tpu.enqueue_dma source(%arg8 : memref<80x128xf32, #tpu.memory_space<vmem>>) target(%dma_start3A_42 : memref<80x128xf32, #tpu.memory_space<vmem_shared>>) target_semaphore(%run_scoped3A : memref<!tpu.dma_semaphore, #tpu.memory_space<semaphore_mem>>)
      %dma_wait3A = arith.constant 0 : i32
      %dma_wait3A_43 = tpu.memref_slice %arg9[%add3A_9, %dma_wait3A] : memref<10000x128xf32, #tpu.memory_space<vmem_shared>> -> memref<80x128xf32, #tpu.memory_space<vmem_shared>>
      %dma_wait3A_44 = arith.constant 0 : i32
      %dma_wait3A_45 = tpu.memref_slice %arg9[%add3A_9, %dma_wait3A_44] : memref<10000x128xf32, #tpu.memory_space<vmem_shared>> -> memref<80x128xf32, #tpu.memory_space<vmem_shared>>
      tpu.wait_dma2 semaphore(%run_scoped3A : memref<!tpu.dma_semaphore, #tpu.memory_space<semaphore_mem>>) src(%arg8 : memref<80x128xf32, #tpu.memory_space<vmem>>) dst(%dma_wait3A_45 : memref<80x128xf32, #tpu.memory_space<vmem_shared>>)
      tpu.yield
    }) : () -> ()
    %add3A_10 = arith.constant 80 : i32
    %add3A_11 = arith.addi %mul3A_7, %add3A_10 : i32
    "tpu.region"() ({
      %run_scoped3A = tpu.sem_alloc : memref<!tpu.dma_semaphore, #tpu.memory_space<semaphore_mem>>
      %dma_start3A = arith.constant 0 : i32
      %dma_start3A_40 = tpu.memref_slice %arg9[%add3A_11, %dma_start3A] : memref<10000x128xf32, #tpu.memory_space<vmem_shared>> -> memref<80x128xf32, #tpu.memory_space<vmem_shared>>
      %dma_start3A_41 = arith.constant 0 : i32
      %dma_start3A_42 = tpu.memref_slice %arg9[%add3A_11, %dma_start3A_41] : memref<10000x128xf32, #tpu.memory_space<vmem_shared>> -> memref<80x128xf32, #tpu.memory_space<vmem_shared>>
      tpu.enqueue_dma source(%arg8 : memref<80x128xf32, #tpu.memory_space<vmem>>) target(%dma_start3A_42 : memref<80x128xf32, #tpu.memory_space<vmem_shared>>) target_semaphore(%run_scoped3A : memref<!tpu.dma_semaphore, #tpu.memory_space<semaphore_mem>>)
      %dma_wait3A = arith.constant 0 : i32
      %dma_wait3A_43 = tpu.memref_slice %arg9[%add3A_11, %dma_wait3A] : memref<10000x128xf32, #tpu.memory_space<vmem_shared>> -> memref<80x128xf32, #tpu.memory_space<vmem_shared>>
      %dma_wait3A_44 = arith.constant 0 : i32
      %dma_wait3A_45 = tpu.memref_slice %arg9[%add3A_11, %dma_wait3A_44] : memref<10000x128xf32, #tpu.memory_space<vmem_shared>> -> memref<80x128xf32, #tpu.memory_space<vmem_shared>>
      tpu.wait_dma2 semaphore(%run_scoped3A : memref<!tpu.dma_semaphore, #tpu.memory_space<semaphore_mem>>) src(%arg8 : memref<80x128xf32, #tpu.memory_space<vmem>>) dst(%dma_wait3A_45 : memref<80x128xf32, #tpu.memory_space<vmem_shared>>)
      tpu.yield
    }) : () -> ()
    %add3A_12 = arith.constant 160 : i32
    %add3A_13 = arith.addi %mul3A_7, %add3A_12 : i32
    "tpu.region"() ({
      %run_scoped3A = tpu.sem_alloc : memref<!tpu.dma_semaphore, #tpu.memory_space<semaphore_mem>>
      %dma_start3A = arith.constant 0 : i32
      %dma_start3A_40 = tpu.memref_slice %arg9[%add3A_13, %dma_start3A] : memref<10000x128xf32, #tpu.memory_space<vmem_shared>> -> memref<80x128xf32, #tpu.memory_space<vmem_shared>>
      %dma_start3A_41 = arith.constant 0 : i32
      %dma_start3A_42 = tpu.memref_slice %arg9[%add3A_13, %dma_start3A_41] : memref<10000x128xf32, #tpu.memory_space<vmem_shared>> -> memref<80x128xf32, #tpu.memory_space<vmem_shared>>
      tpu.enqueue_dma source(%arg8 : memref<80x128xf32, #tpu.memory_space<vmem>>) target(%dma_start3A_42 : memref<80x128xf32, #tpu.memory_space<vmem_shared>>) target_semaphore(%run_scoped3A : memref<!tpu.dma_semaphore, #tpu.memory_space<semaphore_mem>>)
      %dma_wait3A = arith.constant 0 : i32
      %dma_wait3A_43 = tpu.memref_slice %arg9[%add3A_13, %dma_wait3A] : memref<10000x128xf32, #tpu.memory_space<vmem_shared>> -> memref<80x128xf32, #tpu.memory_space<vmem_shared>>
      %dma_wait3A_44 = arith.constant 0 : i32
      %dma_wait3A_45 = tpu.memref_slice %arg9[%add3A_13, %dma_wait3A_44] : memref<10000x128xf32, #tpu.memory_space<vmem_shared>> -> memref<80x128xf32, #tpu.memory_space<vmem_shared>>
      tpu.wait_dma2 semaphore(%run_scoped3A : memref<!tpu.dma_semaphore, #tpu.memory_space<semaphore_mem>>) src(%arg8 : memref<80x128xf32, #tpu.memory_space<vmem>>) dst(%dma_wait3A_45 : memref<80x128xf32, #tpu.memory_space<vmem_shared>>)
      tpu.yield
    }) : () -> ()
    %add3A_14 = arith.constant 240 : i32
    %add3A_15 = arith.addi %mul3A_7, %add3A_14 : i32
    "tpu.region"() ({
      %run_scoped3A = tpu.sem_alloc : memref<!tpu.dma_semaphore, #tpu.memory_space<semaphore_mem>>
      %dma_start3A = arith.constant 0 : i32
      %dma_start3A_40 = tpu.memref_slice %arg9[%add3A_15, %dma_start3A] : memref<10000x128xf32, #tpu.memory_space<vmem_shared>> -> memref<80x128xf32, #tpu.memory_space<vmem_shared>>
      %dma_start3A_41 = arith.constant 0 : i32
      %dma_start3A_42 = tpu.memref_slice %arg9[%add3A_15, %dma_start3A_41] : memref<10000x128xf32, #tpu.memory_space<vmem_shared>> -> memref<80x128xf32, #tpu.memory_space<vmem_shared>>
      tpu.enqueue_dma source(%arg8 : memref<80x128xf32, #tpu.memory_space<vmem>>) target(%dma_start3A_42 : memref<80x128xf32, #tpu.memory_space<vmem_shared>>) target_semaphore(%run_scoped3A : memref<!tpu.dma_semaphore, #tpu.memory_space<semaphore_mem>>)
      %dma_wait3A = arith.constant 0 : i32
      %dma_wait3A_43 = tpu.memref_slice %arg9[%add3A_15, %dma_wait3A] : memref<10000x128xf32, #tpu.memory_space<vmem_shared>> -> memref<80x128xf32, #tpu.memory_space<vmem_shared>>
      %dma_wait3A_44 = arith.constant 0 : i32
      %dma_wait3A_45 = tpu.memref_slice %arg9[%add3A_15, %dma_wait3A_44] : memref<10000x128xf32, #tpu.memory_space<vmem_shared>> -> memref<80x128xf32, #tpu.memory_space<vmem_shared>>
      tpu.wait_dma2 semaphore(%run_scoped3A : memref<!tpu.dma_semaphore, #tpu.memory_space<semaphore_mem>>) src(%arg8 : memref<80x128xf32, #tpu.memory_space<vmem>>) dst(%dma_wait3A_45 : memref<80x128xf32, #tpu.memory_space<vmem_shared>>)
      tpu.yield
    }) : () -> ()
    %add3A_16 = arith.constant 320 : i32
    %add3A_17 = arith.addi %mul3A_7, %add3A_16 : i32
    "tpu.region"() ({
      %run_scoped3A = tpu.sem_alloc : memref<!tpu.dma_semaphore, #tpu.memory_space<semaphore_mem>>
      %dma_start3A = arith.constant 0 : i32
      %dma_start3A_40 = tpu.memref_slice %arg9[%add3A_17, %dma_start3A] : memref<10000x128xf32, #tpu.memory_space<vmem_shared>> -> memref<80x128xf32, #tpu.memory_space<vmem_shared>>
      %dma_start3A_41 = arith.constant 0 : i32
      %dma_start3A_42 = tpu.memref_slice %arg9[%add3A_17, %dma_start3A_41] : memref<10000x128xf32, #tpu.memory_space<vmem_shared>> -> memref<80x128xf32, #tpu.memory_space<vmem_shared>>
      tpu.enqueue_dma source(%arg8 : memref<80x128xf32, #tpu.memory_space<vmem>>) target(%dma_start3A_42 : memref<80x128xf32, #tpu.memory_space<vmem_shared>>) target_semaphore(%run_scoped3A : memref<!tpu.dma_semaphore, #tpu.memory_space<semaphore_mem>>)
      %dma_wait3A = arith.constant 0 : i32
      %dma_wait3A_43 = tpu.memref_slice %arg9[%add3A_17, %dma_wait3A] : memref<10000x128xf32, #tpu.memory_space<vmem_shared>> -> memref<80x128xf32, #tpu.memory_space<vmem_shared>>
      %dma_wait3A_44 = arith.constant 0 : i32
      %dma_wait3A_45 = tpu.memref_slice %arg9[%add3A_17, %dma_wait3A_44] : memref<10000x128xf32, #tpu.memory_space<vmem_shared>> -> memref<80x128xf32, #tpu.memory_space<vmem_shared>>
      tpu.wait_dma2 semaphore(%run_scoped3A : memref<!tpu.dma_semaphore, #tpu.memory_space<semaphore_mem>>) src(%arg8 : memref<80x128xf32, #tpu.memory_space<vmem>>) dst(%dma_wait3A_45 : memref<80x128xf32, #tpu.memory_space<vmem_shared>>)
      tpu.yield
    }) : () -> ()
    %add3A_18 = arith.constant 400 : i32
    %add3A_19 = arith.addi %mul3A_7, %add3A_18 : i32
    "tpu.region"() ({
      %run_scoped3A = tpu.sem_alloc : memref<!tpu.dma_semaphore, #tpu.memory_space<semaphore_mem>>
      %dma_start3A = arith.constant 0 : i32
      %dma_start3A_40 = tpu.memref_slice %arg9[%add3A_19, %dma_start3A] : memref<10000x128xf32, #tpu.memory_space<vmem_shared>> -> memref<80x128xf32, #tpu.memory_space<vmem_shared>>
      %dma_start3A_41 = arith.constant 0 : i32
      %dma_start3A_42 = tpu.memref_slice %arg9[%add3A_19, %dma_start3A_41] : memref<10000x128xf32, #tpu.memory_space<vmem_shared>> -> memref<80x128xf32, #tpu.memory_space<vmem_shared>>
      tpu.enqueue_dma source(%arg8 : memref<80x128xf32, #tpu.memory_space<vmem>>) target(%dma_start3A_42 : memref<80x128xf32, #tpu.memory_space<vmem_shared>>) target_semaphore(%run_scoped3A : memref<!tpu.dma_semaphore, #tpu.memory_space<semaphore_mem>>)
      %dma_wait3A = arith.constant 0 : i32
      %dma_wait3A_43 = tpu.memref_slice %arg9[%add3A_19, %dma_wait3A] : memref<10000x128xf32, #tpu.memory_space<vmem_shared>> -> memref<80x128xf32, #tpu.memory_space<vmem_shared>>
      %dma_wait3A_44 = arith.constant 0 : i32
      %dma_wait3A_45 = tpu.memref_slice %arg9[%add3A_19, %dma_wait3A_44] : memref<10000x128xf32, #tpu.memory_space<vmem_shared>> -> memref<80x128xf32, #tpu.memory_space<vmem_shared>>
      tpu.wait_dma2 semaphore(%run_scoped3A : memref<!tpu.dma_semaphore, #tpu.memory_space<semaphore_mem>>) src(%arg8 : memref<80x128xf32, #tpu.memory_space<vmem>>) dst(%dma_wait3A_45 : memref<80x128xf32, #tpu.memory_space<vmem_shared>>)
      tpu.yield
    }) : () -> ()
    %add3A_20 = arith.constant 480 : i32
    %add3A_21 = arith.addi %mul3A_7, %add3A_20 : i32
    "tpu.region"() ({
      %run_scoped3A = tpu.sem_alloc : memref<!tpu.dma_semaphore, #tpu.memory_space<semaphore_mem>>
      %dma_start3A = arith.constant 0 : i32
      %dma_start3A_40 = tpu.memref_slice %arg9[%add3A_21, %dma_start3A] : memref<10000x128xf32, #tpu.memory_space<vmem_shared>> -> memref<80x128xf32, #tpu.memory_space<vmem_shared>>
      %dma_start3A_41 = arith.constant 0 : i32
      %dma_start3A_42 = tpu.memref_slice %arg9[%add3A_21, %dma_start3A_41] : memref<10000x128xf32, #tpu.memory_space<vmem_shared>> -> memref<80x128xf32, #tpu.memory_space<vmem_shared>>
      tpu.enqueue_dma source(%arg8 : memref<80x128xf32, #tpu.memory_space<vmem>>) target(%dma_start3A_42 : memref<80x128xf32, #tpu.memory_space<vmem_shared>>) target_semaphore(%run_scoped3A : memref<!tpu.dma_semaphore, #tpu.memory_space<semaphore_mem>>)
      %dma_wait3A = arith.constant 0 : i32
      %dma_wait3A_43 = tpu.memref_slice %arg9[%add3A_21, %dma_wait3A] : memref<10000x128xf32, #tpu.memory_space<vmem_shared>> -> memref<80x128xf32, #tpu.memory_space<vmem_shared>>
      %dma_wait3A_44 = arith.constant 0 : i32
      %dma_wait3A_45 = tpu.memref_slice %arg9[%add3A_21, %dma_wait3A_44] : memref<10000x128xf32, #tpu.memory_space<vmem_shared>> -> memref<80x128xf32, #tpu.memory_space<vmem_shared>>
      tpu.wait_dma2 semaphore(%run_scoped3A : memref<!tpu.dma_semaphore, #tpu.memory_space<semaphore_mem>>) src(%arg8 : memref<80x128xf32, #tpu.memory_space<vmem>>) dst(%dma_wait3A_45 : memref<80x128xf32, #tpu.memory_space<vmem_shared>>)
      tpu.yield
    }) : () -> ()
    %add3A_22 = arith.constant 560 : i32
    %add3A_23 = arith.addi %mul3A_7, %add3A_22 : i32
    "tpu.region"() ({
      %run_scoped3A = tpu.sem_alloc : memref<!tpu.dma_semaphore, #tpu.memory_space<semaphore_mem>>
      %dma_start3A = arith.constant 0 : i32
      %dma_start3A_40 = arith.constant 0 : i32
      %dma_start3A_41 = tpu.memref_slice %arg8[%dma_start3A, %dma_start3A_40] : memref<80x128xf32, #tpu.memory_space<vmem>> -> memref<64x128xf32, #tpu.memory_space<vmem>>
      %dma_start3A_42 = arith.constant 0 : i32
      %dma_start3A_43 = tpu.memref_slice %arg9[%add3A_23, %dma_start3A_42] : memref<10000x128xf32, #tpu.memory_space<vmem_shared>> -> memref<64x128xf32, #tpu.memory_space<vmem_shared>>
      %dma_start3A_44 = arith.constant 0 : i32
      %dma_start3A_45 = tpu.memref_slice %arg9[%add3A_23, %dma_start3A_44] : memref<10000x128xf32, #tpu.memory_space<vmem_shared>> -> memref<64x128xf32, #tpu.memory_space<vmem_shared>>
      %dma_start3A_46 = arith.constant 0 : i32
      %dma_start3A_47 = arith.constant 0 : i32
      %dma_start3A_48 = tpu.memref_slice %arg8[%dma_start3A_46, %dma_start3A_47] : memref<80x128xf32, #tpu.memory_space<vmem>> -> memref<64x128xf32, #tpu.memory_space<vmem>>
      tpu.enqueue_dma source(%dma_start3A_48 : memref<64x128xf32, #tpu.memory_space<vmem>>) target(%dma_start3A_45 : memref<64x128xf32, #tpu.memory_space<vmem_shared>>) target_semaphore(%run_scoped3A : memref<!tpu.dma_semaphore, #tpu.memory_space<semaphore_mem>>)
      %dma_wait3A = arith.constant 0 : i32
      %dma_wait3A_49 = arith.constant 0 : i32
      %dma_wait3A_50 = tpu.memref_slice %arg8[%dma_wait3A, %dma_wait3A_49] : memref<80x128xf32, #tpu.memory_space<vmem>> -> memref<64x128xf32, #tpu.memory_space<vmem>>
      %dma_wait3A_51 = arith.constant 0 : i32
      %dma_wait3A_52 = tpu.memref_slice %arg9[%add3A_23, %dma_wait3A_51] : memref<10000x128xf32, #tpu.memory_space<vmem_shared>> -> memref<64x128xf32, #tpu.memory_space<vmem_shared>>
      %dma_wait3A_53 = arith.constant 0 : i32
      %dma_wait3A_54 = tpu.memref_slice %arg9[%add3A_23, %dma_wait3A_53] : memref<10000x128xf32, #tpu.memory_space<vmem_shared>> -> memref<64x128xf32, #tpu.memory_space<vmem_shared>>
      %dma_wait3A_55 = arith.constant 0 : i32
      %dma_wait3A_56 = arith.constant 0 : i32
      %dma_wait3A_57 = tpu.memref_slice %arg8[%dma_wait3A_55, %dma_wait3A_56] : memref<80x128xf32, #tpu.memory_space<vmem>> -> memref<64x128xf32, #tpu.memory_space<vmem>>
      tpu.wait_dma2 semaphore(%run_scoped3A : memref<!tpu.dma_semaphore, #tpu.memory_space<semaphore_mem>>) src(%dma_wait3A_57 : memref<64x128xf32, #tpu.memory_space<vmem>>) dst(%dma_wait3A_54 : memref<64x128xf32, #tpu.memory_space<vmem_shared>>)
      tpu.yield
    }) : () -> ()
    %eq3A = arith.constant 15 : i32
    %eq3A_24 = arith.cmpi eq, %arg1, %eq3A : i32
    %convert_element_type3A = arith.extui %eq3A_24 : i1 to i32
    %cond3A = arith.constant 0 : i32
    %cond3A_25 = arith.cmpi ne, %convert_element_type3A, %cond3A : i32
    scf.if %cond3A_25 {
      "tpu.region"() ({
        %run_scoped3A = tpu.sem_alloc : memref<!tpu.dma_semaphore, #tpu.memory_space<semaphore_mem>>
        %dma_start3A = arith.constant 0 : i32
        %dma_start3A_40 = arith.constant 0 : i32
        %dma_start3A_41 = tpu.memref_slice %arg8[%dma_start3A, %dma_start3A_40] : memref<80x128xf32, #tpu.memory_space<vmem>> -> memref<16x128xf32, #tpu.memory_space<vmem>>
        %dma_start3A_42 = arith.constant 9984 : i32
        %dma_start3A_43 = arith.constant 0 : i32
        %dma_start3A_44 = tpu.memref_slice %arg9[%dma_start3A_42, %dma_start3A_43] : memref<10000x128xf32, #tpu.memory_space<vmem_shared>> -> memref<16x128xf32, #tpu.memory_space<vmem_shared>>
        %dma_start3A_45 = arith.constant 9984 : i32
        %dma_start3A_46 = arith.constant 0 : i32
        %dma_start3A_47 = tpu.memref_slice %arg9[%dma_start3A_45, %dma_start3A_46] : memref<10000x128xf32, #tpu.memory_space<vmem_shared>> -> memref<16x128xf32, #tpu.memory_space<vmem_shared>>
        %dma_start3A_48 = arith.constant 0 : i32
        %dma_start3A_49 = arith.constant 0 : i32
        %dma_start3A_50 = tpu.memref_slice %arg8[%dma_start3A_48, %dma_start3A_49] : memref<80x128xf32, #tpu.memory_space<vmem>> -> memref<16x128xf32, #tpu.memory_space<vmem>>
        tpu.enqueue_dma source(%dma_start3A_50 : memref<16x128xf32, #tpu.memory_space<vmem>>) target(%dma_start3A_47 : memref<16x128xf32, #tpu.memory_space<vmem_shared>>) target_semaphore(%run_scoped3A : memref<!tpu.dma_semaphore, #tpu.memory_space<semaphore_mem>>)
        %dma_wait3A = arith.constant 0 : i32
        %dma_wait3A_51 = arith.constant 0 : i32
        %dma_wait3A_52 = tpu.memref_slice %arg8[%dma_wait3A, %dma_wait3A_51] : memref<80x128xf32, #tpu.memory_space<vmem>> -> memref<16x128xf32, #tpu.memory_space<vmem>>
        %dma_wait3A_53 = arith.constant 9984 : i32
        %dma_wait3A_54 = arith.constant 0 : i32
        %dma_wait3A_55 = tpu.memref_slice %arg9[%dma_wait3A_53, %dma_wait3A_54] : memref<10000x128xf32, #tpu.memory_space<vmem_shared>> -> memref<16x128xf32, #tpu.memory_space<vmem_shared>>
        %dma_wait3A_56 = arith.constant 9984 : i32
        %dma_wait3A_57 = arith.constant 0 : i32
        %dma_wait3A_58 = tpu.memref_slice %arg9[%dma_wait3A_56, %dma_wait3A_57] : memref<10000x128xf32, #tpu.memory_space<vmem_shared>> -> memref<16x128xf32, #tpu.memory_space<vmem_shared>>
        %dma_wait3A_59 = arith.constant 0 : i32
        %dma_wait3A_60 = arith.constant 0 : i32
        %dma_wait3A_61 = tpu.memref_slice %arg8[%dma_wait3A_59, %dma_wait3A_60] : memref<80x128xf32, #tpu.memory_space<vmem>> -> memref<16x128xf32, #tpu.memory_space<vmem>>
        tpu.wait_dma2 semaphore(%run_scoped3A : memref<!tpu.dma_semaphore, #tpu.memory_space<semaphore_mem>>) src(%dma_wait3A_61 : memref<16x128xf32, #tpu.memory_space<vmem>>) dst(%dma_wait3A_58 : memref<16x128xf32, #tpu.memory_space<vmem_shared>>)
        tpu.yield
      }) : () -> ()
    } else {
    }
    %barrier3A = arith.constant 0 : index
    tpu.barrier barrier_id(%barrier3A)
    %mul3A_26 = arith.constant 10000 : i32
    %mul3A_27 = arith.muli %add3A, %mul3A_26 : i32
    %scan3A_28 = arith.constant 0 : i32
    %scan3A_29 = arith.constant 0 : i32
    %scan3A_30 = arith.constant 125 : i32
    %scan3A_31 = arith.addi %scan3A_29, %scan3A_30 : i32
    %scan3A_32 = arith.constant 1 : i32
    scf.for %scan3A_40 = %scan3A_29 to %scan3A_31 step %scan3A_32  : i32 {
      %mul3A_41 = arith.constant 80 : i32
      %mul3A_42 = arith.muli %scan3A_40, %mul3A_41 : i32
      %add3A_43 = arith.addi %mul3A_27, %mul3A_42 : i32
      "tpu.region"() ({
        %run_scoped3A = tpu.sem_alloc : memref<!tpu.dma_semaphore, #tpu.memory_space<semaphore_mem>>
        %dma_start3A_48 = tpu.memref_slice %arg3[%add3A_43] : memref<320000xi32, #tpu.memory_space<hbm>> -> memref<80xi32, #tpu.memory_space<hbm>>
        %dma_start3A_49 = tpu.memref_slice %arg3[%add3A_43] : memref<320000xi32, #tpu.memory_space<hbm>> -> memref<80xi32, #tpu.memory_space<hbm>>
        tpu.enqueue_dma source(%dma_start3A_49 : memref<80xi32, #tpu.memory_space<hbm>>) target(%arg6 : memref<80xi32, #tpu.memory_space<vmem>>) target_semaphore(%run_scoped3A : memref<!tpu.dma_semaphore, #tpu.memory_space<semaphore_mem>>)
        %dma_wait3A_50 = tpu.memref_slice %arg3[%add3A_43] : memref<320000xi32, #tpu.memory_space<hbm>> -> memref<80xi32, #tpu.memory_space<hbm>>
        %dma_wait3A_51 = tpu.memref_slice %arg3[%add3A_43] : memref<320000xi32, #tpu.memory_space<hbm>> -> memref<80xi32, #tpu.memory_space<hbm>>
        tpu.wait_dma2 semaphore(%run_scoped3A : memref<!tpu.dma_semaphore, #tpu.memory_space<semaphore_mem>>) src(%dma_wait3A_51 : memref<80xi32, #tpu.memory_space<hbm>>) dst(%arg6 : memref<80xi32, #tpu.memory_space<vmem>>)
        tpu.yield
      }) : () -> ()
      "tpu.region"() ({
        %run_scoped3A = tpu.sem_alloc : memref<!tpu.dma_semaphore, #tpu.memory_space<semaphore_mem>>
        %dma_start3A_48 = tpu.memref_slice %arg4[%add3A_43] : memref<320000xi32, #tpu.memory_space<hbm>> -> memref<80xi32, #tpu.memory_space<hbm>>
        %dma_start3A_49 = tpu.memref_slice %arg4[%add3A_43] : memref<320000xi32, #tpu.memory_space<hbm>> -> memref<80xi32, #tpu.memory_space<hbm>>
        tpu.enqueue_dma source(%dma_start3A_49 : memref<80xi32, #tpu.memory_space<hbm>>) target(%arg7 : memref<80xi32, #tpu.memory_space<vmem>>) target_semaphore(%run_scoped3A : memref<!tpu.dma_semaphore, #tpu.memory_space<semaphore_mem>>)
        %dma_wait3A_50 = tpu.memref_slice %arg4[%add3A_43] : memref<320000xi32, #tpu.memory_space<hbm>> -> memref<80xi32, #tpu.memory_space<hbm>>
        %dma_wait3A_51 = tpu.memref_slice %arg4[%add3A_43] : memref<320000xi32, #tpu.memory_space<hbm>> -> memref<80xi32, #tpu.memory_space<hbm>>
        tpu.wait_dma2 semaphore(%run_scoped3A : memref<!tpu.dma_semaphore, #tpu.memory_space<semaphore_mem>>) src(%dma_wait3A_51 : memref<80xi32, #tpu.memory_space<hbm>>) dst(%arg7 : memref<80xi32, #tpu.memory_space<vmem>>)
        tpu.yield
      }) : () -> ()
      %dma_start3A = arith.constant 0 : i32
      %dma_start3A_44 = arith.constant 0 : i32
      %dma_start3A_45 = tpu.memref_slice %arg2[%dma_start3A, %dma_start3A_44] : memref<10000x128xf32, #tpu.memory_space<hbm>> -> memref<10000x128xf32, #tpu.memory_space<hbm>>
      tpu.enqueue_indirect_dma source(%dma_start3A_45 : memref<10000x128xf32, #tpu.memory_space<hbm>>) target(%arg8 : memref<80x128xf32, #tpu.memory_space<vmem>>) offsets(%arg6 : memref<80xi32, #tpu.memory_space<vmem>>) semaphore(%arg10 : memref<!tpu.dma_semaphore, #tpu.memory_space<semaphore_mem>>)
      %dma_wait3A = arith.constant 0 : i32
      %dma_wait3A_46 = arith.constant 0 : i32
      %dma_wait3A_47 = tpu.memref_slice %arg2[%dma_wait3A, %dma_wait3A_46] : memref<10000x128xf32, #tpu.memory_space<hbm>> -> memref<10000x128xf32, #tpu.memory_space<hbm>>
      tpu.wait_indirect_dma semaphore(%arg10 : memref<!tpu.dma_semaphore, #tpu.memory_space<semaphore_mem>>) src(%dma_wait3A_47 : memref<10000x128xf32, #tpu.memory_space<hbm>>) dst(%arg8 : memref<80x128xf32, #tpu.memory_space<vmem>>)
      "tpu.region"() ({
        %run_scoped3A = tpu.sem_alloc : memref<!tpu.dma_semaphore, #tpu.memory_space<semaphore_mem>>
        %dma_start3A_48 = arith.constant 0 : i32
        %dma_start3A_49 = arith.constant 0 : i32
        %dma_start3A_50 = tpu.memref_slice %arg9[%dma_start3A_48, %dma_start3A_49] : memref<10000x128xf32, #tpu.memory_space<vmem_shared>> -> memref<10000x128xf32, #tpu.memory_space<vmem_shared>>
        tpu.enqueue_indirect_dma source(%arg8 : memref<80x128xf32, #tpu.memory_space<vmem>>) target(%dma_start3A_50 : memref<10000x128xf32, #tpu.memory_space<vmem_shared>>) offsets(%arg7 : memref<80xi32, #tpu.memory_space<vmem>>) semaphore(%run_scoped3A : memref<!tpu.dma_semaphore, #tpu.memory_space<semaphore_mem>>) {add = true}
        %dma_wait3A_51 = arith.constant 0 : i32
        %dma_wait3A_52 = arith.constant 0 : i32
        %dma_wait3A_53 = tpu.memref_slice %arg9[%dma_wait3A_51, %dma_wait3A_52] : memref<10000x128xf32, #tpu.memory_space<vmem_shared>> -> memref<10000x128xf32, #tpu.memory_space<vmem_shared>>
        tpu.wait_indirect_dma semaphore(%run_scoped3A : memref<!tpu.dma_semaphore, #tpu.memory_space<semaphore_mem>>) src(%arg8 : memref<80x128xf32, #tpu.memory_space<vmem>>) dst(%dma_wait3A_53 : memref<10000x128xf32, #tpu.memory_space<vmem_shared>>)
        tpu.yield
      }) : () -> ()
    }
    %scan3A_33 = arith.constant 125 : i32
    %barrier3A_34 = arith.constant 0 : index
    tpu.barrier barrier_id(%barrier3A_34)
    "tpu.region"() ({
      %run_scoped3A = tpu.sem_alloc : memref<!tpu.dma_semaphore, #tpu.memory_space<semaphore_mem>>
      %dma_start3A = arith.constant 0 : i32
      %dma_start3A_40 = tpu.memref_slice %arg5[%arg0, %mul3A_7, %dma_start3A] : memref<2x10000x128xf32, #tpu.memory_space<hbm>> -> memref<1x624x128xf32, #tpu.memory_space<hbm>>
      %dma_start3A_41 = tpu.memref_squeeze %dma_start3A_40 : memref<1x624x128xf32, #tpu.memory_space<hbm>> -> memref<624x128xf32, #tpu.memory_space<hbm>>
      %dma_start3A_42 = arith.constant 0 : i32
      %dma_start3A_43 = tpu.memref_slice %arg9[%mul3A_7, %dma_start3A_42] : memref<10000x128xf32, #tpu.memory_space<vmem_shared>> -> memref<624x128xf32, #tpu.memory_space<vmem_shared>>
      tpu.enqueue_dma source(%dma_start3A_43 : memref<624x128xf32, #tpu.memory_space<vmem_shared>>) target(%dma_start3A_41 : memref<624x128xf32, #tpu.memory_space<hbm>>) target_semaphore(%run_scoped3A : memref<!tpu.dma_semaphore, #tpu.memory_space<semaphore_mem>>)
      %dma_wait3A = arith.constant 0 : i32
      %dma_wait3A_44 = tpu.memref_slice %arg5[%arg0, %mul3A_7, %dma_wait3A] : memref<2x10000x128xf32, #tpu.memory_space<hbm>> -> memref<1x624x128xf32, #tpu.memory_space<hbm>>
      %dma_wait3A_45 = tpu.memref_squeeze %dma_wait3A_44 : memref<1x624x128xf32, #tpu.memory_space<hbm>> -> memref<624x128xf32, #tpu.memory_space<hbm>>
      %dma_wait3A_46 = arith.constant 0 : i32
      %dma_wait3A_47 = tpu.memref_slice %arg9[%mul3A_7, %dma_wait3A_46] : memref<10000x128xf32, #tpu.memory_space<vmem_shared>> -> memref<624x128xf32, #tpu.memory_space<vmem_shared>>
      tpu.wait_dma2 semaphore(%run_scoped3A : memref<!tpu.dma_semaphore, #tpu.memory_space<semaphore_mem>>) src(%dma_wait3A_47 : memref<624x128xf32, #tpu.memory_space<vmem_shared>>) dst(%dma_wait3A_45 : memref<624x128xf32, #tpu.memory_space<hbm>>)
      tpu.yield
    }) : () -> ()
    %eq3A_35 = arith.constant 15 : i32
    %eq3A_36 = arith.cmpi eq, %arg1, %eq3A_35 : i32
    %convert_element_type3A_37 = arith.extui %eq3A_36 : i1 to i32
    %cond3A_38 = arith.constant 0 : i32
    %cond3A_39 = arith.cmpi ne, %convert_element_type3A_37, %cond3A_38 : i32
    scf.if %cond3A_39 {
      "tpu.region"() ({
        %run_scoped3A = tpu.sem_alloc : memref<!tpu.dma_semaphore, #tpu.memory_space<semaphore_mem>>
        %dma_start3A = arith.constant 9984 : i32
        %dma_start3A_40 = arith.constant 0 : i32
        %dma_start3A_41 = tpu.memref_slice %arg5[%arg0, %dma_start3A, %dma_start3A_40] : memref<2x10000x128xf32, #tpu.memory_space<hbm>> -> memref<1x16x128xf32, #tpu.memory_space<hbm>>
        %dma_start3A_42 = tpu.memref_squeeze %dma_start3A_41 : memref<1x16x128xf32, #tpu.memory_space<hbm>> -> memref<16x128xf32, #tpu.memory_space<hbm>>
        %dma_start3A_43 = arith.constant 9984 : i32
        %dma_start3A_44 = arith.constant 0 : i32
        %dma_start3A_45 = tpu.memref_slice %arg9[%dma_start3A_43, %dma_start3A_44] : memref<10000x128xf32, #tpu.memory_space<vmem_shared>> -> memref<16x128xf32, #tpu.memory_space<vmem_shared>>
        tpu.enqueue_dma source(%dma_start3A_45 : memref<16x128xf32, #tpu.memory_space<vmem_shared>>) target(%dma_start3A_42 : memref<16x128xf32, #tpu.memory_space<hbm>>) target_semaphore(%run_scoped3A : memref<!tpu.dma_semaphore, #tpu.memory_space<semaphore_mem>>)
        %dma_wait3A = arith.constant 9984 : i32
        %dma_wait3A_46 = arith.constant 0 : i32
        %dma_wait3A_47 = tpu.memref_slice %arg5[%arg0, %dma_wait3A, %dma_wait3A_46] : memref<2x10000x128xf32, #tpu.memory_space<hbm>> -> memref<1x16x128xf32, #tpu.memory_space<hbm>>
        %dma_wait3A_48 = tpu.memref_squeeze %dma_wait3A_47 : memref<1x16x128xf32, #tpu.memory_space<hbm>> -> memref<16x128xf32, #tpu.memory_space<hbm>>
        %dma_wait3A_49 = arith.constant 9984 : i32
        %dma_wait3A_50 = arith.constant 0 : i32
        %dma_wait3A_51 = tpu.memref_slice %arg9[%dma_wait3A_49, %dma_wait3A_50] : memref<10000x128xf32, #tpu.memory_space<vmem_shared>> -> memref<16x128xf32, #tpu.memory_space<vmem_shared>>
        tpu.wait_dma2 semaphore(%run_scoped3A : memref<!tpu.dma_semaphore, #tpu.memory_space<semaphore_mem>>) src(%dma_wait3A_51 : memref<16x128xf32, #tpu.memory_space<vmem_shared>>) dst(%dma_wait3A_48 : memref<16x128xf32, #tpu.memory_space<hbm>>)
        tpu.yield
      }) : () -> ()
    } else {
    }
    return
  }
}

#map = affine_map<(d0, d1) -> (0, 0)>
#map1 = affine_map<(d0, d1) -> (0)>
#map2 = affine_map<(d0, d1) -> (0, 0, 0)>
module attributes {stable_mosaic.version = 14 : i64} {
  func.func @sc_kernel(%arg0: i32, %arg1: i32, %arg2: memref<10000x128xf32, #tpu.memory_space<hbm>>, %arg3: memref<320000xi32, #tpu.memory_space<hbm>>, %arg4: memref<320000xi32, #tpu.memory_space<hbm>>, %arg5: memref<2x10000x128xf32, #tpu.memory_space<hbm>>, %arg6: memref<80xi32, #tpu.memory_space<vmem>>, %arg7: memref<80xi32, #tpu.memory_space<vmem>>, %arg8: memref<80x128xf32, #tpu.memory_space<vmem>>, %arg9: memref<10000x128xf32, #tpu.memory_space<vmem_shared>>, %arg10: memref<!tpu.dma_semaphore, #tpu.memory_space<semaphore_mem>>) attributes {dimension_semantics = [#tpu.dimension_semantics<core_parallel>, #tpu.dimension_semantics<subcore_parallel>], iteration_bounds = array<i64: 2, 16>, scalar_prefetch = 0 : i64, scratch_operands = 5 : i64, tpu.core_type = #tpu.core_type<sc_vector_subcore>, window_params = [{transform_indices = #map}, {transform_indices = #map1}, {transform_indices = #map1}, {transform_indices = #map2}]} {
    %mul3A = arith.constant 2 : i32
    %mul3A_0 = arith.muli %arg1, %mul3A : i32
    %add3A = arith.addi %mul3A_0, %arg0 : i32
    %scan3A = arith.constant 0 : i32
    %scan3A_1 = arith.constant 0 : i32
    %scan3A_2 = arith.constant 80 : i32
    %scan3A_3 = arith.addi %scan3A_1, %scan3A_2 : i32
    %scan3A_4 = arith.constant 1 : i32
    scf.for %scan3A_40 = %scan3A_1 to %scan3A_3 step %scan3A_4  : i32 {
      %scan3A_41 = arith.constant 0 : i32
      %scan3A_42 = arith.constant 8 : i32
      %scan3A_43 = arith.addi %scan3A_41, %scan3A_42 : i32
      %scan3A_44 = arith.constant 1 : i32
      scf.for %scan3A_46 = %scan3A_41 to %scan3A_43 step %scan3A_44  : i32 {
        %broadcast_in_dim3A = arith.constant 0.000000e+00 : f32
        %broadcast_in_dim3A_47 = vector.broadcast %broadcast_in_dim3A : f32 to vector<16xf32>
        %mul3A_48 = arith.constant 16 : i32
        %mul3A_49 = arith.muli %scan3A_46, %mul3A_48 : i32
        %swap3A = arith.index_cast %scan3A_40 : i32 to index
        %swap3A_50 = arith.index_cast %mul3A_49 : i32 to index
        %swap3A_51 = tpu.vector_load %arg8[%swap3A, %swap3A_50] {strides = array<i32>} : memref<80x128xf32, #tpu.memory_space<vmem>>, vector<1x16xf32>,
        %swap3A_52 = vector.shape_cast %swap3A_51 : vector<1x16xf32> to vector<16xf32>
        %swap3A_53 = vector.shape_cast %broadcast_in_dim3A_47 : vector<16xf32> to vector<1x16xf32>
        tpu.vector_store %arg8[%swap3A, %swap3A_50], %swap3A_53 {strides = array<i32>} : memref<80x128xf32, #tpu.memory_space<vmem>>, vector<1x16xf32>,
      }
      %scan3A_45 = arith.constant 8 : i32
    }
    %scan3A_5 = arith.constant 80 : i32
    %mul3A_6 = arith.constant 624 : i32
    %mul3A_7 = arith.muli %arg1, %mul3A_6 : i32
    %add3A_8 = arith.constant 0 : i32
    %add3A_9 = arith.addi %mul3A_7, %add3A_8 : i32
    "tpu.region"() ({
      %run_scoped3A = tpu.sem_alloc : memref<!tpu.dma_semaphore, #tpu.memory_space<semaphore_mem>>
      %dma_start3A = arith.constant 0 : i32
      %dma_start3A_40 = tpu.memref_slice %arg9[%add3A_9, %dma_start3A] : memref<10000x128xf32, #tpu.memory_space<vmem_shared>> -> memref<80x128xf32, #tpu.memory_space<vmem_shared>>
      %dma_start3A_41 = arith.constant 0 : i32
      %dma_start3A_42 = tpu.memref_slice %arg9[%add3A_9, %dma_start3A_41] : memref<10000x128xf32, #tpu.memory_space<vmem_shared>> -> memref<80x128xf32, #tpu.memory_space<vmem_shared>>
      tpu.enqueue_dma source(%arg8 : memref<80x128xf32, #tpu.memory_space<vmem>>) target(%dma_start3A_42 : memref<80x128xf32, #tpu.memory_space<vmem_shared>>) target_semaphore(%run_scoped3A : memref<!tpu.dma_semaphore, #tpu.memory_space<semaphore_mem>>)
      %dma_wait3A = arith.constant 0 : i32
      %dma_wait3A_43 = tpu.memref_slice %arg9[%add3A_9, %dma_wait3A] : memref<10000x128xf32, #tpu.memory_space<vmem_shared>> -> memref<80x128xf32, #tpu.memory_space<vmem_shared>>
      %dma_wait3A_44 = arith.constant 0 : i32
      %dma_wait3A_45 = tpu.memref_slice %arg9[%add3A_9, %dma_wait3A_44] : memref<10000x128xf32, #tpu.memory_space<vmem_shared>> -> memref<80x128xf32, #tpu.memory_space<vmem_shared>>
      tpu.wait_dma2 semaphore(%run_scoped3A : memref<!tpu.dma_semaphore, #tpu.memory_space<semaphore_mem>>) src(%arg8 : memref<80x128xf32, #tpu.memory_space<vmem>>) dst(%dma_wait3A_45 : memref<80x128xf32, #tpu.memory_space<vmem_shared>>)
      tpu.yield
    }) : () -> ()
    %add3A_10 = arith.constant 80 : i32
    %add3A_11 = arith.addi %mul3A_7, %add3A_10 : i32
    "tpu.region"() ({
      %run_scoped3A = tpu.sem_alloc : memref<!tpu.dma_semaphore, #tpu.memory_space<semaphore_mem>>
      %dma_start3A = arith.constant 0 : i32
      %dma_start3A_40 = tpu.memref_slice %arg9[%add3A_11, %dma_start3A] : memref<10000x128xf32, #tpu.memory_space<vmem_shared>> -> memref<80x128xf32, #tpu.memory_space<vmem_shared>>
      %dma_start3A_41 = arith.constant 0 : i32
      %dma_start3A_42 = tpu.memref_slice %arg9[%add3A_11, %dma_start3A_41] : memref<10000x128xf32, #tpu.memory_space<vmem_shared>> -> memref<80x128xf32, #tpu.memory_space<vmem_shared>>
      tpu.enqueue_dma source(%arg8 : memref<80x128xf32, #tpu.memory_space<vmem>>) target(%dma_start3A_42 : memref<80x128xf32, #tpu.memory_space<vmem_shared>>) target_semaphore(%run_scoped3A : memref<!tpu.dma_semaphore, #tpu.memory_space<semaphore_mem>>)
      %dma_wait3A = arith.constant 0 : i32
      %dma_wait3A_43 = tpu.memref_slice %arg9[%add3A_11, %dma_wait3A] : memref<10000x128xf32, #tpu.memory_space<vmem_shared>> -> memref<80x128xf32, #tpu.memory_space<vmem_shared>>
      %dma_wait3A_44 = arith.constant 0 : i32
      %dma_wait3A_45 = tpu.memref_slice %arg9[%add3A_11, %dma_wait3A_44] : memref<10000x128xf32, #tpu.memory_space<vmem_shared>> -> memref<80x128xf32, #tpu.memory_space<vmem_shared>>
      tpu.wait_dma2 semaphore(%run_scoped3A : memref<!tpu.dma_semaphore, #tpu.memory_space<semaphore_mem>>) src(%arg8 : memref<80x128xf32, #tpu.memory_space<vmem>>) dst(%dma_wait3A_45 : memref<80x128xf32, #tpu.memory_space<vmem_shared>>)
      tpu.yield
    }) : () -> ()
    %add3A_12 = arith.constant 160 : i32
    %add3A_13 = arith.addi %mul3A_7, %add3A_12 : i32
    "tpu.region"() ({
      %run_scoped3A = tpu.sem_alloc : memref<!tpu.dma_semaphore, #tpu.memory_space<semaphore_mem>>
      %dma_start3A = arith.constant 0 : i32
      %dma_start3A_40 = tpu.memref_slice %arg9[%add3A_13, %dma_start3A] : memref<10000x128xf32, #tpu.memory_space<vmem_shared>> -> memref<80x128xf32, #tpu.memory_space<vmem_shared>>
      %dma_start3A_41 = arith.constant 0 : i32
      %dma_start3A_42 = tpu.memref_slice %arg9[%add3A_13, %dma_start3A_41] : memref<10000x128xf32, #tpu.memory_space<vmem_shared>> -> memref<80x128xf32, #tpu.memory_space<vmem_shared>>
      tpu.enqueue_dma source(%arg8 : memref<80x128xf32, #tpu.memory_space<vmem>>) target(%dma_start3A_42 : memref<80x128xf32, #tpu.memory_space<vmem_shared>>) target_semaphore(%run_scoped3A : memref<!tpu.dma_semaphore, #tpu.memory_space<semaphore_mem>>)
      %dma_wait3A = arith.constant 0 : i32
      %dma_wait3A_43 = tpu.memref_slice %arg9[%add3A_13, %dma_wait3A] : memref<10000x128xf32, #tpu.memory_space<vmem_shared>> -> memref<80x128xf32, #tpu.memory_space<vmem_shared>>
      %dma_wait3A_44 = arith.constant 0 : i32
      %dma_wait3A_45 = tpu.memref_slice %arg9[%add3A_13, %dma_wait3A_44] : memref<10000x128xf32, #tpu.memory_space<vmem_shared>> -> memref<80x128xf32, #tpu.memory_space<vmem_shared>>
      tpu.wait_dma2 semaphore(%run_scoped3A : memref<!tpu.dma_semaphore, #tpu.memory_space<semaphore_mem>>) src(%arg8 : memref<80x128xf32, #tpu.memory_space<vmem>>) dst(%dma_wait3A_45 : memref<80x128xf32, #tpu.memory_space<vmem_shared>>)
      tpu.yield
    }) : () -> ()
    %add3A_14 = arith.constant 240 : i32
    %add3A_15 = arith.addi %mul3A_7, %add3A_14 : i32
    "tpu.region"() ({
      %run_scoped3A = tpu.sem_alloc : memref<!tpu.dma_semaphore, #tpu.memory_space<semaphore_mem>>
      %dma_start3A = arith.constant 0 : i32
      %dma_start3A_40 = tpu.memref_slice %arg9[%add3A_15, %dma_start3A] : memref<10000x128xf32, #tpu.memory_space<vmem_shared>> -> memref<80x128xf32, #tpu.memory_space<vmem_shared>>
      %dma_start3A_41 = arith.constant 0 : i32
      %dma_start3A_42 = tpu.memref_slice %arg9[%add3A_15, %dma_start3A_41] : memref<10000x128xf32, #tpu.memory_space<vmem_shared>> -> memref<80x128xf32, #tpu.memory_space<vmem_shared>>
      tpu.enqueue_dma source(%arg8 : memref<80x128xf32, #tpu.memory_space<vmem>>) target(%dma_start3A_42 : memref<80x128xf32, #tpu.memory_space<vmem_shared>>) target_semaphore(%run_scoped3A : memref<!tpu.dma_semaphore, #tpu.memory_space<semaphore_mem>>)
      %dma_wait3A = arith.constant 0 : i32
      %dma_wait3A_43 = tpu.memref_slice %arg9[%add3A_15, %dma_wait3A] : memref<10000x128xf32, #tpu.memory_space<vmem_shared>> -> memref<80x128xf32, #tpu.memory_space<vmem_shared>>
      %dma_wait3A_44 = arith.constant 0 : i32
      %dma_wait3A_45 = tpu.memref_slice %arg9[%add3A_15, %dma_wait3A_44] : memref<10000x128xf32, #tpu.memory_space<vmem_shared>> -> memref<80x128xf32, #tpu.memory_space<vmem_shared>>
      tpu.wait_dma2 semaphore(%run_scoped3A : memref<!tpu.dma_semaphore, #tpu.memory_space<semaphore_mem>>) src(%arg8 : memref<80x128xf32, #tpu.memory_space<vmem>>) dst(%dma_wait3A_45 : memref<80x128xf32, #tpu.memory_space<vmem_shared>>)
      tpu.yield
    }) : () -> ()
    %add3A_16 = arith.constant 320 : i32
    %add3A_17 = arith.addi %mul3A_7, %add3A_16 : i32
    "tpu.region"() ({
      %run_scoped3A = tpu.sem_alloc : memref<!tpu.dma_semaphore, #tpu.memory_space<semaphore_mem>>
      %dma_start3A = arith.constant 0 : i32
      %dma_start3A_40 = tpu.memref_slice %arg9[%add3A_17, %dma_start3A] : memref<10000x128xf32, #tpu.memory_space<vmem_shared>> -> memref<80x128xf32, #tpu.memory_space<vmem_shared>>
      %dma_start3A_41 = arith.constant 0 : i32
      %dma_start3A_42 = tpu.memref_slice %arg9[%add3A_17, %dma_start3A_41] : memref<10000x128xf32, #tpu.memory_space<vmem_shared>> -> memref<80x128xf32, #tpu.memory_space<vmem_shared>>
      tpu.enqueue_dma source(%arg8 : memref<80x128xf32, #tpu.memory_space<vmem>>) target(%dma_start3A_42 : memref<80x128xf32, #tpu.memory_space<vmem_shared>>) target_semaphore(%run_scoped3A : memref<!tpu.dma_semaphore, #tpu.memory_space<semaphore_mem>>)
      %dma_wait3A = arith.constant 0 : i32
      %dma_wait3A_43 = tpu.memref_slice %arg9[%add3A_17, %dma_wait3A] : memref<10000x128xf32, #tpu.memory_space<vmem_shared>> -> memref<80x128xf32, #tpu.memory_space<vmem_shared>>
      %dma_wait3A_44 = arith.constant 0 : i32
      %dma_wait3A_45 = tpu.memref_slice %arg9[%add3A_17, %dma_wait3A_44] : memref<10000x128xf32, #tpu.memory_space<vmem_shared>> -> memref<80x128xf32, #tpu.memory_space<vmem_shared>>
      tpu.wait_dma2 semaphore(%run_scoped3A : memref<!tpu.dma_semaphore, #tpu.memory_space<semaphore_mem>>) src(%arg8 : memref<80x128xf32, #tpu.memory_space<vmem>>) dst(%dma_wait3A_45 : memref<80x128xf32, #tpu.memory_space<vmem_shared>>)
      tpu.yield
    }) : () -> ()
    %add3A_18 = arith.constant 400 : i32
    %add3A_19 = arith.addi %mul3A_7, %add3A_18 : i32
    "tpu.region"() ({
      %run_scoped3A = tpu.sem_alloc : memref<!tpu.dma_semaphore, #tpu.memory_space<semaphore_mem>>
      %dma_start3A = arith.constant 0 : i32
      %dma_start3A_40 = tpu.memref_slice %arg9[%add3A_19, %dma_start3A] : memref<10000x128xf32, #tpu.memory_space<vmem_shared>> -> memref<80x128xf32, #tpu.memory_space<vmem_shared>>
      %dma_start3A_41 = arith.constant 0 : i32
      %dma_start3A_42 = tpu.memref_slice %arg9[%add3A_19, %dma_start3A_41] : memref<10000x128xf32, #tpu.memory_space<vmem_shared>> -> memref<80x128xf32, #tpu.memory_space<vmem_shared>>
      tpu.enqueue_dma source(%arg8 : memref<80x128xf32, #tpu.memory_space<vmem>>) target(%dma_start3A_42 : memref<80x128xf32, #tpu.memory_space<vmem_shared>>) target_semaphore(%run_scoped3A : memref<!tpu.dma_semaphore, #tpu.memory_space<semaphore_mem>>)
      %dma_wait3A = arith.constant 0 : i32
      %dma_wait3A_43 = tpu.memref_slice %arg9[%add3A_19, %dma_wait3A] : memref<10000x128xf32, #tpu.memory_space<vmem_shared>> -> memref<80x128xf32, #tpu.memory_space<vmem_shared>>
      %dma_wait3A_44 = arith.constant 0 : i32
      %dma_wait3A_45 = tpu.memref_slice %arg9[%add3A_19, %dma_wait3A_44] : memref<10000x128xf32, #tpu.memory_space<vmem_shared>> -> memref<80x128xf32, #tpu.memory_space<vmem_shared>>
      tpu.wait_dma2 semaphore(%run_scoped3A : memref<!tpu.dma_semaphore, #tpu.memory_space<semaphore_mem>>) src(%arg8 : memref<80x128xf32, #tpu.memory_space<vmem>>) dst(%dma_wait3A_45 : memref<80x128xf32, #tpu.memory_space<vmem_shared>>)
      tpu.yield
    }) : () -> ()
    %add3A_20 = arith.constant 480 : i32
    %add3A_21 = arith.addi %mul3A_7, %add3A_20 : i32
    "tpu.region"() ({
      %run_scoped3A = tpu.sem_alloc : memref<!tpu.dma_semaphore, #tpu.memory_space<semaphore_mem>>
      %dma_start3A = arith.constant 0 : i32
      %dma_start3A_40 = tpu.memref_slice %arg9[%add3A_21, %dma_start3A] : memref<10000x128xf32, #tpu.memory_space<vmem_shared>> -> memref<80x128xf32, #tpu.memory_space<vmem_shared>>
      %dma_start3A_41 = arith.constant 0 : i32
      %dma_start3A_42 = tpu.memref_slice %arg9[%add3A_21, %dma_start3A_41] : memref<10000x128xf32, #tpu.memory_space<vmem_shared>> -> memref<80x128xf32, #tpu.memory_space<vmem_shared>>
      tpu.enqueue_dma source(%arg8 : memref<80x128xf32, #tpu.memory_space<vmem>>) target(%dma_start3A_42 : memref<80x128xf32, #tpu.memory_space<vmem_shared>>) target_semaphore(%run_scoped3A : memref<!tpu.dma_semaphore, #tpu.memory_space<semaphore_mem>>)
      %dma_wait3A = arith.constant 0 : i32
      %dma_wait3A_43 = tpu.memref_slice %arg9[%add3A_21, %dma_wait3A] : memref<10000x128xf32, #tpu.memory_space<vmem_shared>> -> memref<80x128xf32, #tpu.memory_space<vmem_shared>>
      %dma_wait3A_44 = arith.constant 0 : i32
      %dma_wait3A_45 = tpu.memref_slice %arg9[%add3A_21, %dma_wait3A_44] : memref<10000x128xf32, #tpu.memory_space<vmem_shared>> -> memref<80x128xf32, #tpu.memory_space<vmem_shared>>
      tpu.wait_dma2 semaphore(%run_scoped3A : memref<!tpu.dma_semaphore, #tpu.memory_space<semaphore_mem>>) src(%arg8 : memref<80x128xf32, #tpu.memory_space<vmem>>) dst(%dma_wait3A_45 : memref<80x128xf32, #tpu.memory_space<vmem_shared>>)
      tpu.yield
    }) : () -> ()
    %add3A_22 = arith.constant 560 : i32
    %add3A_23 = arith.addi %mul3A_7, %add3A_22 : i32
    "tpu.region"() ({
      %run_scoped3A = tpu.sem_alloc : memref<!tpu.dma_semaphore, #tpu.memory_space<semaphore_mem>>
      %dma_start3A = arith.constant 0 : i32
      %dma_start3A_40 = arith.constant 0 : i32
      %dma_start3A_41 = tpu.memref_slice %arg8[%dma_start3A, %dma_start3A_40] : memref<80x128xf32, #tpu.memory_space<vmem>> -> memref<64x128xf32, #tpu.memory_space<vmem>>
      %dma_start3A_42 = arith.constant 0 : i32
      %dma_start3A_43 = tpu.memref_slice %arg9[%add3A_23, %dma_start3A_42] : memref<10000x128xf32, #tpu.memory_space<vmem_shared>> -> memref<64x128xf32, #tpu.memory_space<vmem_shared>>
      %dma_start3A_44 = arith.constant 0 : i32
      %dma_start3A_45 = tpu.memref_slice %arg9[%add3A_23, %dma_start3A_44] : memref<10000x128xf32, #tpu.memory_space<vmem_shared>> -> memref<64x128xf32, #tpu.memory_space<vmem_shared>>
      %dma_start3A_46 = arith.constant 0 : i32
      %dma_start3A_47 = arith.constant 0 : i32
      %dma_start3A_48 = tpu.memref_slice %arg8[%dma_start3A_46, %dma_start3A_47] : memref<80x128xf32, #tpu.memory_space<vmem>> -> memref<64x128xf32, #tpu.memory_space<vmem>>
      tpu.enqueue_dma source(%dma_start3A_48 : memref<64x128xf32, #tpu.memory_space<vmem>>) target(%dma_start3A_45 : memref<64x128xf32, #tpu.memory_space<vmem_shared>>) target_semaphore(%run_scoped3A : memref<!tpu.dma_semaphore, #tpu.memory_space<semaphore_mem>>)
      %dma_wait3A = arith.constant 0 : i32
      %dma_wait3A_49 = arith.constant 0 : i32
      %dma_wait3A_50 = tpu.memref_slice %arg8[%dma_wait3A, %dma_wait3A_49] : memref<80x128xf32, #tpu.memory_space<vmem>> -> memref<64x128xf32, #tpu.memory_space<vmem>>
      %dma_wait3A_51 = arith.constant 0 : i32
      %dma_wait3A_52 = tpu.memref_slice %arg9[%add3A_23, %dma_wait3A_51] : memref<10000x128xf32, #tpu.memory_space<vmem_shared>> -> memref<64x128xf32, #tpu.memory_space<vmem_shared>>
      %dma_wait3A_53 = arith.constant 0 : i32
      %dma_wait3A_54 = tpu.memref_slice %arg9[%add3A_23, %dma_wait3A_53] : memref<10000x128xf32, #tpu.memory_space<vmem_shared>> -> memref<64x128xf32, #tpu.memory_space<vmem_shared>>
      %dma_wait3A_55 = arith.constant 0 : i32
      %dma_wait3A_56 = arith.constant 0 : i32
      %dma_wait3A_57 = tpu.memref_slice %arg8[%dma_wait3A_55, %dma_wait3A_56] : memref<80x128xf32, #tpu.memory_space<vmem>> -> memref<64x128xf32, #tpu.memory_space<vmem>>
      tpu.wait_dma2 semaphore(%run_scoped3A : memref<!tpu.dma_semaphore, #tpu.memory_space<semaphore_mem>>) src(%dma_wait3A_57 : memref<64x128xf32, #tpu.memory_space<vmem>>) dst(%dma_wait3A_54 : memref<64x128xf32, #tpu.memory_space<vmem_shared>>)
      tpu.yield
    }) : () -> ()
    %eq3A = arith.constant 15 : i32
    %eq3A_24 = arith.cmpi eq, %arg1, %eq3A : i32
    %convert_element_type3A = arith.extui %eq3A_24 : i1 to i32
    %cond3A = arith.constant 0 : i32
    %cond3A_25 = arith.cmpi ne, %convert_element_type3A, %cond3A : i32
    scf.if %cond3A_25 {
      "tpu.region"() ({
        %run_scoped3A = tpu.sem_alloc : memref<!tpu.dma_semaphore, #tpu.memory_space<semaphore_mem>>
        %dma_start3A = arith.constant 0 : i32
        %dma_start3A_40 = arith.constant 0 : i32
        %dma_start3A_41 = tpu.memref_slice %arg8[%dma_start3A, %dma_start3A_40] : memref<80x128xf32, #tpu.memory_space<vmem>> -> memref<16x128xf32, #tpu.memory_space<vmem>>
        %dma_start3A_42 = arith.constant 9984 : i32
        %dma_start3A_43 = arith.constant 0 : i32
        %dma_start3A_44 = tpu.memref_slice %arg9[%dma_start3A_42, %dma_start3A_43] : memref<10000x128xf32, #tpu.memory_space<vmem_shared>> -> memref<16x128xf32, #tpu.memory_space<vmem_shared>>
        %dma_start3A_45 = arith.constant 9984 : i32
        %dma_start3A_46 = arith.constant 0 : i32
        %dma_start3A_47 = tpu.memref_slice %arg9[%dma_start3A_45, %dma_start3A_46] : memref<10000x128xf32, #tpu.memory_space<vmem_shared>> -> memref<16x128xf32, #tpu.memory_space<vmem_shared>>
        %dma_start3A_48 = arith.constant 0 : i32
        %dma_start3A_49 = arith.constant 0 : i32
        %dma_start3A_50 = tpu.memref_slice %arg8[%dma_start3A_48, %dma_start3A_49] : memref<80x128xf32, #tpu.memory_space<vmem>> -> memref<16x128xf32, #tpu.memory_space<vmem>>
        tpu.enqueue_dma source(%dma_start3A_50 : memref<16x128xf32, #tpu.memory_space<vmem>>) target(%dma_start3A_47 : memref<16x128xf32, #tpu.memory_space<vmem_shared>>) target_semaphore(%run_scoped3A : memref<!tpu.dma_semaphore, #tpu.memory_space<semaphore_mem>>)
        %dma_wait3A = arith.constant 0 : i32
        %dma_wait3A_51 = arith.constant 0 : i32
        %dma_wait3A_52 = tpu.memref_slice %arg8[%dma_wait3A, %dma_wait3A_51] : memref<80x128xf32, #tpu.memory_space<vmem>> -> memref<16x128xf32, #tpu.memory_space<vmem>>
        %dma_wait3A_53 = arith.constant 9984 : i32
        %dma_wait3A_54 = arith.constant 0 : i32
        %dma_wait3A_55 = tpu.memref_slice %arg9[%dma_wait3A_53, %dma_wait3A_54] : memref<10000x128xf32, #tpu.memory_space<vmem_shared>> -> memref<16x128xf32, #tpu.memory_space<vmem_shared>>
        %dma_wait3A_56 = arith.constant 9984 : i32
        %dma_wait3A_57 = arith.constant 0 : i32
        %dma_wait3A_58 = tpu.memref_slice %arg9[%dma_wait3A_56, %dma_wait3A_57] : memref<10000x128xf32, #tpu.memory_space<vmem_shared>> -> memref<16x128xf32, #tpu.memory_space<vmem_shared>>
        %dma_wait3A_59 = arith.constant 0 : i32
        %dma_wait3A_60 = arith.constant 0 : i32
        %dma_wait3A_61 = tpu.memref_slice %arg8[%dma_wait3A_59, %dma_wait3A_60] : memref<80x128xf32, #tpu.memory_space<vmem>> -> memref<16x128xf32, #tpu.memory_space<vmem>>
        tpu.wait_dma2 semaphore(%run_scoped3A : memref<!tpu.dma_semaphore, #tpu.memory_space<semaphore_mem>>) src(%dma_wait3A_61 : memref<16x128xf32, #tpu.memory_space<vmem>>) dst(%dma_wait3A_58 : memref<16x128xf32, #tpu.memory_space<vmem_shared>>)
        tpu.yield
      }) : () -> ()
    } else {
    }
    %barrier3A = arith.constant 0 : index
    tpu.barrier barrier_id(%barrier3A)
    %mul3A_26 = arith.constant 10000 : i32
    %mul3A_27 = arith.muli %add3A, %mul3A_26 : i32
    %scan3A_28 = arith.constant 0 : i32
    %scan3A_29 = arith.constant 0 : i32
    %scan3A_30 = arith.constant 125 : i32
    %scan3A_31 = arith.addi %scan3A_29, %scan3A_30 : i32
    %scan3A_32 = arith.constant 1 : i32
    scf.for %scan3A_40 = %scan3A_29 to %scan3A_31 step %scan3A_32  : i32 {
      %mul3A_41 = arith.constant 80 : i32
      %mul3A_42 = arith.muli %scan3A_40, %mul3A_41 : i32
      %add3A_43 = arith.addi %mul3A_27, %mul3A_42 : i32
      "tpu.region"() ({
        %run_scoped3A = tpu.sem_alloc : memref<!tpu.dma_semaphore, #tpu.memory_space<semaphore_mem>>
        %dma_start3A_48 = tpu.memref_slice %arg3[%add3A_43] : memref<320000xi32, #tpu.memory_space<hbm>> -> memref<80xi32, #tpu.memory_space<hbm>>
        %dma_start3A_49 = tpu.memref_slice %arg3[%add3A_43] : memref<320000xi32, #tpu.memory_space<hbm>> -> memref<80xi32, #tpu.memory_space<hbm>>
        tpu.enqueue_dma source(%dma_start3A_49 : memref<80xi32, #tpu.memory_space<hbm>>) target(%arg6 : memref<80xi32, #tpu.memory_space<vmem>>) target_semaphore(%run_scoped3A : memref<!tpu.dma_semaphore, #tpu.memory_space<semaphore_mem>>)
        %dma_wait3A_50 = tpu.memref_slice %arg3[%add3A_43] : memref<320000xi32, #tpu.memory_space<hbm>> -> memref<80xi32, #tpu.memory_space<hbm>>
        %dma_wait3A_51 = tpu.memref_slice %arg3[%add3A_43] : memref<320000xi32, #tpu.memory_space<hbm>> -> memref<80xi32, #tpu.memory_space<hbm>>
        tpu.wait_dma2 semaphore(%run_scoped3A : memref<!tpu.dma_semaphore, #tpu.memory_space<semaphore_mem>>) src(%dma_wait3A_51 : memref<80xi32, #tpu.memory_space<hbm>>) dst(%arg6 : memref<80xi32, #tpu.memory_space<vmem>>)
        tpu.yield
      }) : () -> ()
      "tpu.region"() ({
        %run_scoped3A = tpu.sem_alloc : memref<!tpu.dma_semaphore, #tpu.memory_space<semaphore_mem>>
        %dma_start3A_48 = tpu.memref_slice %arg4[%add3A_43] : memref<320000xi32, #tpu.memory_space<hbm>> -> memref<80xi32, #tpu.memory_space<hbm>>
        %dma_start3A_49 = tpu.memref_slice %arg4[%add3A_43] : memref<320000xi32, #tpu.memory_space<hbm>> -> memref<80xi32, #tpu.memory_space<hbm>>
        tpu.enqueue_dma source(%dma_start3A_49 : memref<80xi32, #tpu.memory_space<hbm>>) target(%arg7 : memref<80xi32, #tpu.memory_space<vmem>>) target_semaphore(%run_scoped3A : memref<!tpu.dma_semaphore, #tpu.memory_space<semaphore_mem>>)
        %dma_wait3A_50 = tpu.memref_slice %arg4[%add3A_43] : memref<320000xi32, #tpu.memory_space<hbm>> -> memref<80xi32, #tpu.memory_space<hbm>>
        %dma_wait3A_51 = tpu.memref_slice %arg4[%add3A_43] : memref<320000xi32, #tpu.memory_space<hbm>> -> memref<80xi32, #tpu.memory_space<hbm>>
        tpu.wait_dma2 semaphore(%run_scoped3A : memref<!tpu.dma_semaphore, #tpu.memory_space<semaphore_mem>>) src(%dma_wait3A_51 : memref<80xi32, #tpu.memory_space<hbm>>) dst(%arg7 : memref<80xi32, #tpu.memory_space<vmem>>)
        tpu.yield
      }) : () -> ()
      %dma_start3A = arith.constant 0 : i32
      %dma_start3A_44 = arith.constant 0 : i32
      %dma_start3A_45 = tpu.memref_slice %arg2[%dma_start3A, %dma_start3A_44] : memref<10000x128xf32, #tpu.memory_space<hbm>> -> memref<10000x128xf32, #tpu.memory_space<hbm>>
      tpu.enqueue_indirect_dma source(%dma_start3A_45 : memref<10000x128xf32, #tpu.memory_space<hbm>>) target(%arg8 : memref<80x128xf32, #tpu.memory_space<vmem>>) offsets(%arg6 : memref<80xi32, #tpu.memory_space<vmem>>) semaphore(%arg10 : memref<!tpu.dma_semaphore, #tpu.memory_space<semaphore_mem>>)
      %dma_wait3A = arith.constant 0 : i32
      %dma_wait3A_46 = arith.constant 0 : i32
      %dma_wait3A_47 = tpu.memref_slice %arg2[%dma_wait3A, %dma_wait3A_46] : memref<10000x128xf32, #tpu.memory_space<hbm>> -> memref<10000x128xf32, #tpu.memory_space<hbm>>
      tpu.wait_indirect_dma semaphore(%arg10 : memref<!tpu.dma_semaphore, #tpu.memory_space<semaphore_mem>>) src(%dma_wait3A_47 : memref<10000x128xf32, #tpu.memory_space<hbm>>) dst(%arg8 : memref<80x128xf32, #tpu.memory_space<vmem>>)
      "tpu.region"() ({
        %run_scoped3A = tpu.sem_alloc : memref<!tpu.dma_semaphore, #tpu.memory_space<semaphore_mem>>
        %dma_start3A_48 = arith.constant 0 : i32
        %dma_start3A_49 = arith.constant 0 : i32
        %dma_start3A_50 = tpu.memref_slice %arg9[%dma_start3A_48, %dma_start3A_49] : memref<10000x128xf32, #tpu.memory_space<vmem_shared>> -> memref<10000x128xf32, #tpu.memory_space<vmem_shared>>
        tpu.enqueue_indirect_dma source(%arg8 : memref<80x128xf32, #tpu.memory_space<vmem>>) target(%dma_start3A_50 : memref<10000x128xf32, #tpu.memory_space<vmem_shared>>) offsets(%arg7 : memref<80xi32, #tpu.memory_space<vmem>>) semaphore(%run_scoped3A : memref<!tpu.dma_semaphore, #tpu.memory_space<semaphore_mem>>) {add = true}
        %dma_wait3A_51 = arith.constant 0 : i32
        %dma_wait3A_52 = arith.constant 0 : i32
        %dma_wait3A_53 = tpu.memref_slice %arg9[%dma_wait3A_51, %dma_wait3A_52] : memref<10000x128xf32, #tpu.memory_space<vmem_shared>> -> memref<10000x128xf32, #tpu.memory_space<vmem_shared>>
        tpu.wait_indirect_dma semaphore(%run_scoped3A : memref<!tpu.dma_semaphore, #tpu.memory_space<semaphore_mem>>) src(%arg8 : memref<80x128xf32, #tpu.memory_space<vmem>>) dst(%dma_wait3A_53 : memref<10000x128xf32, #tpu.memory_space<vmem_shared>>)
        tpu.yield
      }) : () -> ()
    }
    %scan3A_33 = arith.constant 125 : i32
    %barrier3A_34 = arith.constant 0 : index
    tpu.barrier barrier_id(%barrier3A_34)
    "tpu.region"() ({
      %run_scoped3A = tpu.sem_alloc : memref<!tpu.dma_semaphore, #tpu.memory_space<semaphore_mem>>
      %dma_start3A = arith.constant 0 : i32
      %dma_start3A_40 = tpu.memref_slice %arg5[%arg0, %mul3A_7, %dma_start3A] : memref<2x10000x128xf32, #tpu.memory_space<hbm>> -> memref<1x624x128xf32, #tpu.memory_space<hbm>>
      %dma_start3A_41 = tpu.memref_squeeze %dma_start3A_40 : memref<1x624x128xf32, #tpu.memory_space<hbm>> -> memref<624x128xf32, #tpu.memory_space<hbm>>
      %dma_start3A_42 = arith.constant 0 : i32
      %dma_start3A_43 = tpu.memref_slice %arg9[%mul3A_7, %dma_start3A_42] : memref<10000x128xf32, #tpu.memory_space<vmem_shared>> -> memref<624x128xf32, #tpu.memory_space<vmem_shared>>
      tpu.enqueue_dma source(%dma_start3A_43 : memref<624x128xf32, #tpu.memory_space<vmem_shared>>) target(%dma_start3A_41 : memref<624x128xf32, #tpu.memory_space<hbm>>) target_semaphore(%run_scoped3A : memref<!tpu.dma_semaphore, #tpu.memory_space<semaphore_mem>>)
      %dma_wait3A = arith.constant 0 : i32
      %dma_wait3A_44 = tpu.memref_slice %arg5[%arg0, %mul3A_7, %dma_wait3A] : memref<2x10000x128xf32, #tpu.memory_space<hbm>> -> memref<1x624x128xf32, #tpu.memory_space<hbm>>
      %dma_wait3A_45 = tpu.memref_squeeze %dma_wait3A_44 : memref<1x624x128xf32, #tpu.memory_space<hbm>> -> memref<624x128xf32, #tpu.memory_space<hbm>>
      %dma_wait3A_46 = arith.constant 0 : i32
      %dma_wait3A_47 = tpu.memref_slice %arg9[%mul3A_7, %dma_wait3A_46] : memref<10000x128xf32, #tpu.memory_space<vmem_shared>> -> memref<624x128xf32, #tpu.memory_space<vmem_shared>>
      tpu.wait_dma2 semaphore(%run_scoped3A : memref<!tpu.dma_semaphore, #tpu.memory_space<semaphore_mem>>) src(%dma_wait3A_47 : memref<624x128xf32, #tpu.memory_space<vmem_shared>>) dst(%dma_wait3A_45 : memref<624x128xf32, #tpu.memory_space<hbm>>)
      tpu.yield
    }) : () -> ()
    %eq3A_35 = arith.constant 15 : i32
    %eq3A_36 = arith.cmpi eq, %arg1, %eq3A_35 : i32
    %convert_element_type3A_37 = arith.extui %eq3A_36 : i1 to i32
    %cond3A_38 = arith.constant 0 : i32
    %cond3A_39 = arith.cmpi ne, %convert_element_type3A_37, %cond3A_38 : i32
    scf.if %cond3A_39 {
      "tpu.region"() ({
        %run_scoped3A = tpu.sem_alloc : memref<!tpu.dma_semaphore, #tpu.memory_space<semaphore_mem>>
        %dma_start3A = arith.constant 9984 : i32
        %dma_start3A_40 = arith.constant 0 : i32
        %dma_start3A_41 = tpu.memref_slice %arg5[%arg0, %dma_start3A, %dma_start3A_40] : memref<2x10000x128xf32, #tpu.memory_space<hbm>> -> memref<1x16x128xf32, #tpu.memory_space<hbm>>
        %dma_start3A_42 = tpu.memref_squeeze %dma_start3A_41 : memref<1x16x128xf32, #tpu.memory_space<hbm>> -> memref<16x128xf32, #tpu.memory_space<hbm>>
        %dma_start3A_43 = arith.constant 9984 : i32
        %dma_start3A_44 = arith.constant 0 : i32
        %dma_start3A_45 = tpu.memref_slice %arg9[%dma_start3A_43, %dma_start3A_44] : memref<10000x128xf32, #tpu.memory_space<vmem_shared>> -> memref<16x128xf32, #tpu.memory_space<vmem_shared>>
        tpu.enqueue_dma source(%dma_start3A_45 : memref<16x128xf32, #tpu.memory_space<vmem_shared>>) target(%dma_start3A_42 : memref<16x128xf32, #tpu.memory_space<hbm>>) target_semaphore(%run_scoped3A : memref<!tpu.dma_semaphore, #tpu.memory_space<semaphore_mem>>)
        %dma_wait3A = arith.constant 9984 : i32
        %dma_wait3A_46 = arith.constant 0 : i32
        %dma_wait3A_47 = tpu.memref_slice %arg5[%arg0, %dma_wait3A, %dma_wait3A_46] : memref<2x10000x128xf32, #tpu.memory_space<hbm>> -> memref<1x16x128xf32, #tpu.memory_space<hbm>>
        %dma_wait3A_48 = tpu.memref_squeeze %dma_wait3A_47 : memref<1x16x128xf32, #tpu.memory_space<hbm>> -> memref<16x128xf32, #tpu.memory_space<hbm>>
        %dma_wait3A_49 = arith.constant 9984 : i32
        %dma_wait3A_50 = arith.constant 0 : i32
        %dma_wait3A_51 = tpu.memref_slice %arg9[%dma_wait3A_49, %dma_wait3A_50] : memref<10000x128xf32, #tpu.memory_space<vmem_shared>> -> memref<16x128xf32, #tpu.memory_space<vmem_shared>>
        tpu.wait_dma2 semaphore(%run_scoped3A : memref<!tpu.dma_semaphore, #tpu.memory_space<semaphore_mem>>) src(%dma_wait3A_51 : memref<16x128xf32, #tpu.memory_space<vmem_shared>>) dst(%dma_wait3A_48 : memref<16x128xf32, #tpu.memory_space<hbm>>)
        tpu.yield
      }) : () -> ()
    } else {
    }
    return
  }
}

#map = affine_map<(d0, d1) -> (0, 0)>
#map1 = affine_map<(d0, d1) -> (0)>
#map2 = affine_map<(d0, d1) -> (0, 0, 0)>
module attributes {stable_mosaic.version = 14 : i64} {
  func.func @sc_kernel(%arg0: i32, %arg1: i32, %arg2: memref<10000x128xf32, #tpu.memory_space<hbm>>, %arg3: memref<320000xi32, #tpu.memory_space<hbm>>, %arg4: memref<320000xi32, #tpu.memory_space<hbm>>, %arg5: memref<2x10000x128xf32, #tpu.memory_space<hbm>>, %arg6: memref<80xi32, #tpu.memory_space<vmem>>, %arg7: memref<80xi32, #tpu.memory_space<vmem>>, %arg8: memref<80x128xf32, #tpu.memory_space<vmem>>, %arg9: memref<10000x128xf32, #tpu.memory_space<vmem_shared>>, %arg10: memref<!tpu.dma_semaphore, #tpu.memory_space<semaphore_mem>>) attributes {dimension_semantics = [#tpu.dimension_semantics<core_parallel>, #tpu.dimension_semantics<subcore_parallel>], iteration_bounds = array<i64: 2, 16>, scalar_prefetch = 0 : i64, scratch_operands = 5 : i64, tpu.core_type = #tpu.core_type<sc_vector_subcore>, window_params = [{transform_indices = #map}, {transform_indices = #map1}, {transform_indices = #map1}, {transform_indices = #map2}]} {
    %mul3A = arith.constant 2 : i32
    %mul3A_0 = arith.muli %arg1, %mul3A : i32
    %add3A = arith.addi %mul3A_0, %arg0 : i32
    %scan3A = arith.constant 0 : i32
    %scan3A_1 = arith.constant 0 : i32
    %scan3A_2 = arith.constant 80 : i32
    %scan3A_3 = arith.addi %scan3A_1, %scan3A_2 : i32
    %scan3A_4 = arith.constant 1 : i32
    scf.for %scan3A_40 = %scan3A_1 to %scan3A_3 step %scan3A_4  : i32 {
      %scan3A_41 = arith.constant 0 : i32
      %scan3A_42 = arith.constant 8 : i32
      %scan3A_43 = arith.addi %scan3A_41, %scan3A_42 : i32
      %scan3A_44 = arith.constant 1 : i32
      scf.for %scan3A_46 = %scan3A_41 to %scan3A_43 step %scan3A_44  : i32 {
        %broadcast_in_dim3A = arith.constant 0.000000e+00 : f32
        %broadcast_in_dim3A_47 = vector.broadcast %broadcast_in_dim3A : f32 to vector<16xf32>
        %mul3A_48 = arith.constant 16 : i32
        %mul3A_49 = arith.muli %scan3A_46, %mul3A_48 : i32
        %swap3A = arith.index_cast %scan3A_40 : i32 to index
        %swap3A_50 = arith.index_cast %mul3A_49 : i32 to index
        %swap3A_51 = tpu.vector_load %arg8[%swap3A, %swap3A_50] {strides = array<i32>} : memref<80x128xf32, #tpu.memory_space<vmem>>, vector<1x16xf32>,
        %swap3A_52 = vector.shape_cast %swap3A_51 : vector<1x16xf32> to vector<16xf32>
        %swap3A_53 = vector.shape_cast %broadcast_in_dim3A_47 : vector<16xf32> to vector<1x16xf32>
        tpu.vector_store %arg8[%swap3A, %swap3A_50], %swap3A_53 {strides = array<i32>} : memref<80x128xf32, #tpu.memory_space<vmem>>, vector<1x16xf32>,
      }
      %scan3A_45 = arith.constant 8 : i32
    }
    %scan3A_5 = arith.constant 80 : i32
    %mul3A_6 = arith.constant 624 : i32
    %mul3A_7 = arith.muli %arg1, %mul3A_6 : i32
    %add3A_8 = arith.constant 0 : i32
    %add3A_9 = arith.addi %mul3A_7, %add3A_8 : i32
    "tpu.region"() ({
      %run_scoped3A = tpu.sem_alloc : memref<!tpu.dma_semaphore, #tpu.memory_space<semaphore_mem>>
      %dma_start3A = arith.constant 0 : i32
      %dma_start3A_40 = tpu.memref_slice %arg9[%add3A_9, %dma_start3A] : memref<10000x128xf32, #tpu.memory_space<vmem_shared>> -> memref<80x128xf32, #tpu.memory_space<vmem_shared>>
      %dma_start3A_41 = arith.constant 0 : i32
      %dma_start3A_42 = tpu.memref_slice %arg9[%add3A_9, %dma_start3A_41] : memref<10000x128xf32, #tpu.memory_space<vmem_shared>> -> memref<80x128xf32, #tpu.memory_space<vmem_shared>>
      tpu.enqueue_dma source(%arg8 : memref<80x128xf32, #tpu.memory_space<vmem>>) target(%dma_start3A_42 : memref<80x128xf32, #tpu.memory_space<vmem_shared>>) target_semaphore(%run_scoped3A : memref<!tpu.dma_semaphore, #tpu.memory_space<semaphore_mem>>)
      %dma_wait3A = arith.constant 0 : i32
      %dma_wait3A_43 = tpu.memref_slice %arg9[%add3A_9, %dma_wait3A] : memref<10000x128xf32, #tpu.memory_space<vmem_shared>> -> memref<80x128xf32, #tpu.memory_space<vmem_shared>>
      %dma_wait3A_44 = arith.constant 0 : i32
      %dma_wait3A_45 = tpu.memref_slice %arg9[%add3A_9, %dma_wait3A_44] : memref<10000x128xf32, #tpu.memory_space<vmem_shared>> -> memref<80x128xf32, #tpu.memory_space<vmem_shared>>
      tpu.wait_dma2 semaphore(%run_scoped3A : memref<!tpu.dma_semaphore, #tpu.memory_space<semaphore_mem>>) src(%arg8 : memref<80x128xf32, #tpu.memory_space<vmem>>) dst(%dma_wait3A_45 : memref<80x128xf32, #tpu.memory_space<vmem_shared>>)
      tpu.yield
    }) : () -> ()
    %add3A_10 = arith.constant 80 : i32
    %add3A_11 = arith.addi %mul3A_7, %add3A_10 : i32
    "tpu.region"() ({
      %run_scoped3A = tpu.sem_alloc : memref<!tpu.dma_semaphore, #tpu.memory_space<semaphore_mem>>
      %dma_start3A = arith.constant 0 : i32
      %dma_start3A_40 = tpu.memref_slice %arg9[%add3A_11, %dma_start3A] : memref<10000x128xf32, #tpu.memory_space<vmem_shared>> -> memref<80x128xf32, #tpu.memory_space<vmem_shared>>
      %dma_start3A_41 = arith.constant 0 : i32
      %dma_start3A_42 = tpu.memref_slice %arg9[%add3A_11, %dma_start3A_41] : memref<10000x128xf32, #tpu.memory_space<vmem_shared>> -> memref<80x128xf32, #tpu.memory_space<vmem_shared>>
      tpu.enqueue_dma source(%arg8 : memref<80x128xf32, #tpu.memory_space<vmem>>) target(%dma_start3A_42 : memref<80x128xf32, #tpu.memory_space<vmem_shared>>) target_semaphore(%run_scoped3A : memref<!tpu.dma_semaphore, #tpu.memory_space<semaphore_mem>>)
      %dma_wait3A = arith.constant 0 : i32
      %dma_wait3A_43 = tpu.memref_slice %arg9[%add3A_11, %dma_wait3A] : memref<10000x128xf32, #tpu.memory_space<vmem_shared>> -> memref<80x128xf32, #tpu.memory_space<vmem_shared>>
      %dma_wait3A_44 = arith.constant 0 : i32
      %dma_wait3A_45 = tpu.memref_slice %arg9[%add3A_11, %dma_wait3A_44] : memref<10000x128xf32, #tpu.memory_space<vmem_shared>> -> memref<80x128xf32, #tpu.memory_space<vmem_shared>>
      tpu.wait_dma2 semaphore(%run_scoped3A : memref<!tpu.dma_semaphore, #tpu.memory_space<semaphore_mem>>) src(%arg8 : memref<80x128xf32, #tpu.memory_space<vmem>>) dst(%dma_wait3A_45 : memref<80x128xf32, #tpu.memory_space<vmem_shared>>)
      tpu.yield
    }) : () -> ()
    %add3A_12 = arith.constant 160 : i32
    %add3A_13 = arith.addi %mul3A_7, %add3A_12 : i32
    "tpu.region"() ({
      %run_scoped3A = tpu.sem_alloc : memref<!tpu.dma_semaphore, #tpu.memory_space<semaphore_mem>>
      %dma_start3A = arith.constant 0 : i32
      %dma_start3A_40 = tpu.memref_slice %arg9[%add3A_13, %dma_start3A] : memref<10000x128xf32, #tpu.memory_space<vmem_shared>> -> memref<80x128xf32, #tpu.memory_space<vmem_shared>>
      %dma_start3A_41 = arith.constant 0 : i32
      %dma_start3A_42 = tpu.memref_slice %arg9[%add3A_13, %dma_start3A_41] : memref<10000x128xf32, #tpu.memory_space<vmem_shared>> -> memref<80x128xf32, #tpu.memory_space<vmem_shared>>
      tpu.enqueue_dma source(%arg8 : memref<80x128xf32, #tpu.memory_space<vmem>>) target(%dma_start3A_42 : memref<80x128xf32, #tpu.memory_space<vmem_shared>>) target_semaphore(%run_scoped3A : memref<!tpu.dma_semaphore, #tpu.memory_space<semaphore_mem>>)
      %dma_wait3A = arith.constant 0 : i32
      %dma_wait3A_43 = tpu.memref_slice %arg9[%add3A_13, %dma_wait3A] : memref<10000x128xf32, #tpu.memory_space<vmem_shared>> -> memref<80x128xf32, #tpu.memory_space<vmem_shared>>
      %dma_wait3A_44 = arith.constant 0 : i32
      %dma_wait3A_45 = tpu.memref_slice %arg9[%add3A_13, %dma_wait3A_44] : memref<10000x128xf32, #tpu.memory_space<vmem_shared>> -> memref<80x128xf32, #tpu.memory_space<vmem_shared>>
      tpu.wait_dma2 semaphore(%run_scoped3A : memref<!tpu.dma_semaphore, #tpu.memory_space<semaphore_mem>>) src(%arg8 : memref<80x128xf32, #tpu.memory_space<vmem>>) dst(%dma_wait3A_45 : memref<80x128xf32, #tpu.memory_space<vmem_shared>>)
      tpu.yield
    }) : () -> ()
    %add3A_14 = arith.constant 240 : i32
    %add3A_15 = arith.addi %mul3A_7, %add3A_14 : i32
    "tpu.region"() ({
      %run_scoped3A = tpu.sem_alloc : memref<!tpu.dma_semaphore, #tpu.memory_space<semaphore_mem>>
      %dma_start3A = arith.constant 0 : i32
      %dma_start3A_40 = tpu.memref_slice %arg9[%add3A_15, %dma_start3A] : memref<10000x128xf32, #tpu.memory_space<vmem_shared>> -> memref<80x128xf32, #tpu.memory_space<vmem_shared>>
      %dma_start3A_41 = arith.constant 0 : i32
      %dma_start3A_42 = tpu.memref_slice %arg9[%add3A_15, %dma_start3A_41] : memref<10000x128xf32, #tpu.memory_space<vmem_shared>> -> memref<80x128xf32, #tpu.memory_space<vmem_shared>>
      tpu.enqueue_dma source(%arg8 : memref<80x128xf32, #tpu.memory_space<vmem>>) target(%dma_start3A_42 : memref<80x128xf32, #tpu.memory_space<vmem_shared>>) target_semaphore(%run_scoped3A : memref<!tpu.dma_semaphore, #tpu.memory_space<semaphore_mem>>)
      %dma_wait3A = arith.constant 0 : i32
      %dma_wait3A_43 = tpu.memref_slice %arg9[%add3A_15, %dma_wait3A] : memref<10000x128xf32, #tpu.memory_space<vmem_shared>> -> memref<80x128xf32, #tpu.memory_space<vmem_shared>>
      %dma_wait3A_44 = arith.constant 0 : i32
      %dma_wait3A_45 = tpu.memref_slice %arg9[%add3A_15, %dma_wait3A_44] : memref<10000x128xf32, #tpu.memory_space<vmem_shared>> -> memref<80x128xf32, #tpu.memory_space<vmem_shared>>
      tpu.wait_dma2 semaphore(%run_scoped3A : memref<!tpu.dma_semaphore, #tpu.memory_space<semaphore_mem>>) src(%arg8 : memref<80x128xf32, #tpu.memory_space<vmem>>) dst(%dma_wait3A_45 : memref<80x128xf32, #tpu.memory_space<vmem_shared>>)
      tpu.yield
    }) : () -> ()
    %add3A_16 = arith.constant 320 : i32
    %add3A_17 = arith.addi %mul3A_7, %add3A_16 : i32
    "tpu.region"() ({
      %run_scoped3A = tpu.sem_alloc : memref<!tpu.dma_semaphore, #tpu.memory_space<semaphore_mem>>
      %dma_start3A = arith.constant 0 : i32
      %dma_start3A_40 = tpu.memref_slice %arg9[%add3A_17, %dma_start3A] : memref<10000x128xf32, #tpu.memory_space<vmem_shared>> -> memref<80x128xf32, #tpu.memory_space<vmem_shared>>
      %dma_start3A_41 = arith.constant 0 : i32
      %dma_start3A_42 = tpu.memref_slice %arg9[%add3A_17, %dma_start3A_41] : memref<10000x128xf32, #tpu.memory_space<vmem_shared>> -> memref<80x128xf32, #tpu.memory_space<vmem_shared>>
      tpu.enqueue_dma source(%arg8 : memref<80x128xf32, #tpu.memory_space<vmem>>) target(%dma_start3A_42 : memref<80x128xf32, #tpu.memory_space<vmem_shared>>) target_semaphore(%run_scoped3A : memref<!tpu.dma_semaphore, #tpu.memory_space<semaphore_mem>>)
      %dma_wait3A = arith.constant 0 : i32
      %dma_wait3A_43 = tpu.memref_slice %arg9[%add3A_17, %dma_wait3A] : memref<10000x128xf32, #tpu.memory_space<vmem_shared>> -> memref<80x128xf32, #tpu.memory_space<vmem_shared>>
      %dma_wait3A_44 = arith.constant 0 : i32
      %dma_wait3A_45 = tpu.memref_slice %arg9[%add3A_17, %dma_wait3A_44] : memref<10000x128xf32, #tpu.memory_space<vmem_shared>> -> memref<80x128xf32, #tpu.memory_space<vmem_shared>>
      tpu.wait_dma2 semaphore(%run_scoped3A : memref<!tpu.dma_semaphore, #tpu.memory_space<semaphore_mem>>) src(%arg8 : memref<80x128xf32, #tpu.memory_space<vmem>>) dst(%dma_wait3A_45 : memref<80x128xf32, #tpu.memory_space<vmem_shared>>)
      tpu.yield
    }) : () -> ()
    %add3A_18 = arith.constant 400 : i32
    %add3A_19 = arith.addi %mul3A_7, %add3A_18 : i32
    "tpu.region"() ({
      %run_scoped3A = tpu.sem_alloc : memref<!tpu.dma_semaphore, #tpu.memory_space<semaphore_mem>>
      %dma_start3A = arith.constant 0 : i32
      %dma_start3A_40 = tpu.memref_slice %arg9[%add3A_19, %dma_start3A] : memref<10000x128xf32, #tpu.memory_space<vmem_shared>> -> memref<80x128xf32, #tpu.memory_space<vmem_shared>>
      %dma_start3A_41 = arith.constant 0 : i32
      %dma_start3A_42 = tpu.memref_slice %arg9[%add3A_19, %dma_start3A_41] : memref<10000x128xf32, #tpu.memory_space<vmem_shared>> -> memref<80x128xf32, #tpu.memory_space<vmem_shared>>
      tpu.enqueue_dma source(%arg8 : memref<80x128xf32, #tpu.memory_space<vmem>>) target(%dma_start3A_42 : memref<80x128xf32, #tpu.memory_space<vmem_shared>>) target_semaphore(%run_scoped3A : memref<!tpu.dma_semaphore, #tpu.memory_space<semaphore_mem>>)
      %dma_wait3A = arith.constant 0 : i32
      %dma_wait3A_43 = tpu.memref_slice %arg9[%add3A_19, %dma_wait3A] : memref<10000x128xf32, #tpu.memory_space<vmem_shared>> -> memref<80x128xf32, #tpu.memory_space<vmem_shared>>
      %dma_wait3A_44 = arith.constant 0 : i32
      %dma_wait3A_45 = tpu.memref_slice %arg9[%add3A_19, %dma_wait3A_44] : memref<10000x128xf32, #tpu.memory_space<vmem_shared>> -> memref<80x128xf32, #tpu.memory_space<vmem_shared>>
      tpu.wait_dma2 semaphore(%run_scoped3A : memref<!tpu.dma_semaphore, #tpu.memory_space<semaphore_mem>>) src(%arg8 : memref<80x128xf32, #tpu.memory_space<vmem>>) dst(%dma_wait3A_45 : memref<80x128xf32, #tpu.memory_space<vmem_shared>>)
      tpu.yield
    }) : () -> ()
    %add3A_20 = arith.constant 480 : i32
    %add3A_21 = arith.addi %mul3A_7, %add3A_20 : i32
    "tpu.region"() ({
      %run_scoped3A = tpu.sem_alloc : memref<!tpu.dma_semaphore, #tpu.memory_space<semaphore_mem>>
      %dma_start3A = arith.constant 0 : i32
      %dma_start3A_40 = tpu.memref_slice %arg9[%add3A_21, %dma_start3A] : memref<10000x128xf32, #tpu.memory_space<vmem_shared>> -> memref<80x128xf32, #tpu.memory_space<vmem_shared>>
      %dma_start3A_41 = arith.constant 0 : i32
      %dma_start3A_42 = tpu.memref_slice %arg9[%add3A_21, %dma_start3A_41] : memref<10000x128xf32, #tpu.memory_space<vmem_shared>> -> memref<80x128xf32, #tpu.memory_space<vmem_shared>>
      tpu.enqueue_dma source(%arg8 : memref<80x128xf32, #tpu.memory_space<vmem>>) target(%dma_start3A_42 : memref<80x128xf32, #tpu.memory_space<vmem_shared>>) target_semaphore(%run_scoped3A : memref<!tpu.dma_semaphore, #tpu.memory_space<semaphore_mem>>)
      %dma_wait3A = arith.constant 0 : i32
      %dma_wait3A_43 = tpu.memref_slice %arg9[%add3A_21, %dma_wait3A] : memref<10000x128xf32, #tpu.memory_space<vmem_shared>> -> memref<80x128xf32, #tpu.memory_space<vmem_shared>>
      %dma_wait3A_44 = arith.constant 0 : i32
      %dma_wait3A_45 = tpu.memref_slice %arg9[%add3A_21, %dma_wait3A_44] : memref<10000x128xf32, #tpu.memory_space<vmem_shared>> -> memref<80x128xf32, #tpu.memory_space<vmem_shared>>
      tpu.wait_dma2 semaphore(%run_scoped3A : memref<!tpu.dma_semaphore, #tpu.memory_space<semaphore_mem>>) src(%arg8 : memref<80x128xf32, #tpu.memory_space<vmem>>) dst(%dma_wait3A_45 : memref<80x128xf32, #tpu.memory_space<vmem_shared>>)
      tpu.yield
    }) : () -> ()
    %add3A_22 = arith.constant 560 : i32
    %add3A_23 = arith.addi %mul3A_7, %add3A_22 : i32
    "tpu.region"() ({
      %run_scoped3A = tpu.sem_alloc : memref<!tpu.dma_semaphore, #tpu.memory_space<semaphore_mem>>
      %dma_start3A = arith.constant 0 : i32
      %dma_start3A_40 = arith.constant 0 : i32
      %dma_start3A_41 = tpu.memref_slice %arg8[%dma_start3A, %dma_start3A_40] : memref<80x128xf32, #tpu.memory_space<vmem>> -> memref<64x128xf32, #tpu.memory_space<vmem>>
      %dma_start3A_42 = arith.constant 0 : i32
      %dma_start3A_43 = tpu.memref_slice %arg9[%add3A_23, %dma_start3A_42] : memref<10000x128xf32, #tpu.memory_space<vmem_shared>> -> memref<64x128xf32, #tpu.memory_space<vmem_shared>>
      %dma_start3A_44 = arith.constant 0 : i32
      %dma_start3A_45 = tpu.memref_slice %arg9[%add3A_23, %dma_start3A_44] : memref<10000x128xf32, #tpu.memory_space<vmem_shared>> -> memref<64x128xf32, #tpu.memory_space<vmem_shared>>
      %dma_start3A_46 = arith.constant 0 : i32
      %dma_start3A_47 = arith.constant 0 : i32
      %dma_start3A_48 = tpu.memref_slice %arg8[%dma_start3A_46, %dma_start3A_47] : memref<80x128xf32, #tpu.memory_space<vmem>> -> memref<64x128xf32, #tpu.memory_space<vmem>>
      tpu.enqueue_dma source(%dma_start3A_48 : memref<64x128xf32, #tpu.memory_space<vmem>>) target(%dma_start3A_45 : memref<64x128xf32, #tpu.memory_space<vmem_shared>>) target_semaphore(%run_scoped3A : memref<!tpu.dma_semaphore, #tpu.memory_space<semaphore_mem>>)
      %dma_wait3A = arith.constant 0 : i32
      %dma_wait3A_49 = arith.constant 0 : i32
      %dma_wait3A_50 = tpu.memref_slice %arg8[%dma_wait3A, %dma_wait3A_49] : memref<80x128xf32, #tpu.memory_space<vmem>> -> memref<64x128xf32, #tpu.memory_space<vmem>>
      %dma_wait3A_51 = arith.constant 0 : i32
      %dma_wait3A_52 = tpu.memref_slice %arg9[%add3A_23, %dma_wait3A_51] : memref<10000x128xf32, #tpu.memory_space<vmem_shared>> -> memref<64x128xf32, #tpu.memory_space<vmem_shared>>
      %dma_wait3A_53 = arith.constant 0 : i32
      %dma_wait3A_54 = tpu.memref_slice %arg9[%add3A_23, %dma_wait3A_53] : memref<10000x128xf32, #tpu.memory_space<vmem_shared>> -> memref<64x128xf32, #tpu.memory_space<vmem_shared>>
      %dma_wait3A_55 = arith.constant 0 : i32
      %dma_wait3A_56 = arith.constant 0 : i32
      %dma_wait3A_57 = tpu.memref_slice %arg8[%dma_wait3A_55, %dma_wait3A_56] : memref<80x128xf32, #tpu.memory_space<vmem>> -> memref<64x128xf32, #tpu.memory_space<vmem>>
      tpu.wait_dma2 semaphore(%run_scoped3A : memref<!tpu.dma_semaphore, #tpu.memory_space<semaphore_mem>>) src(%dma_wait3A_57 : memref<64x128xf32, #tpu.memory_space<vmem>>) dst(%dma_wait3A_54 : memref<64x128xf32, #tpu.memory_space<vmem_shared>>)
      tpu.yield
    }) : () -> ()
    %eq3A = arith.constant 15 : i32
    %eq3A_24 = arith.cmpi eq, %arg1, %eq3A : i32
    %convert_element_type3A = arith.extui %eq3A_24 : i1 to i32
    %cond3A = arith.constant 0 : i32
    %cond3A_25 = arith.cmpi ne, %convert_element_type3A, %cond3A : i32
    scf.if %cond3A_25 {
      "tpu.region"() ({
        %run_scoped3A = tpu.sem_alloc : memref<!tpu.dma_semaphore, #tpu.memory_space<semaphore_mem>>
        %dma_start3A = arith.constant 0 : i32
        %dma_start3A_40 = arith.constant 0 : i32
        %dma_start3A_41 = tpu.memref_slice %arg8[%dma_start3A, %dma_start3A_40] : memref<80x128xf32, #tpu.memory_space<vmem>> -> memref<16x128xf32, #tpu.memory_space<vmem>>
        %dma_start3A_42 = arith.constant 9984 : i32
        %dma_start3A_43 = arith.constant 0 : i32
        %dma_start3A_44 = tpu.memref_slice %arg9[%dma_start3A_42, %dma_start3A_43] : memref<10000x128xf32, #tpu.memory_space<vmem_shared>> -> memref<16x128xf32, #tpu.memory_space<vmem_shared>>
        %dma_start3A_45 = arith.constant 9984 : i32
        %dma_start3A_46 = arith.constant 0 : i32
        %dma_start3A_47 = tpu.memref_slice %arg9[%dma_start3A_45, %dma_start3A_46] : memref<10000x128xf32, #tpu.memory_space<vmem_shared>> -> memref<16x128xf32, #tpu.memory_space<vmem_shared>>
        %dma_start3A_48 = arith.constant 0 : i32
        %dma_start3A_49 = arith.constant 0 : i32
        %dma_start3A_50 = tpu.memref_slice %arg8[%dma_start3A_48, %dma_start3A_49] : memref<80x128xf32, #tpu.memory_space<vmem>> -> memref<16x128xf32, #tpu.memory_space<vmem>>
        tpu.enqueue_dma source(%dma_start3A_50 : memref<16x128xf32, #tpu.memory_space<vmem>>) target(%dma_start3A_47 : memref<16x128xf32, #tpu.memory_space<vmem_shared>>) target_semaphore(%run_scoped3A : memref<!tpu.dma_semaphore, #tpu.memory_space<semaphore_mem>>)
        %dma_wait3A = arith.constant 0 : i32
        %dma_wait3A_51 = arith.constant 0 : i32
        %dma_wait3A_52 = tpu.memref_slice %arg8[%dma_wait3A, %dma_wait3A_51] : memref<80x128xf32, #tpu.memory_space<vmem>> -> memref<16x128xf32, #tpu.memory_space<vmem>>
        %dma_wait3A_53 = arith.constant 9984 : i32
        %dma_wait3A_54 = arith.constant 0 : i32
        %dma_wait3A_55 = tpu.memref_slice %arg9[%dma_wait3A_53, %dma_wait3A_54] : memref<10000x128xf32, #tpu.memory_space<vmem_shared>> -> memref<16x128xf32, #tpu.memory_space<vmem_shared>>
        %dma_wait3A_56 = arith.constant 9984 : i32
        %dma_wait3A_57 = arith.constant 0 : i32
        %dma_wait3A_58 = tpu.memref_slice %arg9[%dma_wait3A_56, %dma_wait3A_57] : memref<10000x128xf32, #tpu.memory_space<vmem_shared>> -> memref<16x128xf32, #tpu.memory_space<vmem_shared>>
        %dma_wait3A_59 = arith.constant 0 : i32
        %dma_wait3A_60 = arith.constant 0 : i32
        %dma_wait3A_61 = tpu.memref_slice %arg8[%dma_wait3A_59, %dma_wait3A_60] : memref<80x128xf32, #tpu.memory_space<vmem>> -> memref<16x128xf32, #tpu.memory_space<vmem>>
        tpu.wait_dma2 semaphore(%run_scoped3A : memref<!tpu.dma_semaphore, #tpu.memory_space<semaphore_mem>>) src(%dma_wait3A_61 : memref<16x128xf32, #tpu.memory_space<vmem>>) dst(%dma_wait3A_58 : memref<16x128xf32, #tpu.memory_space<vmem_shared>>)
        tpu.yield
      }) : () -> ()
    } else {
    }
    %barrier3A = arith.constant 0 : index
    tpu.barrier barrier_id(%barrier3A)
    %mul3A_26 = arith.constant 10000 : i32
    %mul3A_27 = arith.muli %add3A, %mul3A_26 : i32
    %scan3A_28 = arith.constant 0 : i32
    %scan3A_29 = arith.constant 0 : i32
    %scan3A_30 = arith.constant 125 : i32
    %scan3A_31 = arith.addi %scan3A_29, %scan3A_30 : i32
    %scan3A_32 = arith.constant 1 : i32
    scf.for %scan3A_40 = %scan3A_29 to %scan3A_31 step %scan3A_32  : i32 {
      %mul3A_41 = arith.constant 80 : i32
      %mul3A_42 = arith.muli %scan3A_40, %mul3A_41 : i32
      %add3A_43 = arith.addi %mul3A_27, %mul3A_42 : i32
      "tpu.region"() ({
        %run_scoped3A = tpu.sem_alloc : memref<!tpu.dma_semaphore, #tpu.memory_space<semaphore_mem>>
        %dma_start3A_48 = tpu.memref_slice %arg3[%add3A_43] : memref<320000xi32, #tpu.memory_space<hbm>> -> memref<80xi32, #tpu.memory_space<hbm>>
        %dma_start3A_49 = tpu.memref_slice %arg3[%add3A_43] : memref<320000xi32, #tpu.memory_space<hbm>> -> memref<80xi32, #tpu.memory_space<hbm>>
        tpu.enqueue_dma source(%dma_start3A_49 : memref<80xi32, #tpu.memory_space<hbm>>) target(%arg6 : memref<80xi32, #tpu.memory_space<vmem>>) target_semaphore(%run_scoped3A : memref<!tpu.dma_semaphore, #tpu.memory_space<semaphore_mem>>)
        %dma_wait3A_50 = tpu.memref_slice %arg3[%add3A_43] : memref<320000xi32, #tpu.memory_space<hbm>> -> memref<80xi32, #tpu.memory_space<hbm>>
        %dma_wait3A_51 = tpu.memref_slice %arg3[%add3A_43] : memref<320000xi32, #tpu.memory_space<hbm>> -> memref<80xi32, #tpu.memory_space<hbm>>
        tpu.wait_dma2 semaphore(%run_scoped3A : memref<!tpu.dma_semaphore, #tpu.memory_space<semaphore_mem>>) src(%dma_wait3A_51 : memref<80xi32, #tpu.memory_space<hbm>>) dst(%arg6 : memref<80xi32, #tpu.memory_space<vmem>>)
        tpu.yield
      }) : () -> ()
      "tpu.region"() ({
        %run_scoped3A = tpu.sem_alloc : memref<!tpu.dma_semaphore, #tpu.memory_space<semaphore_mem>>
        %dma_start3A_48 = tpu.memref_slice %arg4[%add3A_43] : memref<320000xi32, #tpu.memory_space<hbm>> -> memref<80xi32, #tpu.memory_space<hbm>>
        %dma_start3A_49 = tpu.memref_slice %arg4[%add3A_43] : memref<320000xi32, #tpu.memory_space<hbm>> -> memref<80xi32, #tpu.memory_space<hbm>>
        tpu.enqueue_dma source(%dma_start3A_49 : memref<80xi32, #tpu.memory_space<hbm>>) target(%arg7 : memref<80xi32, #tpu.memory_space<vmem>>) target_semaphore(%run_scoped3A : memref<!tpu.dma_semaphore, #tpu.memory_space<semaphore_mem>>)
        %dma_wait3A_50 = tpu.memref_slice %arg4[%add3A_43] : memref<320000xi32, #tpu.memory_space<hbm>> -> memref<80xi32, #tpu.memory_space<hbm>>
        %dma_wait3A_51 = tpu.memref_slice %arg4[%add3A_43] : memref<320000xi32, #tpu.memory_space<hbm>> -> memref<80xi32, #tpu.memory_space<hbm>>
        tpu.wait_dma2 semaphore(%run_scoped3A : memref<!tpu.dma_semaphore, #tpu.memory_space<semaphore_mem>>) src(%dma_wait3A_51 : memref<80xi32, #tpu.memory_space<hbm>>) dst(%arg7 : memref<80xi32, #tpu.memory_space<vmem>>)
        tpu.yield
      }) : () -> ()
      %dma_start3A = arith.constant 0 : i32
      %dma_start3A_44 = arith.constant 0 : i32
      %dma_start3A_45 = tpu.memref_slice %arg2[%dma_start3A, %dma_start3A_44] : memref<10000x128xf32, #tpu.memory_space<hbm>> -> memref<10000x128xf32, #tpu.memory_space<hbm>>
      tpu.enqueue_indirect_dma source(%dma_start3A_45 : memref<10000x128xf32, #tpu.memory_space<hbm>>) target(%arg8 : memref<80x128xf32, #tpu.memory_space<vmem>>) offsets(%arg6 : memref<80xi32, #tpu.memory_space<vmem>>) semaphore(%arg10 : memref<!tpu.dma_semaphore, #tpu.memory_space<semaphore_mem>>)
      %dma_wait3A = arith.constant 0 : i32
      %dma_wait3A_46 = arith.constant 0 : i32
      %dma_wait3A_47 = tpu.memref_slice %arg2[%dma_wait3A, %dma_wait3A_46] : memref<10000x128xf32, #tpu.memory_space<hbm>> -> memref<10000x128xf32, #tpu.memory_space<hbm>>
      tpu.wait_indirect_dma semaphore(%arg10 : memref<!tpu.dma_semaphore, #tpu.memory_space<semaphore_mem>>) src(%dma_wait3A_47 : memref<10000x128xf32, #tpu.memory_space<hbm>>) dst(%arg8 : memref<80x128xf32, #tpu.memory_space<vmem>>)
      "tpu.region"() ({
        %run_scoped3A = tpu.sem_alloc : memref<!tpu.dma_semaphore, #tpu.memory_space<semaphore_mem>>
        %dma_start3A_48 = arith.constant 0 : i32
        %dma_start3A_49 = arith.constant 0 : i32
        %dma_start3A_50 = tpu.memref_slice %arg9[%dma_start3A_48, %dma_start3A_49] : memref<10000x128xf32, #tpu.memory_space<vmem_shared>> -> memref<10000x128xf32, #tpu.memory_space<vmem_shared>>
        tpu.enqueue_indirect_dma source(%arg8 : memref<80x128xf32, #tpu.memory_space<vmem>>) target(%dma_start3A_50 : memref<10000x128xf32, #tpu.memory_space<vmem_shared>>) offsets(%arg7 : memref<80xi32, #tpu.memory_space<vmem>>) semaphore(%run_scoped3A : memref<!tpu.dma_semaphore, #tpu.memory_space<semaphore_mem>>) {add = true}
        %dma_wait3A_51 = arith.constant 0 : i32
        %dma_wait3A_52 = arith.constant 0 : i32
        %dma_wait3A_53 = tpu.memref_slice %arg9[%dma_wait3A_51, %dma_wait3A_52] : memref<10000x128xf32, #tpu.memory_space<vmem_shared>> -> memref<10000x128xf32, #tpu.memory_space<vmem_shared>>
        tpu.wait_indirect_dma semaphore(%run_scoped3A : memref<!tpu.dma_semaphore, #tpu.memory_space<semaphore_mem>>) src(%arg8 : memref<80x128xf32, #tpu.memory_space<vmem>>) dst(%dma_wait3A_53 : memref<10000x128xf32, #tpu.memory_space<vmem_shared>>)
        tpu.yield
      }) : () -> ()
    }
    %scan3A_33 = arith.constant 125 : i32
    %barrier3A_34 = arith.constant 0 : index
    tpu.barrier barrier_id(%barrier3A_34)
    "tpu.region"() ({
      %run_scoped3A = tpu.sem_alloc : memref<!tpu.dma_semaphore, #tpu.memory_space<semaphore_mem>>
      %dma_start3A = arith.constant 0 : i32
      %dma_start3A_40 = tpu.memref_slice %arg5[%arg0, %mul3A_7, %dma_start3A] : memref<2x10000x128xf32, #tpu.memory_space<hbm>> -> memref<1x624x128xf32, #tpu.memory_space<hbm>>
      %dma_start3A_41 = tpu.memref_squeeze %dma_start3A_40 : memref<1x624x128xf32, #tpu.memory_space<hbm>> -> memref<624x128xf32, #tpu.memory_space<hbm>>
      %dma_start3A_42 = arith.constant 0 : i32
      %dma_start3A_43 = tpu.memref_slice %arg9[%mul3A_7, %dma_start3A_42] : memref<10000x128xf32, #tpu.memory_space<vmem_shared>> -> memref<624x128xf32, #tpu.memory_space<vmem_shared>>
      tpu.enqueue_dma source(%dma_start3A_43 : memref<624x128xf32, #tpu.memory_space<vmem_shared>>) target(%dma_start3A_41 : memref<624x128xf32, #tpu.memory_space<hbm>>) target_semaphore(%run_scoped3A : memref<!tpu.dma_semaphore, #tpu.memory_space<semaphore_mem>>)
      %dma_wait3A = arith.constant 0 : i32
      %dma_wait3A_44 = tpu.memref_slice %arg5[%arg0, %mul3A_7, %dma_wait3A] : memref<2x10000x128xf32, #tpu.memory_space<hbm>> -> memref<1x624x128xf32, #tpu.memory_space<hbm>>
      %dma_wait3A_45 = tpu.memref_squeeze %dma_wait3A_44 : memref<1x624x128xf32, #tpu.memory_space<hbm>> -> memref<624x128xf32, #tpu.memory_space<hbm>>
      %dma_wait3A_46 = arith.constant 0 : i32
      %dma_wait3A_47 = tpu.memref_slice %arg9[%mul3A_7, %dma_wait3A_46] : memref<10000x128xf32, #tpu.memory_space<vmem_shared>> -> memref<624x128xf32, #tpu.memory_space<vmem_shared>>
      tpu.wait_dma2 semaphore(%run_scoped3A : memref<!tpu.dma_semaphore, #tpu.memory_space<semaphore_mem>>) src(%dma_wait3A_47 : memref<624x128xf32, #tpu.memory_space<vmem_shared>>) dst(%dma_wait3A_45 : memref<624x128xf32, #tpu.memory_space<hbm>>)
      tpu.yield
    }) : () -> ()
    %eq3A_35 = arith.constant 15 : i32
    %eq3A_36 = arith.cmpi eq, %arg1, %eq3A_35 : i32
    %convert_element_type3A_37 = arith.extui %eq3A_36 : i1 to i32
    %cond3A_38 = arith.constant 0 : i32
    %cond3A_39 = arith.cmpi ne, %convert_element_type3A_37, %cond3A_38 : i32
    scf.if %cond3A_39 {
      "tpu.region"() ({
        %run_scoped3A = tpu.sem_alloc : memref<!tpu.dma_semaphore, #tpu.memory_space<semaphore_mem>>
        %dma_start3A = arith.constant 9984 : i32
        %dma_start3A_40 = arith.constant 0 : i32
        %dma_start3A_41 = tpu.memref_slice %arg5[%arg0, %dma_start3A, %dma_start3A_40] : memref<2x10000x128xf32, #tpu.memory_space<hbm>> -> memref<1x16x128xf32, #tpu.memory_space<hbm>>
        %dma_start3A_42 = tpu.memref_squeeze %dma_start3A_41 : memref<1x16x128xf32, #tpu.memory_space<hbm>> -> memref<16x128xf32, #tpu.memory_space<hbm>>
        %dma_start3A_43 = arith.constant 9984 : i32
        %dma_start3A_44 = arith.constant 0 : i32
        %dma_start3A_45 = tpu.memref_slice %arg9[%dma_start3A_43, %dma_start3A_44] : memref<10000x128xf32, #tpu.memory_space<vmem_shared>> -> memref<16x128xf32, #tpu.memory_space<vmem_shared>>
        tpu.enqueue_dma source(%dma_start3A_45 : memref<16x128xf32, #tpu.memory_space<vmem_shared>>) target(%dma_start3A_42 : memref<16x128xf32, #tpu.memory_space<hbm>>) target_semaphore(%run_scoped3A : memref<!tpu.dma_semaphore, #tpu.memory_space<semaphore_mem>>)
        %dma_wait3A = arith.constant 9984 : i32
        %dma_wait3A_46 = arith.constant 0 : i32
        %dma_wait3A_47 = tpu.memref_slice %arg5[%arg0, %dma_wait3A, %dma_wait3A_46] : memref<2x10000x128xf32, #tpu.memory_space<hbm>> -> memref<1x16x128xf32, #tpu.memory_space<hbm>>
        %dma_wait3A_48 = tpu.memref_squeeze %dma_wait3A_47 : memref<1x16x128xf32, #tpu.memory_space<hbm>> -> memref<16x128xf32, #tpu.memory_space<hbm>>
        %dma_wait3A_49 = arith.constant 9984 : i32
        %dma_wait3A_50 = arith.constant 0 : i32
        %dma_wait3A_51 = tpu.memref_slice %arg9[%dma_wait3A_49, %dma_wait3A_50] : memref<10000x128xf32, #tpu.memory_space<vmem_shared>> -> memref<16x128xf32, #tpu.memory_space<vmem_shared>>
        tpu.wait_dma2 semaphore(%run_scoped3A : memref<!tpu.dma_semaphore, #tpu.memory_space<semaphore_mem>>) src(%dma_wait3A_51 : memref<16x128xf32, #tpu.memory_space<vmem_shared>>) dst(%dma_wait3A_48 : memref<16x128xf32, #tpu.memory_space<hbm>>)
        tpu.yield
      }) : () -> ()
    } else {
    }
    return
  }
}

#map = affine_map<(d0, d1) -> (0, 0)>
#map1 = affine_map<(d0, d1) -> (0)>
#map2 = affine_map<(d0, d1) -> (0, 0, 0)>
module attributes {stable_mosaic.version = 14 : i64} {
  func.func @sc_kernel(%arg0: i32, %arg1: i32, %arg2: memref<10000x128xf32, #tpu.memory_space<hbm>>, %arg3: memref<320000xi32, #tpu.memory_space<hbm>>, %arg4: memref<320000xi32, #tpu.memory_space<hbm>>, %arg5: memref<2x10000x128xf32, #tpu.memory_space<hbm>>, %arg6: memref<80xi32, #tpu.memory_space<vmem>>, %arg7: memref<80xi32, #tpu.memory_space<vmem>>, %arg8: memref<80x128xf32, #tpu.memory_space<vmem>>, %arg9: memref<10000x128xf32, #tpu.memory_space<vmem_shared>>, %arg10: memref<!tpu.dma_semaphore, #tpu.memory_space<semaphore_mem>>) attributes {dimension_semantics = [#tpu.dimension_semantics<core_parallel>, #tpu.dimension_semantics<subcore_parallel>], iteration_bounds = array<i64: 2, 16>, scalar_prefetch = 0 : i64, scratch_operands = 5 : i64, tpu.core_type = #tpu.core_type<sc_vector_subcore>, window_params = [{transform_indices = #map}, {transform_indices = #map1}, {transform_indices = #map1}, {transform_indices = #map2}]} {
    %mul3A = arith.constant 2 : i32
    %mul3A_0 = arith.muli %arg1, %mul3A : i32
    %add3A = arith.addi %mul3A_0, %arg0 : i32
    %scan3A = arith.constant 0 : i32
    %scan3A_1 = arith.constant 0 : i32
    %scan3A_2 = arith.constant 80 : i32
    %scan3A_3 = arith.addi %scan3A_1, %scan3A_2 : i32
    %scan3A_4 = arith.constant 1 : i32
    scf.for %scan3A_40 = %scan3A_1 to %scan3A_3 step %scan3A_4  : i32 {
      %scan3A_41 = arith.constant 0 : i32
      %scan3A_42 = arith.constant 8 : i32
      %scan3A_43 = arith.addi %scan3A_41, %scan3A_42 : i32
      %scan3A_44 = arith.constant 1 : i32
      scf.for %scan3A_46 = %scan3A_41 to %scan3A_43 step %scan3A_44  : i32 {
        %broadcast_in_dim3A = arith.constant 0.000000e+00 : f32
        %broadcast_in_dim3A_47 = vector.broadcast %broadcast_in_dim3A : f32 to vector<16xf32>
        %mul3A_48 = arith.constant 16 : i32
        %mul3A_49 = arith.muli %scan3A_46, %mul3A_48 : i32
        %swap3A = arith.index_cast %scan3A_40 : i32 to index
        %swap3A_50 = arith.index_cast %mul3A_49 : i32 to index
        %swap3A_51 = tpu.vector_load %arg8[%swap3A, %swap3A_50] {strides = array<i32>} : memref<80x128xf32, #tpu.memory_space<vmem>>, vector<1x16xf32>,
        %swap3A_52 = vector.shape_cast %swap3A_51 : vector<1x16xf32> to vector<16xf32>
        %swap3A_53 = vector.shape_cast %broadcast_in_dim3A_47 : vector<16xf32> to vector<1x16xf32>
        tpu.vector_store %arg8[%swap3A, %swap3A_50], %swap3A_53 {strides = array<i32>} : memref<80x128xf32, #tpu.memory_space<vmem>>, vector<1x16xf32>,
      }
      %scan3A_45 = arith.constant 8 : i32
    }
    %scan3A_5 = arith.constant 80 : i32
    %mul3A_6 = arith.constant 624 : i32
    %mul3A_7 = arith.muli %arg1, %mul3A_6 : i32
    %add3A_8 = arith.constant 0 : i32
    %add3A_9 = arith.addi %mul3A_7, %add3A_8 : i32
    "tpu.region"() ({
      %run_scoped3A = tpu.sem_alloc : memref<!tpu.dma_semaphore, #tpu.memory_space<semaphore_mem>>
      %dma_start3A = arith.constant 0 : i32
      %dma_start3A_40 = tpu.memref_slice %arg9[%add3A_9, %dma_start3A] : memref<10000x128xf32, #tpu.memory_space<vmem_shared>> -> memref<80x128xf32, #tpu.memory_space<vmem_shared>>
      %dma_start3A_41 = arith.constant 0 : i32
      %dma_start3A_42 = tpu.memref_slice %arg9[%add3A_9, %dma_start3A_41] : memref<10000x128xf32, #tpu.memory_space<vmem_shared>> -> memref<80x128xf32, #tpu.memory_space<vmem_shared>>
      tpu.enqueue_dma source(%arg8 : memref<80x128xf32, #tpu.memory_space<vmem>>) target(%dma_start3A_42 : memref<80x128xf32, #tpu.memory_space<vmem_shared>>) target_semaphore(%run_scoped3A : memref<!tpu.dma_semaphore, #tpu.memory_space<semaphore_mem>>)
      %dma_wait3A = arith.constant 0 : i32
      %dma_wait3A_43 = tpu.memref_slice %arg9[%add3A_9, %dma_wait3A] : memref<10000x128xf32, #tpu.memory_space<vmem_shared>> -> memref<80x128xf32, #tpu.memory_space<vmem_shared>>
      %dma_wait3A_44 = arith.constant 0 : i32
      %dma_wait3A_45 = tpu.memref_slice %arg9[%add3A_9, %dma_wait3A_44] : memref<10000x128xf32, #tpu.memory_space<vmem_shared>> -> memref<80x128xf32, #tpu.memory_space<vmem_shared>>
      tpu.wait_dma2 semaphore(%run_scoped3A : memref<!tpu.dma_semaphore, #tpu.memory_space<semaphore_mem>>) src(%arg8 : memref<80x128xf32, #tpu.memory_space<vmem>>) dst(%dma_wait3A_45 : memref<80x128xf32, #tpu.memory_space<vmem_shared>>)
      tpu.yield
    }) : () -> ()
    %add3A_10 = arith.constant 80 : i32
    %add3A_11 = arith.addi %mul3A_7, %add3A_10 : i32
    "tpu.region"() ({
      %run_scoped3A = tpu.sem_alloc : memref<!tpu.dma_semaphore, #tpu.memory_space<semaphore_mem>>
      %dma_start3A = arith.constant 0 : i32
      %dma_start3A_40 = tpu.memref_slice %arg9[%add3A_11, %dma_start3A] : memref<10000x128xf32, #tpu.memory_space<vmem_shared>> -> memref<80x128xf32, #tpu.memory_space<vmem_shared>>
      %dma_start3A_41 = arith.constant 0 : i32
      %dma_start3A_42 = tpu.memref_slice %arg9[%add3A_11, %dma_start3A_41] : memref<10000x128xf32, #tpu.memory_space<vmem_shared>> -> memref<80x128xf32, #tpu.memory_space<vmem_shared>>
      tpu.enqueue_dma source(%arg8 : memref<80x128xf32, #tpu.memory_space<vmem>>) target(%dma_start3A_42 : memref<80x128xf32, #tpu.memory_space<vmem_shared>>) target_semaphore(%run_scoped3A : memref<!tpu.dma_semaphore, #tpu.memory_space<semaphore_mem>>)
      %dma_wait3A = arith.constant 0 : i32
      %dma_wait3A_43 = tpu.memref_slice %arg9[%add3A_11, %dma_wait3A] : memref<10000x128xf32, #tpu.memory_space<vmem_shared>> -> memref<80x128xf32, #tpu.memory_space<vmem_shared>>
      %dma_wait3A_44 = arith.constant 0 : i32
      %dma_wait3A_45 = tpu.memref_slice %arg9[%add3A_11, %dma_wait3A_44] : memref<10000x128xf32, #tpu.memory_space<vmem_shared>> -> memref<80x128xf32, #tpu.memory_space<vmem_shared>>
      tpu.wait_dma2 semaphore(%run_scoped3A : memref<!tpu.dma_semaphore, #tpu.memory_space<semaphore_mem>>) src(%arg8 : memref<80x128xf32, #tpu.memory_space<vmem>>) dst(%dma_wait3A_45 : memref<80x128xf32, #tpu.memory_space<vmem_shared>>)
      tpu.yield
    }) : () -> ()
    %add3A_12 = arith.constant 160 : i32
    %add3A_13 = arith.addi %mul3A_7, %add3A_12 : i32
    "tpu.region"() ({
      %run_scoped3A = tpu.sem_alloc : memref<!tpu.dma_semaphore, #tpu.memory_space<semaphore_mem>>
      %dma_start3A = arith.constant 0 : i32
      %dma_start3A_40 = tpu.memref_slice %arg9[%add3A_13, %dma_start3A] : memref<10000x128xf32, #tpu.memory_space<vmem_shared>> -> memref<80x128xf32, #tpu.memory_space<vmem_shared>>
      %dma_start3A_41 = arith.constant 0 : i32
      %dma_start3A_42 = tpu.memref_slice %arg9[%add3A_13, %dma_start3A_41] : memref<10000x128xf32, #tpu.memory_space<vmem_shared>> -> memref<80x128xf32, #tpu.memory_space<vmem_shared>>
      tpu.enqueue_dma source(%arg8 : memref<80x128xf32, #tpu.memory_space<vmem>>) target(%dma_start3A_42 : memref<80x128xf32, #tpu.memory_space<vmem_shared>>) target_semaphore(%run_scoped3A : memref<!tpu.dma_semaphore, #tpu.memory_space<semaphore_mem>>)
      %dma_wait3A = arith.constant 0 : i32
      %dma_wait3A_43 = tpu.memref_slice %arg9[%add3A_13, %dma_wait3A] : memref<10000x128xf32, #tpu.memory_space<vmem_shared>> -> memref<80x128xf32, #tpu.memory_space<vmem_shared>>
      %dma_wait3A_44 = arith.constant 0 : i32
      %dma_wait3A_45 = tpu.memref_slice %arg9[%add3A_13, %dma_wait3A_44] : memref<10000x128xf32, #tpu.memory_space<vmem_shared>> -> memref<80x128xf32, #tpu.memory_space<vmem_shared>>
      tpu.wait_dma2 semaphore(%run_scoped3A : memref<!tpu.dma_semaphore, #tpu.memory_space<semaphore_mem>>) src(%arg8 : memref<80x128xf32, #tpu.memory_space<vmem>>) dst(%dma_wait3A_45 : memref<80x128xf32, #tpu.memory_space<vmem_shared>>)
      tpu.yield
    }) : () -> ()
    %add3A_14 = arith.constant 240 : i32
    %add3A_15 = arith.addi %mul3A_7, %add3A_14 : i32
    "tpu.region"() ({
      %run_scoped3A = tpu.sem_alloc : memref<!tpu.dma_semaphore, #tpu.memory_space<semaphore_mem>>
      %dma_start3A = arith.constant 0 : i32
      %dma_start3A_40 = tpu.memref_slice %arg9[%add3A_15, %dma_start3A] : memref<10000x128xf32, #tpu.memory_space<vmem_shared>> -> memref<80x128xf32, #tpu.memory_space<vmem_shared>>
      %dma_start3A_41 = arith.constant 0 : i32
      %dma_start3A_42 = tpu.memref_slice %arg9[%add3A_15, %dma_start3A_41] : memref<10000x128xf32, #tpu.memory_space<vmem_shared>> -> memref<80x128xf32, #tpu.memory_space<vmem_shared>>
      tpu.enqueue_dma source(%arg8 : memref<80x128xf32, #tpu.memory_space<vmem>>) target(%dma_start3A_42 : memref<80x128xf32, #tpu.memory_space<vmem_shared>>) target_semaphore(%run_scoped3A : memref<!tpu.dma_semaphore, #tpu.memory_space<semaphore_mem>>)
      %dma_wait3A = arith.constant 0 : i32
      %dma_wait3A_43 = tpu.memref_slice %arg9[%add3A_15, %dma_wait3A] : memref<10000x128xf32, #tpu.memory_space<vmem_shared>> -> memref<80x128xf32, #tpu.memory_space<vmem_shared>>
      %dma_wait3A_44 = arith.constant 0 : i32
      %dma_wait3A_45 = tpu.memref_slice %arg9[%add3A_15, %dma_wait3A_44] : memref<10000x128xf32, #tpu.memory_space<vmem_shared>> -> memref<80x128xf32, #tpu.memory_space<vmem_shared>>
      tpu.wait_dma2 semaphore(%run_scoped3A : memref<!tpu.dma_semaphore, #tpu.memory_space<semaphore_mem>>) src(%arg8 : memref<80x128xf32, #tpu.memory_space<vmem>>) dst(%dma_wait3A_45 : memref<80x128xf32, #tpu.memory_space<vmem_shared>>)
      tpu.yield
    }) : () -> ()
    %add3A_16 = arith.constant 320 : i32
    %add3A_17 = arith.addi %mul3A_7, %add3A_16 : i32
    "tpu.region"() ({
      %run_scoped3A = tpu.sem_alloc : memref<!tpu.dma_semaphore, #tpu.memory_space<semaphore_mem>>
      %dma_start3A = arith.constant 0 : i32
      %dma_start3A_40 = tpu.memref_slice %arg9[%add3A_17, %dma_start3A] : memref<10000x128xf32, #tpu.memory_space<vmem_shared>> -> memref<80x128xf32, #tpu.memory_space<vmem_shared>>
      %dma_start3A_41 = arith.constant 0 : i32
      %dma_start3A_42 = tpu.memref_slice %arg9[%add3A_17, %dma_start3A_41] : memref<10000x128xf32, #tpu.memory_space<vmem_shared>> -> memref<80x128xf32, #tpu.memory_space<vmem_shared>>
      tpu.enqueue_dma source(%arg8 : memref<80x128xf32, #tpu.memory_space<vmem>>) target(%dma_start3A_42 : memref<80x128xf32, #tpu.memory_space<vmem_shared>>) target_semaphore(%run_scoped3A : memref<!tpu.dma_semaphore, #tpu.memory_space<semaphore_mem>>)
      %dma_wait3A = arith.constant 0 : i32
      %dma_wait3A_43 = tpu.memref_slice %arg9[%add3A_17, %dma_wait3A] : memref<10000x128xf32, #tpu.memory_space<vmem_shared>> -> memref<80x128xf32, #tpu.memory_space<vmem_shared>>
      %dma_wait3A_44 = arith.constant 0 : i32
      %dma_wait3A_45 = tpu.memref_slice %arg9[%add3A_17, %dma_wait3A_44] : memref<10000x128xf32, #tpu.memory_space<vmem_shared>> -> memref<80x128xf32, #tpu.memory_space<vmem_shared>>
      tpu.wait_dma2 semaphore(%run_scoped3A : memref<!tpu.dma_semaphore, #tpu.memory_space<semaphore_mem>>) src(%arg8 : memref<80x128xf32, #tpu.memory_space<vmem>>) dst(%dma_wait3A_45 : memref<80x128xf32, #tpu.memory_space<vmem_shared>>)
      tpu.yield
    }) : () -> ()
    %add3A_18 = arith.constant 400 : i32
    %add3A_19 = arith.addi %mul3A_7, %add3A_18 : i32
    "tpu.region"() ({
      %run_scoped3A = tpu.sem_alloc : memref<!tpu.dma_semaphore, #tpu.memory_space<semaphore_mem>>
      %dma_start3A = arith.constant 0 : i32
      %dma_start3A_40 = tpu.memref_slice %arg9[%add3A_19, %dma_start3A] : memref<10000x128xf32, #tpu.memory_space<vmem_shared>> -> memref<80x128xf32, #tpu.memory_space<vmem_shared>>
      %dma_start3A_41 = arith.constant 0 : i32
      %dma_start3A_42 = tpu.memref_slice %arg9[%add3A_19, %dma_start3A_41] : memref<10000x128xf32, #tpu.memory_space<vmem_shared>> -> memref<80x128xf32, #tpu.memory_space<vmem_shared>>
      tpu.enqueue_dma source(%arg8 : memref<80x128xf32, #tpu.memory_space<vmem>>) target(%dma_start3A_42 : memref<80x128xf32, #tpu.memory_space<vmem_shared>>) target_semaphore(%run_scoped3A : memref<!tpu.dma_semaphore, #tpu.memory_space<semaphore_mem>>)
      %dma_wait3A = arith.constant 0 : i32
      %dma_wait3A_43 = tpu.memref_slice %arg9[%add3A_19, %dma_wait3A] : memref<10000x128xf32, #tpu.memory_space<vmem_shared>> -> memref<80x128xf32, #tpu.memory_space<vmem_shared>>
      %dma_wait3A_44 = arith.constant 0 : i32
      %dma_wait3A_45 = tpu.memref_slice %arg9[%add3A_19, %dma_wait3A_44] : memref<10000x128xf32, #tpu.memory_space<vmem_shared>> -> memref<80x128xf32, #tpu.memory_space<vmem_shared>>
      tpu.wait_dma2 semaphore(%run_scoped3A : memref<!tpu.dma_semaphore, #tpu.memory_space<semaphore_mem>>) src(%arg8 : memref<80x128xf32, #tpu.memory_space<vmem>>) dst(%dma_wait3A_45 : memref<80x128xf32, #tpu.memory_space<vmem_shared>>)
      tpu.yield
    }) : () -> ()
    %add3A_20 = arith.constant 480 : i32
    %add3A_21 = arith.addi %mul3A_7, %add3A_20 : i32
    "tpu.region"() ({
      %run_scoped3A = tpu.sem_alloc : memref<!tpu.dma_semaphore, #tpu.memory_space<semaphore_mem>>
      %dma_start3A = arith.constant 0 : i32
      %dma_start3A_40 = tpu.memref_slice %arg9[%add3A_21, %dma_start3A] : memref<10000x128xf32, #tpu.memory_space<vmem_shared>> -> memref<80x128xf32, #tpu.memory_space<vmem_shared>>
      %dma_start3A_41 = arith.constant 0 : i32
      %dma_start3A_42 = tpu.memref_slice %arg9[%add3A_21, %dma_start3A_41] : memref<10000x128xf32, #tpu.memory_space<vmem_shared>> -> memref<80x128xf32, #tpu.memory_space<vmem_shared>>
      tpu.enqueue_dma source(%arg8 : memref<80x128xf32, #tpu.memory_space<vmem>>) target(%dma_start3A_42 : memref<80x128xf32, #tpu.memory_space<vmem_shared>>) target_semaphore(%run_scoped3A : memref<!tpu.dma_semaphore, #tpu.memory_space<semaphore_mem>>)
      %dma_wait3A = arith.constant 0 : i32
      %dma_wait3A_43 = tpu.memref_slice %arg9[%add3A_21, %dma_wait3A] : memref<10000x128xf32, #tpu.memory_space<vmem_shared>> -> memref<80x128xf32, #tpu.memory_space<vmem_shared>>
      %dma_wait3A_44 = arith.constant 0 : i32
      %dma_wait3A_45 = tpu.memref_slice %arg9[%add3A_21, %dma_wait3A_44] : memref<10000x128xf32, #tpu.memory_space<vmem_shared>> -> memref<80x128xf32, #tpu.memory_space<vmem_shared>>
      tpu.wait_dma2 semaphore(%run_scoped3A : memref<!tpu.dma_semaphore, #tpu.memory_space<semaphore_mem>>) src(%arg8 : memref<80x128xf32, #tpu.memory_space<vmem>>) dst(%dma_wait3A_45 : memref<80x128xf32, #tpu.memory_space<vmem_shared>>)
      tpu.yield
    }) : () -> ()
    %add3A_22 = arith.constant 560 : i32
    %add3A_23 = arith.addi %mul3A_7, %add3A_22 : i32
    "tpu.region"() ({
      %run_scoped3A = tpu.sem_alloc : memref<!tpu.dma_semaphore, #tpu.memory_space<semaphore_mem>>
      %dma_start3A = arith.constant 0 : i32
      %dma_start3A_40 = arith.constant 0 : i32
      %dma_start3A_41 = tpu.memref_slice %arg8[%dma_start3A, %dma_start3A_40] : memref<80x128xf32, #tpu.memory_space<vmem>> -> memref<64x128xf32, #tpu.memory_space<vmem>>
      %dma_start3A_42 = arith.constant 0 : i32
      %dma_start3A_43 = tpu.memref_slice %arg9[%add3A_23, %dma_start3A_42] : memref<10000x128xf32, #tpu.memory_space<vmem_shared>> -> memref<64x128xf32, #tpu.memory_space<vmem_shared>>
      %dma_start3A_44 = arith.constant 0 : i32
      %dma_start3A_45 = tpu.memref_slice %arg9[%add3A_23, %dma_start3A_44] : memref<10000x128xf32, #tpu.memory_space<vmem_shared>> -> memref<64x128xf32, #tpu.memory_space<vmem_shared>>
      %dma_start3A_46 = arith.constant 0 : i32
      %dma_start3A_47 = arith.constant 0 : i32
      %dma_start3A_48 = tpu.memref_slice %arg8[%dma_start3A_46, %dma_start3A_47] : memref<80x128xf32, #tpu.memory_space<vmem>> -> memref<64x128xf32, #tpu.memory_space<vmem>>
      tpu.enqueue_dma source(%dma_start3A_48 : memref<64x128xf32, #tpu.memory_space<vmem>>) target(%dma_start3A_45 : memref<64x128xf32, #tpu.memory_space<vmem_shared>>) target_semaphore(%run_scoped3A : memref<!tpu.dma_semaphore, #tpu.memory_space<semaphore_mem>>)
      %dma_wait3A = arith.constant 0 : i32
      %dma_wait3A_49 = arith.constant 0 : i32
      %dma_wait3A_50 = tpu.memref_slice %arg8[%dma_wait3A, %dma_wait3A_49] : memref<80x128xf32, #tpu.memory_space<vmem>> -> memref<64x128xf32, #tpu.memory_space<vmem>>
      %dma_wait3A_51 = arith.constant 0 : i32
      %dma_wait3A_52 = tpu.memref_slice %arg9[%add3A_23, %dma_wait3A_51] : memref<10000x128xf32, #tpu.memory_space<vmem_shared>> -> memref<64x128xf32, #tpu.memory_space<vmem_shared>>
      %dma_wait3A_53 = arith.constant 0 : i32
      %dma_wait3A_54 = tpu.memref_slice %arg9[%add3A_23, %dma_wait3A_53] : memref<10000x128xf32, #tpu.memory_space<vmem_shared>> -> memref<64x128xf32, #tpu.memory_space<vmem_shared>>
      %dma_wait3A_55 = arith.constant 0 : i32
      %dma_wait3A_56 = arith.constant 0 : i32
      %dma_wait3A_57 = tpu.memref_slice %arg8[%dma_wait3A_55, %dma_wait3A_56] : memref<80x128xf32, #tpu.memory_space<vmem>> -> memref<64x128xf32, #tpu.memory_space<vmem>>
      tpu.wait_dma2 semaphore(%run_scoped3A : memref<!tpu.dma_semaphore, #tpu.memory_space<semaphore_mem>>) src(%dma_wait3A_57 : memref<64x128xf32, #tpu.memory_space<vmem>>) dst(%dma_wait3A_54 : memref<64x128xf32, #tpu.memory_space<vmem_shared>>)
      tpu.yield
    }) : () -> ()
    %eq3A = arith.constant 15 : i32
    %eq3A_24 = arith.cmpi eq, %arg1, %eq3A : i32
    %convert_element_type3A = arith.extui %eq3A_24 : i1 to i32
    %cond3A = arith.constant 0 : i32
    %cond3A_25 = arith.cmpi ne, %convert_element_type3A, %cond3A : i32
    scf.if %cond3A_25 {
      "tpu.region"() ({
        %run_scoped3A = tpu.sem_alloc : memref<!tpu.dma_semaphore, #tpu.memory_space<semaphore_mem>>
        %dma_start3A = arith.constant 0 : i32
        %dma_start3A_40 = arith.constant 0 : i32
        %dma_start3A_41 = tpu.memref_slice %arg8[%dma_start3A, %dma_start3A_40] : memref<80x128xf32, #tpu.memory_space<vmem>> -> memref<16x128xf32, #tpu.memory_space<vmem>>
        %dma_start3A_42 = arith.constant 9984 : i32
        %dma_start3A_43 = arith.constant 0 : i32
        %dma_start3A_44 = tpu.memref_slice %arg9[%dma_start3A_42, %dma_start3A_43] : memref<10000x128xf32, #tpu.memory_space<vmem_shared>> -> memref<16x128xf32, #tpu.memory_space<vmem_shared>>
        %dma_start3A_45 = arith.constant 9984 : i32
        %dma_start3A_46 = arith.constant 0 : i32
        %dma_start3A_47 = tpu.memref_slice %arg9[%dma_start3A_45, %dma_start3A_46] : memref<10000x128xf32, #tpu.memory_space<vmem_shared>> -> memref<16x128xf32, #tpu.memory_space<vmem_shared>>
        %dma_start3A_48 = arith.constant 0 : i32
        %dma_start3A_49 = arith.constant 0 : i32
        %dma_start3A_50 = tpu.memref_slice %arg8[%dma_start3A_48, %dma_start3A_49] : memref<80x128xf32, #tpu.memory_space<vmem>> -> memref<16x128xf32, #tpu.memory_space<vmem>>
        tpu.enqueue_dma source(%dma_start3A_50 : memref<16x128xf32, #tpu.memory_space<vmem>>) target(%dma_start3A_47 : memref<16x128xf32, #tpu.memory_space<vmem_shared>>) target_semaphore(%run_scoped3A : memref<!tpu.dma_semaphore, #tpu.memory_space<semaphore_mem>>)
        %dma_wait3A = arith.constant 0 : i32
        %dma_wait3A_51 = arith.constant 0 : i32
        %dma_wait3A_52 = tpu.memref_slice %arg8[%dma_wait3A, %dma_wait3A_51] : memref<80x128xf32, #tpu.memory_space<vmem>> -> memref<16x128xf32, #tpu.memory_space<vmem>>
        %dma_wait3A_53 = arith.constant 9984 : i32
        %dma_wait3A_54 = arith.constant 0 : i32
        %dma_wait3A_55 = tpu.memref_slice %arg9[%dma_wait3A_53, %dma_wait3A_54] : memref<10000x128xf32, #tpu.memory_space<vmem_shared>> -> memref<16x128xf32, #tpu.memory_space<vmem_shared>>
        %dma_wait3A_56 = arith.constant 9984 : i32
        %dma_wait3A_57 = arith.constant 0 : i32
        %dma_wait3A_58 = tpu.memref_slice %arg9[%dma_wait3A_56, %dma_wait3A_57] : memref<10000x128xf32, #tpu.memory_space<vmem_shared>> -> memref<16x128xf32, #tpu.memory_space<vmem_shared>>
        %dma_wait3A_59 = arith.constant 0 : i32
        %dma_wait3A_60 = arith.constant 0 : i32
        %dma_wait3A_61 = tpu.memref_slice %arg8[%dma_wait3A_59, %dma_wait3A_60] : memref<80x128xf32, #tpu.memory_space<vmem>> -> memref<16x128xf32, #tpu.memory_space<vmem>>
        tpu.wait_dma2 semaphore(%run_scoped3A : memref<!tpu.dma_semaphore, #tpu.memory_space<semaphore_mem>>) src(%dma_wait3A_61 : memref<16x128xf32, #tpu.memory_space<vmem>>) dst(%dma_wait3A_58 : memref<16x128xf32, #tpu.memory_space<vmem_shared>>)
        tpu.yield
      }) : () -> ()
    } else {
    }
    %barrier3A = arith.constant 0 : index
    tpu.barrier barrier_id(%barrier3A)
    %mul3A_26 = arith.constant 10000 : i32
    %mul3A_27 = arith.muli %add3A, %mul3A_26 : i32
    %scan3A_28 = arith.constant 0 : i32
    %scan3A_29 = arith.constant 0 : i32
    %scan3A_30 = arith.constant 125 : i32
    %scan3A_31 = arith.addi %scan3A_29, %scan3A_30 : i32
    %scan3A_32 = arith.constant 1 : i32
    scf.for %scan3A_40 = %scan3A_29 to %scan3A_31 step %scan3A_32  : i32 {
      %mul3A_41 = arith.constant 80 : i32
      %mul3A_42 = arith.muli %scan3A_40, %mul3A_41 : i32
      %add3A_43 = arith.addi %mul3A_27, %mul3A_42 : i32
      "tpu.region"() ({
        %run_scoped3A = tpu.sem_alloc : memref<!tpu.dma_semaphore, #tpu.memory_space<semaphore_mem>>
        %dma_start3A_48 = tpu.memref_slice %arg3[%add3A_43] : memref<320000xi32, #tpu.memory_space<hbm>> -> memref<80xi32, #tpu.memory_space<hbm>>
        %dma_start3A_49 = tpu.memref_slice %arg3[%add3A_43] : memref<320000xi32, #tpu.memory_space<hbm>> -> memref<80xi32, #tpu.memory_space<hbm>>
        tpu.enqueue_dma source(%dma_start3A_49 : memref<80xi32, #tpu.memory_space<hbm>>) target(%arg6 : memref<80xi32, #tpu.memory_space<vmem>>) target_semaphore(%run_scoped3A : memref<!tpu.dma_semaphore, #tpu.memory_space<semaphore_mem>>)
        %dma_wait3A_50 = tpu.memref_slice %arg3[%add3A_43] : memref<320000xi32, #tpu.memory_space<hbm>> -> memref<80xi32, #tpu.memory_space<hbm>>
        %dma_wait3A_51 = tpu.memref_slice %arg3[%add3A_43] : memref<320000xi32, #tpu.memory_space<hbm>> -> memref<80xi32, #tpu.memory_space<hbm>>
        tpu.wait_dma2 semaphore(%run_scoped3A : memref<!tpu.dma_semaphore, #tpu.memory_space<semaphore_mem>>) src(%dma_wait3A_51 : memref<80xi32, #tpu.memory_space<hbm>>) dst(%arg6 : memref<80xi32, #tpu.memory_space<vmem>>)
        tpu.yield
      }) : () -> ()
      "tpu.region"() ({
        %run_scoped3A = tpu.sem_alloc : memref<!tpu.dma_semaphore, #tpu.memory_space<semaphore_mem>>
        %dma_start3A_48 = tpu.memref_slice %arg4[%add3A_43] : memref<320000xi32, #tpu.memory_space<hbm>> -> memref<80xi32, #tpu.memory_space<hbm>>
        %dma_start3A_49 = tpu.memref_slice %arg4[%add3A_43] : memref<320000xi32, #tpu.memory_space<hbm>> -> memref<80xi32, #tpu.memory_space<hbm>>
        tpu.enqueue_dma source(%dma_start3A_49 : memref<80xi32, #tpu.memory_space<hbm>>) target(%arg7 : memref<80xi32, #tpu.memory_space<vmem>>) target_semaphore(%run_scoped3A : memref<!tpu.dma_semaphore, #tpu.memory_space<semaphore_mem>>)
        %dma_wait3A_50 = tpu.memref_slice %arg4[%add3A_43] : memref<320000xi32, #tpu.memory_space<hbm>> -> memref<80xi32, #tpu.memory_space<hbm>>
        %dma_wait3A_51 = tpu.memref_slice %arg4[%add3A_43] : memref<320000xi32, #tpu.memory_space<hbm>> -> memref<80xi32, #tpu.memory_space<hbm>>
        tpu.wait_dma2 semaphore(%run_scoped3A : memref<!tpu.dma_semaphore, #tpu.memory_space<semaphore_mem>>) src(%dma_wait3A_51 : memref<80xi32, #tpu.memory_space<hbm>>) dst(%arg7 : memref<80xi32, #tpu.memory_space<vmem>>)
        tpu.yield
      }) : () -> ()
      %dma_start3A = arith.constant 0 : i32
      %dma_start3A_44 = arith.constant 0 : i32
      %dma_start3A_45 = tpu.memref_slice %arg2[%dma_start3A, %dma_start3A_44] : memref<10000x128xf32, #tpu.memory_space<hbm>> -> memref<10000x128xf32, #tpu.memory_space<hbm>>
      tpu.enqueue_indirect_dma source(%dma_start3A_45 : memref<10000x128xf32, #tpu.memory_space<hbm>>) target(%arg8 : memref<80x128xf32, #tpu.memory_space<vmem>>) offsets(%arg6 : memref<80xi32, #tpu.memory_space<vmem>>) semaphore(%arg10 : memref<!tpu.dma_semaphore, #tpu.memory_space<semaphore_mem>>)
      %dma_wait3A = arith.constant 0 : i32
      %dma_wait3A_46 = arith.constant 0 : i32
      %dma_wait3A_47 = tpu.memref_slice %arg2[%dma_wait3A, %dma_wait3A_46] : memref<10000x128xf32, #tpu.memory_space<hbm>> -> memref<10000x128xf32, #tpu.memory_space<hbm>>
      tpu.wait_indirect_dma semaphore(%arg10 : memref<!tpu.dma_semaphore, #tpu.memory_space<semaphore_mem>>) src(%dma_wait3A_47 : memref<10000x128xf32, #tpu.memory_space<hbm>>) dst(%arg8 : memref<80x128xf32, #tpu.memory_space<vmem>>)
      "tpu.region"() ({
        %run_scoped3A = tpu.sem_alloc : memref<!tpu.dma_semaphore, #tpu.memory_space<semaphore_mem>>
        %dma_start3A_48 = arith.constant 0 : i32
        %dma_start3A_49 = arith.constant 0 : i32
        %dma_start3A_50 = tpu.memref_slice %arg9[%dma_start3A_48, %dma_start3A_49] : memref<10000x128xf32, #tpu.memory_space<vmem_shared>> -> memref<10000x128xf32, #tpu.memory_space<vmem_shared>>
        tpu.enqueue_indirect_dma source(%arg8 : memref<80x128xf32, #tpu.memory_space<vmem>>) target(%dma_start3A_50 : memref<10000x128xf32, #tpu.memory_space<vmem_shared>>) offsets(%arg7 : memref<80xi32, #tpu.memory_space<vmem>>) semaphore(%run_scoped3A : memref<!tpu.dma_semaphore, #tpu.memory_space<semaphore_mem>>) {add = true}
        %dma_wait3A_51 = arith.constant 0 : i32
        %dma_wait3A_52 = arith.constant 0 : i32
        %dma_wait3A_53 = tpu.memref_slice %arg9[%dma_wait3A_51, %dma_wait3A_52] : memref<10000x128xf32, #tpu.memory_space<vmem_shared>> -> memref<10000x128xf32, #tpu.memory_space<vmem_shared>>
        tpu.wait_indirect_dma semaphore(%run_scoped3A : memref<!tpu.dma_semaphore, #tpu.memory_space<semaphore_mem>>) src(%arg8 : memref<80x128xf32, #tpu.memory_space<vmem>>) dst(%dma_wait3A_53 : memref<10000x128xf32, #tpu.memory_space<vmem_shared>>)
        tpu.yield
      }) : () -> ()
    }
    %scan3A_33 = arith.constant 125 : i32
    %barrier3A_34 = arith.constant 0 : index
    tpu.barrier barrier_id(%barrier3A_34)
    "tpu.region"() ({
      %run_scoped3A = tpu.sem_alloc : memref<!tpu.dma_semaphore, #tpu.memory_space<semaphore_mem>>
      %dma_start3A = arith.constant 0 : i32
      %dma_start3A_40 = tpu.memref_slice %arg5[%arg0, %mul3A_7, %dma_start3A] : memref<2x10000x128xf32, #tpu.memory_space<hbm>> -> memref<1x624x128xf32, #tpu.memory_space<hbm>>
      %dma_start3A_41 = tpu.memref_squeeze %dma_start3A_40 : memref<1x624x128xf32, #tpu.memory_space<hbm>> -> memref<624x128xf32, #tpu.memory_space<hbm>>
      %dma_start3A_42 = arith.constant 0 : i32
      %dma_start3A_43 = tpu.memref_slice %arg9[%mul3A_7, %dma_start3A_42] : memref<10000x128xf32, #tpu.memory_space<vmem_shared>> -> memref<624x128xf32, #tpu.memory_space<vmem_shared>>
      tpu.enqueue_dma source(%dma_start3A_43 : memref<624x128xf32, #tpu.memory_space<vmem_shared>>) target(%dma_start3A_41 : memref<624x128xf32, #tpu.memory_space<hbm>>) target_semaphore(%run_scoped3A : memref<!tpu.dma_semaphore, #tpu.memory_space<semaphore_mem>>)
      %dma_wait3A = arith.constant 0 : i32
      %dma_wait3A_44 = tpu.memref_slice %arg5[%arg0, %mul3A_7, %dma_wait3A] : memref<2x10000x128xf32, #tpu.memory_space<hbm>> -> memref<1x624x128xf32, #tpu.memory_space<hbm>>
      %dma_wait3A_45 = tpu.memref_squeeze %dma_wait3A_44 : memref<1x624x128xf32, #tpu.memory_space<hbm>> -> memref<624x128xf32, #tpu.memory_space<hbm>>
      %dma_wait3A_46 = arith.constant 0 : i32
      %dma_wait3A_47 = tpu.memref_slice %arg9[%mul3A_7, %dma_wait3A_46] : memref<10000x128xf32, #tpu.memory_space<vmem_shared>> -> memref<624x128xf32, #tpu.memory_space<vmem_shared>>
      tpu.wait_dma2 semaphore(%run_scoped3A : memref<!tpu.dma_semaphore, #tpu.memory_space<semaphore_mem>>) src(%dma_wait3A_47 : memref<624x128xf32, #tpu.memory_space<vmem_shared>>) dst(%dma_wait3A_45 : memref<624x128xf32, #tpu.memory_space<hbm>>)
      tpu.yield
    }) : () -> ()
    %eq3A_35 = arith.constant 15 : i32
    %eq3A_36 = arith.cmpi eq, %arg1, %eq3A_35 : i32
    %convert_element_type3A_37 = arith.extui %eq3A_36 : i1 to i32
    %cond3A_38 = arith.constant 0 : i32
    %cond3A_39 = arith.cmpi ne, %convert_element_type3A_37, %cond3A_38 : i32
    scf.if %cond3A_39 {
      "tpu.region"() ({
        %run_scoped3A = tpu.sem_alloc : memref<!tpu.dma_semaphore, #tpu.memory_space<semaphore_mem>>
        %dma_start3A = arith.constant 9984 : i32
        %dma_start3A_40 = arith.constant 0 : i32
        %dma_start3A_41 = tpu.memref_slice %arg5[%arg0, %dma_start3A, %dma_start3A_40] : memref<2x10000x128xf32, #tpu.memory_space<hbm>> -> memref<1x16x128xf32, #tpu.memory_space<hbm>>
        %dma_start3A_42 = tpu.memref_squeeze %dma_start3A_41 : memref<1x16x128xf32, #tpu.memory_space<hbm>> -> memref<16x128xf32, #tpu.memory_space<hbm>>
        %dma_start3A_43 = arith.constant 9984 : i32
        %dma_start3A_44 = arith.constant 0 : i32
        %dma_start3A_45 = tpu.memref_slice %arg9[%dma_start3A_43, %dma_start3A_44] : memref<10000x128xf32, #tpu.memory_space<vmem_shared>> -> memref<16x128xf32, #tpu.memory_space<vmem_shared>>
        tpu.enqueue_dma source(%dma_start3A_45 : memref<16x128xf32, #tpu.memory_space<vmem_shared>>) target(%dma_start3A_42 : memref<16x128xf32, #tpu.memory_space<hbm>>) target_semaphore(%run_scoped3A : memref<!tpu.dma_semaphore, #tpu.memory_space<semaphore_mem>>)
        %dma_wait3A = arith.constant 9984 : i32
        %dma_wait3A_46 = arith.constant 0 : i32
        %dma_wait3A_47 = tpu.memref_slice %arg5[%arg0, %dma_wait3A, %dma_wait3A_46] : memref<2x10000x128xf32, #tpu.memory_space<hbm>> -> memref<1x16x128xf32, #tpu.memory_space<hbm>>
        %dma_wait3A_48 = tpu.memref_squeeze %dma_wait3A_47 : memref<1x16x128xf32, #tpu.memory_space<hbm>> -> memref<16x128xf32, #tpu.memory_space<hbm>>
        %dma_wait3A_49 = arith.constant 9984 : i32
        %dma_wait3A_50 = arith.constant 0 : i32
        %dma_wait3A_51 = tpu.memref_slice %arg9[%dma_wait3A_49, %dma_wait3A_50] : memref<10000x128xf32, #tpu.memory_space<vmem_shared>> -> memref<16x128xf32, #tpu.memory_space<vmem_shared>>
        tpu.wait_dma2 semaphore(%run_scoped3A : memref<!tpu.dma_semaphore, #tpu.memory_space<semaphore_mem>>) src(%dma_wait3A_51 : memref<16x128xf32, #tpu.memory_space<vmem_shared>>) dst(%dma_wait3A_48 : memref<16x128xf32, #tpu.memory_space<hbm>>)
        tpu.yield
      }) : () -> ()
    } else {
    }
    return
  }
}

#map = affine_map<(d0, d1) -> (0, 0)>
#map1 = affine_map<(d0, d1) -> (0)>
#map2 = affine_map<(d0, d1) -> (0, 0, 0)>
module attributes {stable_mosaic.version = 14 : i64} {
  func.func @sc_kernel(%arg0: i32, %arg1: i32, %arg2: memref<10000x128xf32, #tpu.memory_space<hbm>>, %arg3: memref<320000xi32, #tpu.memory_space<hbm>>, %arg4: memref<320000xi32, #tpu.memory_space<hbm>>, %arg5: memref<2x10000x128xf32, #tpu.memory_space<hbm>>, %arg6: memref<80xi32, #tpu.memory_space<vmem>>, %arg7: memref<80xi32, #tpu.memory_space<vmem>>, %arg8: memref<80x128xf32, #tpu.memory_space<vmem>>, %arg9: memref<10000x128xf32, #tpu.memory_space<vmem_shared>>, %arg10: memref<!tpu.dma_semaphore, #tpu.memory_space<semaphore_mem>>) attributes {dimension_semantics = [#tpu.dimension_semantics<core_parallel>, #tpu.dimension_semantics<subcore_parallel>], iteration_bounds = array<i64: 2, 16>, scalar_prefetch = 0 : i64, scratch_operands = 5 : i64, tpu.core_type = #tpu.core_type<sc_vector_subcore>, window_params = [{transform_indices = #map}, {transform_indices = #map1}, {transform_indices = #map1}, {transform_indices = #map2}]} {
    %mul3A = arith.constant 2 : i32
    %mul3A_0 = arith.muli %arg1, %mul3A : i32
    %add3A = arith.addi %mul3A_0, %arg0 : i32
    %scan3A = arith.constant 0 : i32
    %scan3A_1 = arith.constant 0 : i32
    %scan3A_2 = arith.constant 80 : i32
    %scan3A_3 = arith.addi %scan3A_1, %scan3A_2 : i32
    %scan3A_4 = arith.constant 1 : i32
    scf.for %scan3A_40 = %scan3A_1 to %scan3A_3 step %scan3A_4  : i32 {
      %scan3A_41 = arith.constant 0 : i32
      %scan3A_42 = arith.constant 8 : i32
      %scan3A_43 = arith.addi %scan3A_41, %scan3A_42 : i32
      %scan3A_44 = arith.constant 1 : i32
      scf.for %scan3A_46 = %scan3A_41 to %scan3A_43 step %scan3A_44  : i32 {
        %broadcast_in_dim3A = arith.constant 0.000000e+00 : f32
        %broadcast_in_dim3A_47 = vector.broadcast %broadcast_in_dim3A : f32 to vector<16xf32>
        %mul3A_48 = arith.constant 16 : i32
        %mul3A_49 = arith.muli %scan3A_46, %mul3A_48 : i32
        %swap3A = arith.index_cast %scan3A_40 : i32 to index
        %swap3A_50 = arith.index_cast %mul3A_49 : i32 to index
        %swap3A_51 = tpu.vector_load %arg8[%swap3A, %swap3A_50] {strides = array<i32>} : memref<80x128xf32, #tpu.memory_space<vmem>>, vector<1x16xf32>,
        %swap3A_52 = vector.shape_cast %swap3A_51 : vector<1x16xf32> to vector<16xf32>
        %swap3A_53 = vector.shape_cast %broadcast_in_dim3A_47 : vector<16xf32> to vector<1x16xf32>
        tpu.vector_store %arg8[%swap3A, %swap3A_50], %swap3A_53 {strides = array<i32>} : memref<80x128xf32, #tpu.memory_space<vmem>>, vector<1x16xf32>,
      }
      %scan3A_45 = arith.constant 8 : i32
    }
    %scan3A_5 = arith.constant 80 : i32
    %mul3A_6 = arith.constant 624 : i32
    %mul3A_7 = arith.muli %arg1, %mul3A_6 : i32
    %add3A_8 = arith.constant 0 : i32
    %add3A_9 = arith.addi %mul3A_7, %add3A_8 : i32
    "tpu.region"() ({
      %run_scoped3A = tpu.sem_alloc : memref<!tpu.dma_semaphore, #tpu.memory_space<semaphore_mem>>
      %dma_start3A = arith.constant 0 : i32
      %dma_start3A_40 = tpu.memref_slice %arg9[%add3A_9, %dma_start3A] : memref<10000x128xf32, #tpu.memory_space<vmem_shared>> -> memref<80x128xf32, #tpu.memory_space<vmem_shared>>
      %dma_start3A_41 = arith.constant 0 : i32
      %dma_start3A_42 = tpu.memref_slice %arg9[%add3A_9, %dma_start3A_41] : memref<10000x128xf32, #tpu.memory_space<vmem_shared>> -> memref<80x128xf32, #tpu.memory_space<vmem_shared>>
      tpu.enqueue_dma source(%arg8 : memref<80x128xf32, #tpu.memory_space<vmem>>) target(%dma_start3A_42 : memref<80x128xf32, #tpu.memory_space<vmem_shared>>) target_semaphore(%run_scoped3A : memref<!tpu.dma_semaphore, #tpu.memory_space<semaphore_mem>>)
      %dma_wait3A = arith.constant 0 : i32
      %dma_wait3A_43 = tpu.memref_slice %arg9[%add3A_9, %dma_wait3A] : memref<10000x128xf32, #tpu.memory_space<vmem_shared>> -> memref<80x128xf32, #tpu.memory_space<vmem_shared>>
      %dma_wait3A_44 = arith.constant 0 : i32
      %dma_wait3A_45 = tpu.memref_slice %arg9[%add3A_9, %dma_wait3A_44] : memref<10000x128xf32, #tpu.memory_space<vmem_shared>> -> memref<80x128xf32, #tpu.memory_space<vmem_shared>>
      tpu.wait_dma2 semaphore(%run_scoped3A : memref<!tpu.dma_semaphore, #tpu.memory_space<semaphore_mem>>) src(%arg8 : memref<80x128xf32, #tpu.memory_space<vmem>>) dst(%dma_wait3A_45 : memref<80x128xf32, #tpu.memory_space<vmem_shared>>)
      tpu.yield
    }) : () -> ()
    %add3A_10 = arith.constant 80 : i32
    %add3A_11 = arith.addi %mul3A_7, %add3A_10 : i32
    "tpu.region"() ({
      %run_scoped3A = tpu.sem_alloc : memref<!tpu.dma_semaphore, #tpu.memory_space<semaphore_mem>>
      %dma_start3A = arith.constant 0 : i32
      %dma_start3A_40 = tpu.memref_slice %arg9[%add3A_11, %dma_start3A] : memref<10000x128xf32, #tpu.memory_space<vmem_shared>> -> memref<80x128xf32, #tpu.memory_space<vmem_shared>>
      %dma_start3A_41 = arith.constant 0 : i32
      %dma_start3A_42 = tpu.memref_slice %arg9[%add3A_11, %dma_start3A_41] : memref<10000x128xf32, #tpu.memory_space<vmem_shared>> -> memref<80x128xf32, #tpu.memory_space<vmem_shared>>
      tpu.enqueue_dma source(%arg8 : memref<80x128xf32, #tpu.memory_space<vmem>>) target(%dma_start3A_42 : memref<80x128xf32, #tpu.memory_space<vmem_shared>>) target_semaphore(%run_scoped3A : memref<!tpu.dma_semaphore, #tpu.memory_space<semaphore_mem>>)
      %dma_wait3A = arith.constant 0 : i32
      %dma_wait3A_43 = tpu.memref_slice %arg9[%add3A_11, %dma_wait3A] : memref<10000x128xf32, #tpu.memory_space<vmem_shared>> -> memref<80x128xf32, #tpu.memory_space<vmem_shared>>
      %dma_wait3A_44 = arith.constant 0 : i32
      %dma_wait3A_45 = tpu.memref_slice %arg9[%add3A_11, %dma_wait3A_44] : memref<10000x128xf32, #tpu.memory_space<vmem_shared>> -> memref<80x128xf32, #tpu.memory_space<vmem_shared>>
      tpu.wait_dma2 semaphore(%run_scoped3A : memref<!tpu.dma_semaphore, #tpu.memory_space<semaphore_mem>>) src(%arg8 : memref<80x128xf32, #tpu.memory_space<vmem>>) dst(%dma_wait3A_45 : memref<80x128xf32, #tpu.memory_space<vmem_shared>>)
      tpu.yield
    }) : () -> ()
    %add3A_12 = arith.constant 160 : i32
    %add3A_13 = arith.addi %mul3A_7, %add3A_12 : i32
    "tpu.region"() ({
      %run_scoped3A = tpu.sem_alloc : memref<!tpu.dma_semaphore, #tpu.memory_space<semaphore_mem>>
      %dma_start3A = arith.constant 0 : i32
      %dma_start3A_40 = tpu.memref_slice %arg9[%add3A_13, %dma_start3A] : memref<10000x128xf32, #tpu.memory_space<vmem_shared>> -> memref<80x128xf32, #tpu.memory_space<vmem_shared>>
      %dma_start3A_41 = arith.constant 0 : i32
      %dma_start3A_42 = tpu.memref_slice %arg9[%add3A_13, %dma_start3A_41] : memref<10000x128xf32, #tpu.memory_space<vmem_shared>> -> memref<80x128xf32, #tpu.memory_space<vmem_shared>>
      tpu.enqueue_dma source(%arg8 : memref<80x128xf32, #tpu.memory_space<vmem>>) target(%dma_start3A_42 : memref<80x128xf32, #tpu.memory_space<vmem_shared>>) target_semaphore(%run_scoped3A : memref<!tpu.dma_semaphore, #tpu.memory_space<semaphore_mem>>)
      %dma_wait3A = arith.constant 0 : i32
      %dma_wait3A_43 = tpu.memref_slice %arg9[%add3A_13, %dma_wait3A] : memref<10000x128xf32, #tpu.memory_space<vmem_shared>> -> memref<80x128xf32, #tpu.memory_space<vmem_shared>>
      %dma_wait3A_44 = arith.constant 0 : i32
      %dma_wait3A_45 = tpu.memref_slice %arg9[%add3A_13, %dma_wait3A_44] : memref<10000x128xf32, #tpu.memory_space<vmem_shared>> -> memref<80x128xf32, #tpu.memory_space<vmem_shared>>
      tpu.wait_dma2 semaphore(%run_scoped3A : memref<!tpu.dma_semaphore, #tpu.memory_space<semaphore_mem>>) src(%arg8 : memref<80x128xf32, #tpu.memory_space<vmem>>) dst(%dma_wait3A_45 : memref<80x128xf32, #tpu.memory_space<vmem_shared>>)
      tpu.yield
    }) : () -> ()
    %add3A_14 = arith.constant 240 : i32
    %add3A_15 = arith.addi %mul3A_7, %add3A_14 : i32
    "tpu.region"() ({
      %run_scoped3A = tpu.sem_alloc : memref<!tpu.dma_semaphore, #tpu.memory_space<semaphore_mem>>
      %dma_start3A = arith.constant 0 : i32
      %dma_start3A_40 = tpu.memref_slice %arg9[%add3A_15, %dma_start3A] : memref<10000x128xf32, #tpu.memory_space<vmem_shared>> -> memref<80x128xf32, #tpu.memory_space<vmem_shared>>
      %dma_start3A_41 = arith.constant 0 : i32
      %dma_start3A_42 = tpu.memref_slice %arg9[%add3A_15, %dma_start3A_41] : memref<10000x128xf32, #tpu.memory_space<vmem_shared>> -> memref<80x128xf32, #tpu.memory_space<vmem_shared>>
      tpu.enqueue_dma source(%arg8 : memref<80x128xf32, #tpu.memory_space<vmem>>) target(%dma_start3A_42 : memref<80x128xf32, #tpu.memory_space<vmem_shared>>) target_semaphore(%run_scoped3A : memref<!tpu.dma_semaphore, #tpu.memory_space<semaphore_mem>>)
      %dma_wait3A = arith.constant 0 : i32
      %dma_wait3A_43 = tpu.memref_slice %arg9[%add3A_15, %dma_wait3A] : memref<10000x128xf32, #tpu.memory_space<vmem_shared>> -> memref<80x128xf32, #tpu.memory_space<vmem_shared>>
      %dma_wait3A_44 = arith.constant 0 : i32
      %dma_wait3A_45 = tpu.memref_slice %arg9[%add3A_15, %dma_wait3A_44] : memref<10000x128xf32, #tpu.memory_space<vmem_shared>> -> memref<80x128xf32, #tpu.memory_space<vmem_shared>>
      tpu.wait_dma2 semaphore(%run_scoped3A : memref<!tpu.dma_semaphore, #tpu.memory_space<semaphore_mem>>) src(%arg8 : memref<80x128xf32, #tpu.memory_space<vmem>>) dst(%dma_wait3A_45 : memref<80x128xf32, #tpu.memory_space<vmem_shared>>)
      tpu.yield
    }) : () -> ()
    %add3A_16 = arith.constant 320 : i32
    %add3A_17 = arith.addi %mul3A_7, %add3A_16 : i32
    "tpu.region"() ({
      %run_scoped3A = tpu.sem_alloc : memref<!tpu.dma_semaphore, #tpu.memory_space<semaphore_mem>>
      %dma_start3A = arith.constant 0 : i32
      %dma_start3A_40 = tpu.memref_slice %arg9[%add3A_17, %dma_start3A] : memref<10000x128xf32, #tpu.memory_space<vmem_shared>> -> memref<80x128xf32, #tpu.memory_space<vmem_shared>>
      %dma_start3A_41 = arith.constant 0 : i32
      %dma_start3A_42 = tpu.memref_slice %arg9[%add3A_17, %dma_start3A_41] : memref<10000x128xf32, #tpu.memory_space<vmem_shared>> -> memref<80x128xf32, #tpu.memory_space<vmem_shared>>
      tpu.enqueue_dma source(%arg8 : memref<80x128xf32, #tpu.memory_space<vmem>>) target(%dma_start3A_42 : memref<80x128xf32, #tpu.memory_space<vmem_shared>>) target_semaphore(%run_scoped3A : memref<!tpu.dma_semaphore, #tpu.memory_space<semaphore_mem>>)
      %dma_wait3A = arith.constant 0 : i32
      %dma_wait3A_43 = tpu.memref_slice %arg9[%add3A_17, %dma_wait3A] : memref<10000x128xf32, #tpu.memory_space<vmem_shared>> -> memref<80x128xf32, #tpu.memory_space<vmem_shared>>
      %dma_wait3A_44 = arith.constant 0 : i32
      %dma_wait3A_45 = tpu.memref_slice %arg9[%add3A_17, %dma_wait3A_44] : memref<10000x128xf32, #tpu.memory_space<vmem_shared>> -> memref<80x128xf32, #tpu.memory_space<vmem_shared>>
      tpu.wait_dma2 semaphore(%run_scoped3A : memref<!tpu.dma_semaphore, #tpu.memory_space<semaphore_mem>>) src(%arg8 : memref<80x128xf32, #tpu.memory_space<vmem>>) dst(%dma_wait3A_45 : memref<80x128xf32, #tpu.memory_space<vmem_shared>>)
      tpu.yield
    }) : () -> ()
    %add3A_18 = arith.constant 400 : i32
    %add3A_19 = arith.addi %mul3A_7, %add3A_18 : i32
    "tpu.region"() ({
      %run_scoped3A = tpu.sem_alloc : memref<!tpu.dma_semaphore, #tpu.memory_space<semaphore_mem>>
      %dma_start3A = arith.constant 0 : i32
      %dma_start3A_40 = tpu.memref_slice %arg9[%add3A_19, %dma_start3A] : memref<10000x128xf32, #tpu.memory_space<vmem_shared>> -> memref<80x128xf32, #tpu.memory_space<vmem_shared>>
      %dma_start3A_41 = arith.constant 0 : i32
      %dma_start3A_42 = tpu.memref_slice %arg9[%add3A_19, %dma_start3A_41] : memref<10000x128xf32, #tpu.memory_space<vmem_shared>> -> memref<80x128xf32, #tpu.memory_space<vmem_shared>>
      tpu.enqueue_dma source(%arg8 : memref<80x128xf32, #tpu.memory_space<vmem>>) target(%dma_start3A_42 : memref<80x128xf32, #tpu.memory_space<vmem_shared>>) target_semaphore(%run_scoped3A : memref<!tpu.dma_semaphore, #tpu.memory_space<semaphore_mem>>)
      %dma_wait3A = arith.constant 0 : i32
      %dma_wait3A_43 = tpu.memref_slice %arg9[%add3A_19, %dma_wait3A] : memref<10000x128xf32, #tpu.memory_space<vmem_shared>> -> memref<80x128xf32, #tpu.memory_space<vmem_shared>>
      %dma_wait3A_44 = arith.constant 0 : i32
      %dma_wait3A_45 = tpu.memref_slice %arg9[%add3A_19, %dma_wait3A_44] : memref<10000x128xf32, #tpu.memory_space<vmem_shared>> -> memref<80x128xf32, #tpu.memory_space<vmem_shared>>
      tpu.wait_dma2 semaphore(%run_scoped3A : memref<!tpu.dma_semaphore, #tpu.memory_space<semaphore_mem>>) src(%arg8 : memref<80x128xf32, #tpu.memory_space<vmem>>) dst(%dma_wait3A_45 : memref<80x128xf32, #tpu.memory_space<vmem_shared>>)
      tpu.yield
    }) : () -> ()
    %add3A_20 = arith.constant 480 : i32
    %add3A_21 = arith.addi %mul3A_7, %add3A_20 : i32
    "tpu.region"() ({
      %run_scoped3A = tpu.sem_alloc : memref<!tpu.dma_semaphore, #tpu.memory_space<semaphore_mem>>
      %dma_start3A = arith.constant 0 : i32
      %dma_start3A_40 = tpu.memref_slice %arg9[%add3A_21, %dma_start3A] : memref<10000x128xf32, #tpu.memory_space<vmem_shared>> -> memref<80x128xf32, #tpu.memory_space<vmem_shared>>
      %dma_start3A_41 = arith.constant 0 : i32
      %dma_start3A_42 = tpu.memref_slice %arg9[%add3A_21, %dma_start3A_41] : memref<10000x128xf32, #tpu.memory_space<vmem_shared>> -> memref<80x128xf32, #tpu.memory_space<vmem_shared>>
      tpu.enqueue_dma source(%arg8 : memref<80x128xf32, #tpu.memory_space<vmem>>) target(%dma_start3A_42 : memref<80x128xf32, #tpu.memory_space<vmem_shared>>) target_semaphore(%run_scoped3A : memref<!tpu.dma_semaphore, #tpu.memory_space<semaphore_mem>>)
      %dma_wait3A = arith.constant 0 : i32
      %dma_wait3A_43 = tpu.memref_slice %arg9[%add3A_21, %dma_wait3A] : memref<10000x128xf32, #tpu.memory_space<vmem_shared>> -> memref<80x128xf32, #tpu.memory_space<vmem_shared>>
      %dma_wait3A_44 = arith.constant 0 : i32
      %dma_wait3A_45 = tpu.memref_slice %arg9[%add3A_21, %dma_wait3A_44] : memref<10000x128xf32, #tpu.memory_space<vmem_shared>> -> memref<80x128xf32, #tpu.memory_space<vmem_shared>>
      tpu.wait_dma2 semaphore(%run_scoped3A : memref<!tpu.dma_semaphore, #tpu.memory_space<semaphore_mem>>) src(%arg8 : memref<80x128xf32, #tpu.memory_space<vmem>>) dst(%dma_wait3A_45 : memref<80x128xf32, #tpu.memory_space<vmem_shared>>)
      tpu.yield
    }) : () -> ()
    %add3A_22 = arith.constant 560 : i32
    %add3A_23 = arith.addi %mul3A_7, %add3A_22 : i32
    "tpu.region"() ({
      %run_scoped3A = tpu.sem_alloc : memref<!tpu.dma_semaphore, #tpu.memory_space<semaphore_mem>>
      %dma_start3A = arith.constant 0 : i32
      %dma_start3A_40 = arith.constant 0 : i32
      %dma_start3A_41 = tpu.memref_slice %arg8[%dma_start3A, %dma_start3A_40] : memref<80x128xf32, #tpu.memory_space<vmem>> -> memref<64x128xf32, #tpu.memory_space<vmem>>
      %dma_start3A_42 = arith.constant 0 : i32
      %dma_start3A_43 = tpu.memref_slice %arg9[%add3A_23, %dma_start3A_42] : memref<10000x128xf32, #tpu.memory_space<vmem_shared>> -> memref<64x128xf32, #tpu.memory_space<vmem_shared>>
      %dma_start3A_44 = arith.constant 0 : i32
      %dma_start3A_45 = tpu.memref_slice %arg9[%add3A_23, %dma_start3A_44] : memref<10000x128xf32, #tpu.memory_space<vmem_shared>> -> memref<64x128xf32, #tpu.memory_space<vmem_shared>>
      %dma_start3A_46 = arith.constant 0 : i32
      %dma_start3A_47 = arith.constant 0 : i32
      %dma_start3A_48 = tpu.memref_slice %arg8[%dma_start3A_46, %dma_start3A_47] : memref<80x128xf32, #tpu.memory_space<vmem>> -> memref<64x128xf32, #tpu.memory_space<vmem>>
      tpu.enqueue_dma source(%dma_start3A_48 : memref<64x128xf32, #tpu.memory_space<vmem>>) target(%dma_start3A_45 : memref<64x128xf32, #tpu.memory_space<vmem_shared>>) target_semaphore(%run_scoped3A : memref<!tpu.dma_semaphore, #tpu.memory_space<semaphore_mem>>)
      %dma_wait3A = arith.constant 0 : i32
      %dma_wait3A_49 = arith.constant 0 : i32
      %dma_wait3A_50 = tpu.memref_slice %arg8[%dma_wait3A, %dma_wait3A_49] : memref<80x128xf32, #tpu.memory_space<vmem>> -> memref<64x128xf32, #tpu.memory_space<vmem>>
      %dma_wait3A_51 = arith.constant 0 : i32
      %dma_wait3A_52 = tpu.memref_slice %arg9[%add3A_23, %dma_wait3A_51] : memref<10000x128xf32, #tpu.memory_space<vmem_shared>> -> memref<64x128xf32, #tpu.memory_space<vmem_shared>>
      %dma_wait3A_53 = arith.constant 0 : i32
      %dma_wait3A_54 = tpu.memref_slice %arg9[%add3A_23, %dma_wait3A_53] : memref<10000x128xf32, #tpu.memory_space<vmem_shared>> -> memref<64x128xf32, #tpu.memory_space<vmem_shared>>
      %dma_wait3A_55 = arith.constant 0 : i32
      %dma_wait3A_56 = arith.constant 0 : i32
      %dma_wait3A_57 = tpu.memref_slice %arg8[%dma_wait3A_55, %dma_wait3A_56] : memref<80x128xf32, #tpu.memory_space<vmem>> -> memref<64x128xf32, #tpu.memory_space<vmem>>
      tpu.wait_dma2 semaphore(%run_scoped3A : memref<!tpu.dma_semaphore, #tpu.memory_space<semaphore_mem>>) src(%dma_wait3A_57 : memref<64x128xf32, #tpu.memory_space<vmem>>) dst(%dma_wait3A_54 : memref<64x128xf32, #tpu.memory_space<vmem_shared>>)
      tpu.yield
    }) : () -> ()
    %eq3A = arith.constant 15 : i32
    %eq3A_24 = arith.cmpi eq, %arg1, %eq3A : i32
    %convert_element_type3A = arith.extui %eq3A_24 : i1 to i32
    %cond3A = arith.constant 0 : i32
    %cond3A_25 = arith.cmpi ne, %convert_element_type3A, %cond3A : i32
    scf.if %cond3A_25 {
      "tpu.region"() ({
        %run_scoped3A = tpu.sem_alloc : memref<!tpu.dma_semaphore, #tpu.memory_space<semaphore_mem>>
        %dma_start3A = arith.constant 0 : i32
        %dma_start3A_40 = arith.constant 0 : i32
        %dma_start3A_41 = tpu.memref_slice %arg8[%dma_start3A, %dma_start3A_40] : memref<80x128xf32, #tpu.memory_space<vmem>> -> memref<16x128xf32, #tpu.memory_space<vmem>>
        %dma_start3A_42 = arith.constant 9984 : i32
        %dma_start3A_43 = arith.constant 0 : i32
        %dma_start3A_44 = tpu.memref_slice %arg9[%dma_start3A_42, %dma_start3A_43] : memref<10000x128xf32, #tpu.memory_space<vmem_shared>> -> memref<16x128xf32, #tpu.memory_space<vmem_shared>>
        %dma_start3A_45 = arith.constant 9984 : i32
        %dma_start3A_46 = arith.constant 0 : i32
        %dma_start3A_47 = tpu.memref_slice %arg9[%dma_start3A_45, %dma_start3A_46] : memref<10000x128xf32, #tpu.memory_space<vmem_shared>> -> memref<16x128xf32, #tpu.memory_space<vmem_shared>>
        %dma_start3A_48 = arith.constant 0 : i32
        %dma_start3A_49 = arith.constant 0 : i32
        %dma_start3A_50 = tpu.memref_slice %arg8[%dma_start3A_48, %dma_start3A_49] : memref<80x128xf32, #tpu.memory_space<vmem>> -> memref<16x128xf32, #tpu.memory_space<vmem>>
        tpu.enqueue_dma source(%dma_start3A_50 : memref<16x128xf32, #tpu.memory_space<vmem>>) target(%dma_start3A_47 : memref<16x128xf32, #tpu.memory_space<vmem_shared>>) target_semaphore(%run_scoped3A : memref<!tpu.dma_semaphore, #tpu.memory_space<semaphore_mem>>)
        %dma_wait3A = arith.constant 0 : i32
        %dma_wait3A_51 = arith.constant 0 : i32
        %dma_wait3A_52 = tpu.memref_slice %arg8[%dma_wait3A, %dma_wait3A_51] : memref<80x128xf32, #tpu.memory_space<vmem>> -> memref<16x128xf32, #tpu.memory_space<vmem>>
        %dma_wait3A_53 = arith.constant 9984 : i32
        %dma_wait3A_54 = arith.constant 0 : i32
        %dma_wait3A_55 = tpu.memref_slice %arg9[%dma_wait3A_53, %dma_wait3A_54] : memref<10000x128xf32, #tpu.memory_space<vmem_shared>> -> memref<16x128xf32, #tpu.memory_space<vmem_shared>>
        %dma_wait3A_56 = arith.constant 9984 : i32
        %dma_wait3A_57 = arith.constant 0 : i32
        %dma_wait3A_58 = tpu.memref_slice %arg9[%dma_wait3A_56, %dma_wait3A_57] : memref<10000x128xf32, #tpu.memory_space<vmem_shared>> -> memref<16x128xf32, #tpu.memory_space<vmem_shared>>
        %dma_wait3A_59 = arith.constant 0 : i32
        %dma_wait3A_60 = arith.constant 0 : i32
        %dma_wait3A_61 = tpu.memref_slice %arg8[%dma_wait3A_59, %dma_wait3A_60] : memref<80x128xf32, #tpu.memory_space<vmem>> -> memref<16x128xf32, #tpu.memory_space<vmem>>
        tpu.wait_dma2 semaphore(%run_scoped3A : memref<!tpu.dma_semaphore, #tpu.memory_space<semaphore_mem>>) src(%dma_wait3A_61 : memref<16x128xf32, #tpu.memory_space<vmem>>) dst(%dma_wait3A_58 : memref<16x128xf32, #tpu.memory_space<vmem_shared>>)
        tpu.yield
      }) : () -> ()
    } else {
    }
    %barrier3A = arith.constant 0 : index
    tpu.barrier barrier_id(%barrier3A)
    %mul3A_26 = arith.constant 10000 : i32
    %mul3A_27 = arith.muli %add3A, %mul3A_26 : i32
    %scan3A_28 = arith.constant 0 : i32
    %scan3A_29 = arith.constant 0 : i32
    %scan3A_30 = arith.constant 125 : i32
    %scan3A_31 = arith.addi %scan3A_29, %scan3A_30 : i32
    %scan3A_32 = arith.constant 1 : i32
    scf.for %scan3A_40 = %scan3A_29 to %scan3A_31 step %scan3A_32  : i32 {
      %mul3A_41 = arith.constant 80 : i32
      %mul3A_42 = arith.muli %scan3A_40, %mul3A_41 : i32
      %add3A_43 = arith.addi %mul3A_27, %mul3A_42 : i32
      "tpu.region"() ({
        %run_scoped3A = tpu.sem_alloc : memref<!tpu.dma_semaphore, #tpu.memory_space<semaphore_mem>>
        %dma_start3A_48 = tpu.memref_slice %arg3[%add3A_43] : memref<320000xi32, #tpu.memory_space<hbm>> -> memref<80xi32, #tpu.memory_space<hbm>>
        %dma_start3A_49 = tpu.memref_slice %arg3[%add3A_43] : memref<320000xi32, #tpu.memory_space<hbm>> -> memref<80xi32, #tpu.memory_space<hbm>>
        tpu.enqueue_dma source(%dma_start3A_49 : memref<80xi32, #tpu.memory_space<hbm>>) target(%arg6 : memref<80xi32, #tpu.memory_space<vmem>>) target_semaphore(%run_scoped3A : memref<!tpu.dma_semaphore, #tpu.memory_space<semaphore_mem>>)
        %dma_wait3A_50 = tpu.memref_slice %arg3[%add3A_43] : memref<320000xi32, #tpu.memory_space<hbm>> -> memref<80xi32, #tpu.memory_space<hbm>>
        %dma_wait3A_51 = tpu.memref_slice %arg3[%add3A_43] : memref<320000xi32, #tpu.memory_space<hbm>> -> memref<80xi32, #tpu.memory_space<hbm>>
        tpu.wait_dma2 semaphore(%run_scoped3A : memref<!tpu.dma_semaphore, #tpu.memory_space<semaphore_mem>>) src(%dma_wait3A_51 : memref<80xi32, #tpu.memory_space<hbm>>) dst(%arg6 : memref<80xi32, #tpu.memory_space<vmem>>)
        tpu.yield
      }) : () -> ()
      "tpu.region"() ({
        %run_scoped3A = tpu.sem_alloc : memref<!tpu.dma_semaphore, #tpu.memory_space<semaphore_mem>>
        %dma_start3A_48 = tpu.memref_slice %arg4[%add3A_43] : memref<320000xi32, #tpu.memory_space<hbm>> -> memref<80xi32, #tpu.memory_space<hbm>>
        %dma_start3A_49 = tpu.memref_slice %arg4[%add3A_43] : memref<320000xi32, #tpu.memory_space<hbm>> -> memref<80xi32, #tpu.memory_space<hbm>>
        tpu.enqueue_dma source(%dma_start3A_49 : memref<80xi32, #tpu.memory_space<hbm>>) target(%arg7 : memref<80xi32, #tpu.memory_space<vmem>>) target_semaphore(%run_scoped3A : memref<!tpu.dma_semaphore, #tpu.memory_space<semaphore_mem>>)
        %dma_wait3A_50 = tpu.memref_slice %arg4[%add3A_43] : memref<320000xi32, #tpu.memory_space<hbm>> -> memref<80xi32, #tpu.memory_space<hbm>>
        %dma_wait3A_51 = tpu.memref_slice %arg4[%add3A_43] : memref<320000xi32, #tpu.memory_space<hbm>> -> memref<80xi32, #tpu.memory_space<hbm>>
        tpu.wait_dma2 semaphore(%run_scoped3A : memref<!tpu.dma_semaphore, #tpu.memory_space<semaphore_mem>>) src(%dma_wait3A_51 : memref<80xi32, #tpu.memory_space<hbm>>) dst(%arg7 : memref<80xi32, #tpu.memory_space<vmem>>)
        tpu.yield
      }) : () -> ()
      %dma_start3A = arith.constant 0 : i32
      %dma_start3A_44 = arith.constant 0 : i32
      %dma_start3A_45 = tpu.memref_slice %arg2[%dma_start3A, %dma_start3A_44] : memref<10000x128xf32, #tpu.memory_space<hbm>> -> memref<10000x128xf32, #tpu.memory_space<hbm>>
      tpu.enqueue_indirect_dma source(%dma_start3A_45 : memref<10000x128xf32, #tpu.memory_space<hbm>>) target(%arg8 : memref<80x128xf32, #tpu.memory_space<vmem>>) offsets(%arg6 : memref<80xi32, #tpu.memory_space<vmem>>) semaphore(%arg10 : memref<!tpu.dma_semaphore, #tpu.memory_space<semaphore_mem>>)
      %dma_wait3A = arith.constant 0 : i32
      %dma_wait3A_46 = arith.constant 0 : i32
      %dma_wait3A_47 = tpu.memref_slice %arg2[%dma_wait3A, %dma_wait3A_46] : memref<10000x128xf32, #tpu.memory_space<hbm>> -> memref<10000x128xf32, #tpu.memory_space<hbm>>
      tpu.wait_indirect_dma semaphore(%arg10 : memref<!tpu.dma_semaphore, #tpu.memory_space<semaphore_mem>>) src(%dma_wait3A_47 : memref<10000x128xf32, #tpu.memory_space<hbm>>) dst(%arg8 : memref<80x128xf32, #tpu.memory_space<vmem>>)
      "tpu.region"() ({
        %run_scoped3A = tpu.sem_alloc : memref<!tpu.dma_semaphore, #tpu.memory_space<semaphore_mem>>
        %dma_start3A_48 = arith.constant 0 : i32
        %dma_start3A_49 = arith.constant 0 : i32
        %dma_start3A_50 = tpu.memref_slice %arg9[%dma_start3A_48, %dma_start3A_49] : memref<10000x128xf32, #tpu.memory_space<vmem_shared>> -> memref<10000x128xf32, #tpu.memory_space<vmem_shared>>
        tpu.enqueue_indirect_dma source(%arg8 : memref<80x128xf32, #tpu.memory_space<vmem>>) target(%dma_start3A_50 : memref<10000x128xf32, #tpu.memory_space<vmem_shared>>) offsets(%arg7 : memref<80xi32, #tpu.memory_space<vmem>>) semaphore(%run_scoped3A : memref<!tpu.dma_semaphore, #tpu.memory_space<semaphore_mem>>) {add = true}
        %dma_wait3A_51 = arith.constant 0 : i32
        %dma_wait3A_52 = arith.constant 0 : i32
        %dma_wait3A_53 = tpu.memref_slice %arg9[%dma_wait3A_51, %dma_wait3A_52] : memref<10000x128xf32, #tpu.memory_space<vmem_shared>> -> memref<10000x128xf32, #tpu.memory_space<vmem_shared>>
        tpu.wait_indirect_dma semaphore(%run_scoped3A : memref<!tpu.dma_semaphore, #tpu.memory_space<semaphore_mem>>) src(%arg8 : memref<80x128xf32, #tpu.memory_space<vmem>>) dst(%dma_wait3A_53 : memref<10000x128xf32, #tpu.memory_space<vmem_shared>>)
        tpu.yield
      }) : () -> ()
    }
    %scan3A_33 = arith.constant 125 : i32
    %barrier3A_34 = arith.constant 0 : index
    tpu.barrier barrier_id(%barrier3A_34)
    "tpu.region"() ({
      %run_scoped3A = tpu.sem_alloc : memref<!tpu.dma_semaphore, #tpu.memory_space<semaphore_mem>>
      %dma_start3A = arith.constant 0 : i32
      %dma_start3A_40 = tpu.memref_slice %arg5[%arg0, %mul3A_7, %dma_start3A] : memref<2x10000x128xf32, #tpu.memory_space<hbm>> -> memref<1x624x128xf32, #tpu.memory_space<hbm>>
      %dma_start3A_41 = tpu.memref_squeeze %dma_start3A_40 : memref<1x624x128xf32, #tpu.memory_space<hbm>> -> memref<624x128xf32, #tpu.memory_space<hbm>>
      %dma_start3A_42 = arith.constant 0 : i32
      %dma_start3A_43 = tpu.memref_slice %arg9[%mul3A_7, %dma_start3A_42] : memref<10000x128xf32, #tpu.memory_space<vmem_shared>> -> memref<624x128xf32, #tpu.memory_space<vmem_shared>>
      tpu.enqueue_dma source(%dma_start3A_43 : memref<624x128xf32, #tpu.memory_space<vmem_shared>>) target(%dma_start3A_41 : memref<624x128xf32, #tpu.memory_space<hbm>>) target_semaphore(%run_scoped3A : memref<!tpu.dma_semaphore, #tpu.memory_space<semaphore_mem>>)
      %dma_wait3A = arith.constant 0 : i32
      %dma_wait3A_44 = tpu.memref_slice %arg5[%arg0, %mul3A_7, %dma_wait3A] : memref<2x10000x128xf32, #tpu.memory_space<hbm>> -> memref<1x624x128xf32, #tpu.memory_space<hbm>>
      %dma_wait3A_45 = tpu.memref_squeeze %dma_wait3A_44 : memref<1x624x128xf32, #tpu.memory_space<hbm>> -> memref<624x128xf32, #tpu.memory_space<hbm>>
      %dma_wait3A_46 = arith.constant 0 : i32
      %dma_wait3A_47 = tpu.memref_slice %arg9[%mul3A_7, %dma_wait3A_46] : memref<10000x128xf32, #tpu.memory_space<vmem_shared>> -> memref<624x128xf32, #tpu.memory_space<vmem_shared>>
      tpu.wait_dma2 semaphore(%run_scoped3A : memref<!tpu.dma_semaphore, #tpu.memory_space<semaphore_mem>>) src(%dma_wait3A_47 : memref<624x128xf32, #tpu.memory_space<vmem_shared>>) dst(%dma_wait3A_45 : memref<624x128xf32, #tpu.memory_space<hbm>>)
      tpu.yield
    }) : () -> ()
    %eq3A_35 = arith.constant 15 : i32
    %eq3A_36 = arith.cmpi eq, %arg1, %eq3A_35 : i32
    %convert_element_type3A_37 = arith.extui %eq3A_36 : i1 to i32
    %cond3A_38 = arith.constant 0 : i32
    %cond3A_39 = arith.cmpi ne, %convert_element_type3A_37, %cond3A_38 : i32
    scf.if %cond3A_39 {
      "tpu.region"() ({
        %run_scoped3A = tpu.sem_alloc : memref<!tpu.dma_semaphore, #tpu.memory_space<semaphore_mem>>
        %dma_start3A = arith.constant 9984 : i32
        %dma_start3A_40 = arith.constant 0 : i32
        %dma_start3A_41 = tpu.memref_slice %arg5[%arg0, %dma_start3A, %dma_start3A_40] : memref<2x10000x128xf32, #tpu.memory_space<hbm>> -> memref<1x16x128xf32, #tpu.memory_space<hbm>>
        %dma_start3A_42 = tpu.memref_squeeze %dma_start3A_41 : memref<1x16x128xf32, #tpu.memory_space<hbm>> -> memref<16x128xf32, #tpu.memory_space<hbm>>
        %dma_start3A_43 = arith.constant 9984 : i32
        %dma_start3A_44 = arith.constant 0 : i32
        %dma_start3A_45 = tpu.memref_slice %arg9[%dma_start3A_43, %dma_start3A_44] : memref<10000x128xf32, #tpu.memory_space<vmem_shared>> -> memref<16x128xf32, #tpu.memory_space<vmem_shared>>
        tpu.enqueue_dma source(%dma_start3A_45 : memref<16x128xf32, #tpu.memory_space<vmem_shared>>) target(%dma_start3A_42 : memref<16x128xf32, #tpu.memory_space<hbm>>) target_semaphore(%run_scoped3A : memref<!tpu.dma_semaphore, #tpu.memory_space<semaphore_mem>>)
        %dma_wait3A = arith.constant 9984 : i32
        %dma_wait3A_46 = arith.constant 0 : i32
        %dma_wait3A_47 = tpu.memref_slice %arg5[%arg0, %dma_wait3A, %dma_wait3A_46] : memref<2x10000x128xf32, #tpu.memory_space<hbm>> -> memref<1x16x128xf32, #tpu.memory_space<hbm>>
        %dma_wait3A_48 = tpu.memref_squeeze %dma_wait3A_47 : memref<1x16x128xf32, #tpu.memory_space<hbm>> -> memref<16x128xf32, #tpu.memory_space<hbm>>
        %dma_wait3A_49 = arith.constant 9984 : i32
        %dma_wait3A_50 = arith.constant 0 : i32
        %dma_wait3A_51 = tpu.memref_slice %arg9[%dma_wait3A_49, %dma_wait3A_50] : memref<10000x128xf32, #tpu.memory_space<vmem_shared>> -> memref<16x128xf32, #tpu.memory_space<vmem_shared>>
        tpu.wait_dma2 semaphore(%run_scoped3A : memref<!tpu.dma_semaphore, #tpu.memory_space<semaphore_mem>>) src(%dma_wait3A_51 : memref<16x128xf32, #tpu.memory_space<vmem_shared>>) dst(%dma_wait3A_48 : memref<16x128xf32, #tpu.memory_space<hbm>>)
        tpu.yield
      }) : () -> ()
    } else {
    }
    return
  }
}

module attributes {stable_mosaic.version = 14 : i64} {
  func.func @_mlp_last_kernel(%arg0: memref<10000x128xf32, #tpu.memory_space<vmem>>, %arg1: memref<10000x128xf32, #tpu.memory_space<vmem>>, %arg2: memref<10000x128xf32, #tpu.memory_space<vmem>>, %arg3: memref<128x256xf32, #tpu.memory_space<vmem>>, %arg4: memref<1x256xf32, #tpu.memory_space<vmem>>, %arg5: memref<256x128xf32, #tpu.memory_space<vmem>>, %arg6: memref<1x128xf32, #tpu.memory_space<vmem>>, %arg7: memref<1x128xf32, #tpu.memory_space<vmem>>, %arg8: memref<1x128xf32, #tpu.memory_space<vmem>>, %arg9: memref<1x1xf32, #tpu.memory_space<vmem>>, %arg10: memref<1x10000xi32, #tpu.memory_space<vmem>>, %arg11: memref<128x128xf32, #tpu.memory_space<vmem>>) attributes {dimension_semantics = [], scalar_prefetch = 0 : i64, scratch_operands = 0 : i64, tpu.core_type = #tpu.core_type<tc>} {
    %get3A = arith.constant 0 : index
    %get3A_0 = arith.constant 0 : index
    %get3A_1 = vector.load %arg9[%get3A, %get3A_0] : memref<1x1xf32, #tpu.memory_space<vmem>>, vector<1x1xf32>
    %get3A_2 = vector.extract %get3A_1[0, 0] : f32 from vector<1x1xf32>
    %add3A = arith.constant 1.000000e+00 : f32
    %add3A_3 = arith.addf %add3A, %get3A_2 : f32
    %get3A_4 = arith.constant 0 : index
    %get3A_5 = arith.constant 0 : index
    %get3A_6 = vector.load %arg0[%get3A_4, %get3A_5] : memref<10000x128xf32, #tpu.memory_space<vmem>>, vector<10000x128xf32>
    %mul3A = vector.broadcast %add3A_3 : f32 to vector<10000x128xf32>
    %mul3A_7 = arith.mulf %mul3A, %get3A_6 : vector<10000x128xf32>
    %get3A_8 = arith.constant 0 : index
    %get3A_9 = arith.constant 0 : index
    %get3A_10 = vector.load %arg1[%get3A_8, %get3A_9] : memref<10000x128xf32, #tpu.memory_space<vmem>>, vector<10000x128xf32>
    %add3A_11 = arith.addf %mul3A_7, %get3A_10 : vector<10000x128xf32>
    %get3A_12 = arith.constant 0 : index
    %get3A_13 = arith.constant 0 : index
    %get3A_14 = vector.load %arg2[%get3A_12, %get3A_13] : memref<10000x128xf32, #tpu.memory_space<vmem>>, vector<10000x128xf32>
    %add3A_15 = arith.addf %add3A_11, %get3A_14 : vector<10000x128xf32>
    %get3A_16 = arith.constant 0 : index
    %get3A_17 = arith.constant 0 : index
    %get3A_18 = vector.load %arg3[%get3A_16, %get3A_17] : memref<128x256xf32, #tpu.memory_space<vmem>>, vector<128x256xf32>
    %convert_element_type3A = arith.truncf %add3A_15 : vector<10000x128xf32> to vector<10000x128xbf16>
    %convert_element_type3A_19 = arith.truncf %get3A_18 : vector<128x256xf32> to vector<128x256xbf16>
    %dot_general3A = arith.constant dense<0.000000e+00> : vector<10000x256xf32>
    %dot_general3A_20 = tpu.matmul %convert_element_type3A, %convert_element_type3A_19, %dot_general3A {dimension_numbers = #tpu.dot_dimension_numbers<[1], [0], [0], [1], [0, 0, 1, 1], [], []>, transpose_lhs_hint = false} : vector<10000x128xbf16>, vector<128x256xbf16>, vector<10000x256xf32> -> vector<10000x256xf32>
    %get3A_21 = arith.constant 0 : index
    %get3A_22 = arith.constant 0 : index
    %get3A_23 = vector.load %arg4[%get3A_21, %get3A_22] : memref<1x256xf32, #tpu.memory_space<vmem>>, vector<1x256xf32>
    %add3A_24 = vector.broadcast %get3A_23 : vector<1x256xf32> to vector<10000x256xf32>
    %add3A_25 = arith.addf %dot_general3A_20, %add3A_24 : vector<10000x256xf32>
    %max3A = arith.constant 0.000000e+00 : f32
    %max3A_26 = vector.broadcast %max3A : f32 to vector<10000x256xf32>
    %max3A_27 = arith.maximumf %add3A_25, %max3A_26 : vector<10000x256xf32>
    %get3A_28 = arith.constant 0 : index
    %get3A_29 = arith.constant 0 : index
    %get3A_30 = vector.load %arg5[%get3A_28, %get3A_29] : memref<256x128xf32, #tpu.memory_space<vmem>>, vector<256x128xf32>
    %convert_element_type3A_31 = arith.truncf %max3A_27 : vector<10000x256xf32> to vector<10000x256xbf16>
    %convert_element_type3A_32 = arith.truncf %get3A_30 : vector<256x128xf32> to vector<256x128xbf16>
    %dot_general3A_33 = arith.constant dense<0.000000e+00> : vector<10000x128xf32>
    %dot_general3A_34 = tpu.matmul %convert_element_type3A_31, %convert_element_type3A_32, %dot_general3A_33 {dimension_numbers = #tpu.dot_dimension_numbers<[1], [0], [0], [1], [0, 0, 1, 1], [], []>, transpose_lhs_hint = false} : vector<10000x256xbf16>, vector<256x128xbf16>, vector<10000x128xf32> -> vector<10000x128xf32>
    %get3A_35 = arith.constant 0 : index
    %get3A_36 = arith.constant 0 : index
    %get3A_37 = vector.load %arg6[%get3A_35, %get3A_36] : memref<1x128xf32, #tpu.memory_space<vmem>>, vector<1x128xf32>
    %add3A_38 = vector.broadcast %get3A_37 : vector<1x128xf32> to vector<10000x128xf32>
    %add3A_39 = arith.addf %dot_general3A_34, %add3A_38 : vector<10000x128xf32>
    %reduce_sum3A = arith.constant dense<0.000000e+00> : vector<128xf32>
    %reduce_sum3A_40 = vector.multi_reduction <add>, %add3A_39, %reduce_sum3A [0] : vector<10000x128xf32> to vector<128xf32>
    %broadcast_in_dim3A = vector.shape_cast %reduce_sum3A_40 : vector<128xf32> to vector<1x128xf32>
    %div3A = arith.constant 1.000000e+04 : f32
    %div3A_41 = vector.broadcast %div3A : f32 to vector<1x128xf32>
    %div3A_42 = arith.divf %broadcast_in_dim3A, %div3A_41 : vector<1x128xf32>
    %sub3A = vector.broadcast %div3A_42 : vector<1x128xf32> to vector<10000x128xf32>
    %sub3A_43 = arith.subf %add3A_39, %sub3A : vector<10000x128xf32>
    %mul3A_44 = arith.mulf %sub3A_43, %sub3A_43 : vector<10000x128xf32>
    %reduce_sum3A_45 = arith.constant dense<0.000000e+00> : vector<128xf32>
    %reduce_sum3A_46 = vector.multi_reduction <add>, %mul3A_44, %reduce_sum3A_45 [0] : vector<10000x128xf32> to vector<128xf32>
    %broadcast_in_dim3A_47 = vector.shape_cast %reduce_sum3A_46 : vector<128xf32> to vector<1x128xf32>
    %div3A_48 = arith.constant 1.000000e+04 : f32
    %div3A_49 = vector.broadcast %div3A_48 : f32 to vector<1x128xf32>
    %div3A_50 = arith.divf %broadcast_in_dim3A_47, %div3A_49 : vector<1x128xf32>
    %add3A_51 = arith.constant 9.99999974E-6 : f32
    %add3A_52 = vector.broadcast %add3A_51 : f32 to vector<1x128xf32>
    %add3A_53 = arith.addf %div3A_50, %add3A_52 : vector<1x128xf32>
    %rsqrt3A = math.rsqrt %add3A_53 : vector<1x128xf32>
    %mul3A_54 = arith.constant 5.000000e-01 : f32
    %mul3A_55 = vector.broadcast %mul3A_54 : f32 to vector<1x128xf32>
    %mul3A_56 = arith.mulf %mul3A_55, %add3A_53 : vector<1x128xf32>
    %mul3A_57 = arith.mulf %mul3A_56, %rsqrt3A : vector<1x128xf32>
    %mul3A_58 = arith.mulf %mul3A_57, %rsqrt3A : vector<1x128xf32>
    %sub3A_59 = arith.constant 1.500000e+00 : f32
    %sub3A_60 = vector.broadcast %sub3A_59 : f32 to vector<1x128xf32>
    %sub3A_61 = arith.subf %sub3A_60, %mul3A_58 : vector<1x128xf32>
    %mul3A_62 = arith.mulf %rsqrt3A, %sub3A_61 : vector<1x128xf32>
    %mul3A_63 = vector.broadcast %mul3A_62 : vector<1x128xf32> to vector<10000x128xf32>
    %mul3A_64 = arith.mulf %sub3A_43, %mul3A_63 : vector<10000x128xf32>
    %get3A_65 = arith.constant 0 : index
    %get3A_66 = arith.constant 0 : index
    %get3A_67 = vector.load %arg7[%get3A_65, %get3A_66] : memref<1x128xf32, #tpu.memory_space<vmem>>, vector<1x128xf32>
    %mul3A_68 = vector.broadcast %get3A_67 : vector<1x128xf32> to vector<10000x128xf32>
    %mul3A_69 = arith.mulf %mul3A_64, %mul3A_68 : vector<10000x128xf32>
    %get3A_70 = arith.constant 0 : index
    %get3A_71 = arith.constant 0 : index
    %get3A_72 = vector.load %arg8[%get3A_70, %get3A_71] : memref<1x128xf32, #tpu.memory_space<vmem>>, vector<1x128xf32>
    %add3A_73 = vector.broadcast %get3A_72 : vector<1x128xf32> to vector<10000x128xf32>
    %add3A_74 = arith.addf %mul3A_69, %add3A_73 : vector<10000x128xf32>
    %iota3A = tpu.iota {dimensions = array<i32: 0>} : vector<128x10000xi32>
    %get3A_75 = arith.constant 0 : index
    %get3A_76 = arith.constant 0 : index
    %get3A_77 = vector.load %arg10[%get3A_75, %get3A_76] : memref<1x10000xi32, #tpu.memory_space<vmem>>, vector<1x10000xi32>
    %eq3A = vector.broadcast %get3A_77 : vector<1x10000xi32> to vector<128x10000xi32>
    %eq3A_78 = arith.cmpi eq, %iota3A, %eq3A : vector<128x10000xi32>
    %convert_element_type3A_79 = arith.extui %eq3A_78 : vector<128x10000xi1> to vector<128x10000xi32>
    %convert_element_type3A_80 = arith.sitofp %convert_element_type3A_79 : vector<128x10000xi32> to vector<128x10000xf32>
    %dot_general3A_81 = arith.constant dense<0.000000e+00> : vector<128x128xf32>
    %dot_general3A_82 = tpu.matmul %convert_element_type3A_80, %add3A_74, %dot_general3A_81 {dimension_numbers = #tpu.dot_dimension_numbers<[1], [0], [0], [1], [0, 0, 1, 1], [], []>, precision = #tpu.contract_precision<fp32>, transpose_lhs_hint = false} : vector<128x10000xf32>, vector<10000x128xf32>, vector<128x128xf32> -> vector<128x128xf32>
    %reduce_sum3A_83 = arith.constant dense<0.000000e+00> : vector<128xf32>
    %reduce_sum3A_84 = vector.multi_reduction <add>, %convert_element_type3A_80, %reduce_sum3A_83 [1] : vector<128x10000xf32> to vector<128xf32>
    %broadcast_in_dim3A_85 = vector.shape_cast %reduce_sum3A_84 : vector<128xf32> to vector<128x1xf32>
    %max3A_86 = arith.constant 1.000000e+00 : f32
    %max3A_87 = vector.broadcast %max3A_86 : f32 to vector<128x1xf32>
    %max3A_88 = arith.maximumf %broadcast_in_dim3A_85, %max3A_87 : vector<128x1xf32>
    %div3A_89 = vector.broadcast %max3A_88 : vector<128x1xf32> to vector<128x128xf32>
    %div3A_90 = arith.divf %dot_general3A_82, %div3A_89 : vector<128x128xf32>
    %swap3A = arith.constant 0 : index
    %swap3A_91 = arith.constant 0 : index
    %swap3A_92 = vector.load %arg11[%swap3A, %swap3A_91] : memref<128x128xf32, #tpu.memory_space<vmem>>, vector<128x128xf32>
    tpu.vector_store %arg11[%swap3A, %swap3A_91], %div3A_90 {strides = array<i32>} : memref<128x128xf32, #tpu.memory_space<vmem>>, vector<128x128xf32>,
    return
  }
}

module attributes {stable_mosaic.version = 14 : i64} {
  func.func @_mlp_mid_kernel(%arg0: memref<10000x128xf32, #tpu.memory_space<vmem>>, %arg1: memref<10000x128xf32, #tpu.memory_space<vmem>>, %arg2: memref<10000x128xf32, #tpu.memory_space<vmem>>, %arg3: memref<128x256xf32, #tpu.memory_space<vmem>>, %arg4: memref<1x256xf32, #tpu.memory_space<vmem>>, %arg5: memref<256x128xf32, #tpu.memory_space<vmem>>, %arg6: memref<1x128xf32, #tpu.memory_space<vmem>>, %arg7: memref<1x128xf32, #tpu.memory_space<vmem>>, %arg8: memref<1x128xf32, #tpu.memory_space<vmem>>, %arg9: memref<1x1xf32, #tpu.memory_space<vmem>>, %arg10: memref<10000x128xf32, #tpu.memory_space<vmem>>) attributes {dimension_semantics = [], scalar_prefetch = 0 : i64, scratch_operands = 0 : i64, tpu.core_type = #tpu.core_type<tc>} {
    %get3A = arith.constant 0 : index
    %get3A_0 = arith.constant 0 : index
    %get3A_1 = vector.load %arg9[%get3A, %get3A_0] : memref<1x1xf32, #tpu.memory_space<vmem>>, vector<1x1xf32>
    %get3A_2 = vector.extract %get3A_1[0, 0] : f32 from vector<1x1xf32>
    %add3A = arith.constant 1.000000e+00 : f32
    %add3A_3 = arith.addf %add3A, %get3A_2 : f32
    %get3A_4 = arith.constant 0 : index
    %get3A_5 = arith.constant 0 : index
    %get3A_6 = vector.load %arg0[%get3A_4, %get3A_5] : memref<10000x128xf32, #tpu.memory_space<vmem>>, vector<10000x128xf32>
    %mul3A = vector.broadcast %add3A_3 : f32 to vector<10000x128xf32>
    %mul3A_7 = arith.mulf %mul3A, %get3A_6 : vector<10000x128xf32>
    %get3A_8 = arith.constant 0 : index
    %get3A_9 = arith.constant 0 : index
    %get3A_10 = vector.load %arg1[%get3A_8, %get3A_9] : memref<10000x128xf32, #tpu.memory_space<vmem>>, vector<10000x128xf32>
    %add3A_11 = arith.addf %mul3A_7, %get3A_10 : vector<10000x128xf32>
    %get3A_12 = arith.constant 0 : index
    %get3A_13 = arith.constant 0 : index
    %get3A_14 = vector.load %arg2[%get3A_12, %get3A_13] : memref<10000x128xf32, #tpu.memory_space<vmem>>, vector<10000x128xf32>
    %add3A_15 = arith.addf %add3A_11, %get3A_14 : vector<10000x128xf32>
    %get3A_16 = arith.constant 0 : index
    %get3A_17 = arith.constant 0 : index
    %get3A_18 = vector.load %arg3[%get3A_16, %get3A_17] : memref<128x256xf32, #tpu.memory_space<vmem>>, vector<128x256xf32>
    %convert_element_type3A = arith.truncf %add3A_15 : vector<10000x128xf32> to vector<10000x128xbf16>
    %convert_element_type3A_19 = arith.truncf %get3A_18 : vector<128x256xf32> to vector<128x256xbf16>
    %dot_general3A = arith.constant dense<0.000000e+00> : vector<10000x256xf32>
    %dot_general3A_20 = tpu.matmul %convert_element_type3A, %convert_element_type3A_19, %dot_general3A {dimension_numbers = #tpu.dot_dimension_numbers<[1], [0], [0], [1], [0, 0, 1, 1], [], []>, transpose_lhs_hint = false} : vector<10000x128xbf16>, vector<128x256xbf16>, vector<10000x256xf32> -> vector<10000x256xf32>
    %get3A_21 = arith.constant 0 : index
    %get3A_22 = arith.constant 0 : index
    %get3A_23 = vector.load %arg4[%get3A_21, %get3A_22] : memref<1x256xf32, #tpu.memory_space<vmem>>, vector<1x256xf32>
    %add3A_24 = vector.broadcast %get3A_23 : vector<1x256xf32> to vector<10000x256xf32>
    %add3A_25 = arith.addf %dot_general3A_20, %add3A_24 : vector<10000x256xf32>
    %max3A = arith.constant 0.000000e+00 : f32
    %max3A_26 = vector.broadcast %max3A : f32 to vector<10000x256xf32>
    %max3A_27 = arith.maximumf %add3A_25, %max3A_26 : vector<10000x256xf32>
    %get3A_28 = arith.constant 0 : index
    %get3A_29 = arith.constant 0 : index
    %get3A_30 = vector.load %arg5[%get3A_28, %get3A_29] : memref<256x128xf32, #tpu.memory_space<vmem>>, vector<256x128xf32>
    %convert_element_type3A_31 = arith.truncf %max3A_27 : vector<10000x256xf32> to vector<10000x256xbf16>
    %convert_element_type3A_32 = arith.truncf %get3A_30 : vector<256x128xf32> to vector<256x128xbf16>
    %dot_general3A_33 = arith.constant dense<0.000000e+00> : vector<10000x128xf32>
    %dot_general3A_34 = tpu.matmul %convert_element_type3A_31, %convert_element_type3A_32, %dot_general3A_33 {dimension_numbers = #tpu.dot_dimension_numbers<[1], [0], [0], [1], [0, 0, 1, 1], [], []>, transpose_lhs_hint = false} : vector<10000x256xbf16>, vector<256x128xbf16>, vector<10000x128xf32> -> vector<10000x128xf32>
    %get3A_35 = arith.constant 0 : index
    %get3A_36 = arith.constant 0 : index
    %get3A_37 = vector.load %arg6[%get3A_35, %get3A_36] : memref<1x128xf32, #tpu.memory_space<vmem>>, vector<1x128xf32>
    %add3A_38 = vector.broadcast %get3A_37 : vector<1x128xf32> to vector<10000x128xf32>
    %add3A_39 = arith.addf %dot_general3A_34, %add3A_38 : vector<10000x128xf32>
    %reduce_sum3A = arith.constant dense<0.000000e+00> : vector<128xf32>
    %reduce_sum3A_40 = vector.multi_reduction <add>, %add3A_39, %reduce_sum3A [0] : vector<10000x128xf32> to vector<128xf32>
    %broadcast_in_dim3A = vector.shape_cast %reduce_sum3A_40 : vector<128xf32> to vector<1x128xf32>
    %div3A = arith.constant 1.000000e+04 : f32
    %div3A_41 = vector.broadcast %div3A : f32 to vector<1x128xf32>
    %div3A_42 = arith.divf %broadcast_in_dim3A, %div3A_41 : vector<1x128xf32>
    %sub3A = vector.broadcast %div3A_42 : vector<1x128xf32> to vector<10000x128xf32>
    %sub3A_43 = arith.subf %add3A_39, %sub3A : vector<10000x128xf32>
    %mul3A_44 = arith.mulf %sub3A_43, %sub3A_43 : vector<10000x128xf32>
    %reduce_sum3A_45 = arith.constant dense<0.000000e+00> : vector<128xf32>
    %reduce_sum3A_46 = vector.multi_reduction <add>, %mul3A_44, %reduce_sum3A_45 [0] : vector<10000x128xf32> to vector<128xf32>
    %broadcast_in_dim3A_47 = vector.shape_cast %reduce_sum3A_46 : vector<128xf32> to vector<1x128xf32>
    %div3A_48 = arith.constant 1.000000e+04 : f32
    %div3A_49 = vector.broadcast %div3A_48 : f32 to vector<1x128xf32>
    %div3A_50 = arith.divf %broadcast_in_dim3A_47, %div3A_49 : vector<1x128xf32>
    %add3A_51 = arith.constant 9.99999974E-6 : f32
    %add3A_52 = vector.broadcast %add3A_51 : f32 to vector<1x128xf32>
    %add3A_53 = arith.addf %div3A_50, %add3A_52 : vector<1x128xf32>
    %rsqrt3A = math.rsqrt %add3A_53 : vector<1x128xf32>
    %mul3A_54 = arith.constant 5.000000e-01 : f32
    %mul3A_55 = vector.broadcast %mul3A_54 : f32 to vector<1x128xf32>
    %mul3A_56 = arith.mulf %mul3A_55, %add3A_53 : vector<1x128xf32>
    %mul3A_57 = arith.mulf %mul3A_56, %rsqrt3A : vector<1x128xf32>
    %mul3A_58 = arith.mulf %mul3A_57, %rsqrt3A : vector<1x128xf32>
    %sub3A_59 = arith.constant 1.500000e+00 : f32
    %sub3A_60 = vector.broadcast %sub3A_59 : f32 to vector<1x128xf32>
    %sub3A_61 = arith.subf %sub3A_60, %mul3A_58 : vector<1x128xf32>
    %mul3A_62 = arith.mulf %rsqrt3A, %sub3A_61 : vector<1x128xf32>
    %mul3A_63 = vector.broadcast %mul3A_62 : vector<1x128xf32> to vector<10000x128xf32>
    %mul3A_64 = arith.mulf %sub3A_43, %mul3A_63 : vector<10000x128xf32>
    %get3A_65 = arith.constant 0 : index
    %get3A_66 = arith.constant 0 : index
    %get3A_67 = vector.load %arg7[%get3A_65, %get3A_66] : memref<1x128xf32, #tpu.memory_space<vmem>>, vector<1x128xf32>
    %mul3A_68 = vector.broadcast %get3A_67 : vector<1x128xf32> to vector<10000x128xf32>
    %mul3A_69 = arith.mulf %mul3A_64, %mul3A_68 : vector<10000x128xf32>
    %get3A_70 = arith.constant 0 : index
    %get3A_71 = arith.constant 0 : index
    %get3A_72 = vector.load %arg8[%get3A_70, %get3A_71] : memref<1x128xf32, #tpu.memory_space<vmem>>, vector<1x128xf32>
    %add3A_73 = vector.broadcast %get3A_72 : vector<1x128xf32> to vector<10000x128xf32>
    %add3A_74 = arith.addf %mul3A_69, %add3A_73 : vector<10000x128xf32>
    %max3A_75 = arith.constant 0.000000e+00 : f32
    %max3A_76 = vector.broadcast %max3A_75 : f32 to vector<10000x128xf32>
    %max3A_77 = arith.maximumf %add3A_74, %max3A_76 : vector<10000x128xf32>
    %swap3A = arith.constant 0 : index
    %swap3A_78 = arith.constant 0 : index
    %swap3A_79 = vector.load %arg10[%swap3A, %swap3A_78] : memref<10000x128xf32, #tpu.memory_space<vmem>>, vector<10000x128xf32>
    tpu.vector_store %arg10[%swap3A, %swap3A_78], %max3A_77 {strides = array<i32>} : memref<10000x128xf32, #tpu.memory_space<vmem>>, vector<10000x128xf32>,
    return
  }
}

</mosaic_0001>

<sc_bundles>
// kernel: kernel.12.cloned.1.call-start
scs
__scs_entry_jumppad:
0x0: {  	(pc) =	sbr.rel $0x88, $3  }
0x1: {  	(tag) =	ssettag $0x0;
	lr =	simm.s32 $0x1  }
0x2: {  	[smem:$0x3F97] =	sst lr;
	_ =	strace $0xD0000000  }
0x3: {  	_ = 	snop  }
0x4: {  	_ = 	snop  }
0x5: {  	_ = 	snop  }
0x6: {  	_ = 	snop  }
0x7: {  	_ = 	snop  }
__scs_overlays_trampoline_lowered:
0x8: {  	[smem:$0x3FA6] =	sst s0  }
0x9: {  	[smem:$0x3FA7] =	sst s1  }
0xa: {  	[smem:$0x3FA8] =	sst s2  }
0xb: {  	[smem:$0x3FA9] =	sst s3  }
0xc: {  	[smem:$0x3FAA] =	sst s4  }
0xd: {  	[smem:$0x3FAB] =	sst s5  }
0xe: {  	[smem:$0x3FAC] =	sst s6  }
0xf: {  	[smem:$0x3FAD] =	sst s7  }
0x10: {  	[smem:$0x3FAE] =	sst s8  }
0x11: {  	[smem:$0x3FAF] =	sst s9;
	s0 =	simm.s32 @!p0 $0x0  }
0x12: {  	s1 =	sld [smem:$0x3F95];
	s0 =	simm.s32 @p0 $0x1  }
0x13: {  	[smem:$0x3FB0] =	sst s0;
	s0 =	simm.s32 @!p1 $0x0  }
0x14: {  	s2 =	sld [smem:$0x3F94];
	s0 =	simm.s32 @p1 $0x1  }
0x15: {  	[smem:$0x3FB1] =	sst s0;
	s0 =	simm.s32 @!p2 $0x0  }
0x16: {  	s3 =	sld [smem:$0x3FDB];
	s0 =	simm.s32 @p2 $0x1  }
0x17: {  	s4 =	simm.s32 $0x1BF5;
	[smem:$0x3FB3] =	sst s0  }
0x18: {  	s0 =	sld [smem:$0x3F96];
	_ =	swait.ge [sflag:s4], $0x0  }
0x19: {  	s7 =	sld [smem:$0x3F97]  }
0x1a: {  	s8 =	sadd.s32 $0xFFFFE003, lr  }
0x1b: {  	s9 =	sadd.s32 $0xFFFFFEF7, lr;
	s5 =	simm.s32 $0xFFFFFFFF;
	p2 =	slt.u32 s8, $0xFFFFF086  }
0x1c: {  	p1 =	slt.u32 s9, $0xF7A;
	s5 =	simm.s32 @!p2 $0x0  }
0x1d: {  	s5 =	simm.s32 @p1 $0x1;
	p0 =	seq.s32 s7, s2  }
0x1e: {  	s7 =	smul.u32 @!p0 $0xF7A, s2;
	p2 =	seq.s32 @!p0 s5, $0x0  }
0x1f: {  	s9 =	smul.u32 $0xF7A, s1;
	s8 =	simm.s32 @!p0 $0x1BF5;
	p2 =	por !p2, p0  }
0x20: {  	[sflag:s8] =	ssyncset.s32 @!p0 $0xFFFFF086;
	s6 =	sadd.s32 @!p0 s3, s7;
	s7 =	simm.s32 @!p0 $0x108  }
0x21: {  	s3 =	sadd.s32 s3, s9;
	s6 =	sadd.s32 @!p0 $0x88, s6;
	s7 =	simm.s32 @p2 $0x1082  }
0x22: {  	[simem:s7], [sflag:s8] =	dma.local @!p0 [hbm:s6], $0xF7A  }
0x23: {  	s9 =	sor.u32 $0xD0000000, s2;
	s6 =	simm.s32 $0x108;
	_ =	swait.ge @!p0 [sflag:s8], $0x0  }
0x24: {  	s3 =	sadd.s32 $0x88, s3;
	s6 =	simm.s32 @!p1 $0x1082;
	[sflag:s4] =	ssyncset.s32 $0xFFFFF086  }
0x25: {  	[simem:s6], [sflag:s4] =	dma.local [hbm:s3], $0xF7A  }
0x26: {  	[smem:$0x3F97] =	sst s1;
	(tag) =	ssettag s2;
	_ =	strace s9  }
0x27: {  	s1 =	sld [smem:$0x3FA7]  }
0x28: {  	s2 =	sld [smem:$0x3FA8]  }
0x29: {  	s4 =	sld [smem:$0x3FAA]  }
0x2a: {  	p0 =	seq.s32 s5, $0x0;
	s5 =	sld [smem:$0x3FAB]  }
0x2b: {  	s6 =	sld [smem:$0x3FAC]  }
0x2c: {  	s7 =	sld [smem:$0x3FAD]  }
0x2d: {  	s3 =	simm.s32 $0x108;
	s8 =	sld [smem:$0x3FAE]  }
0x2e: {  	s3 =	simm.s32 @!p0 $0x1082;
	s9 =	sld [smem:$0x3FAF]  }
0x2f: {  	lr =	sadd.s32 s0, s3;
	s0 =	sld [smem:$0x3FA6]  }
0x30: {  	s3 =	sld [smem:$0x3FA9]  }
0x31: {  	[smem:$0x3FB2] =	sst s10  }
0x32: {  	s10 =	sld [smem:$0x3FB0];
	_ =	sdelay $0x3  }
0x33: {  	p0 =	seq.s32 s10, $0x1;
	s10 =	sld [smem:$0x3FB2];
	_ =	sdelay $0x3  }
0x34: {  	[smem:$0x3FB2] =	sst s10  }
0x35: {  	s10 =	sld [smem:$0x3FB1];
	_ =	sdelay $0x3  }
0x36: {  	p1 =	seq.s32 s10, $0x1;
	s10 =	sld [smem:$0x3FB2];
	_ =	sdelay $0x3  }
0x37: {  	[smem:$0x3FB2] =	sst s10  }
0x38: {  	s10 =	sld [smem:$0x3FB3]  }
0x39: {  	_ = 	snop;
	(pc) =	sbr.ind lr, $3  }
0x3a: {  	_ = 	snop  }
0x3b: {  	_ = 	snop  }
0x3c: {  	p2 =	seq.s32 s10, $0x1;
	s10 =	sld [smem:$0x3FB2]  }
0x3d: {  	_ =	shalt  }
0x3e: {  	_ =	shalt  }
0x3f: {  	_ =	shalt  }
0x40: {  	_ =	shalt  }
0x41: {  	_ =	shalt  }
0x42: {  	_ =	shalt  }
0x43: {  	_ =	shalt  }
0x44: {  	_ =	shalt  }
0x45: {  	_ =	shalt  }
0x46: {  	_ =	shalt  }
0x47: {  	_ =	shalt  }
0x48: {  	_ =	shalt  }
0x49: {  	_ =	shalt  }
0x4a: {  	_ =	shalt  }
0x4b: {  	_ =	shalt  }
0x4c: {  	_ =	shalt  }
0x4d: {  	_ =	shalt  }
0x4e: {  	_ =	shalt  }
0x4f: {  	_ =	shalt  }
0x50: {  	_ =	shalt  }
0x51: {  	_ =	shalt  }
0x52: {  	_ =	shalt  }
0x53: {  	_ =	shalt  }
0x54: {  	_ =	shalt  }
0x55: {  	_ =	shalt  }
0x56: {  	_ =	shalt  }
0x57: {  	_ =	shalt  }
0x58: {  	_ =	shalt  }
0x59: {  	_ =	shalt  }
0x5a: {  	_ =	shalt  }
0x5b: {  	_ =	shalt  }
0x5c: {  	_ =	shalt  }
0x5d: {  	_ =	shalt  }
0x5e: {  	_ =	shalt  }
0x5f: {  	_ =	shalt  }
0x60: {  	_ =	shalt  }
0x61: {  	_ =	shalt  }
0x62: {  	_ =	shalt  }
0x63: {  	_ =	shalt  }
0x64: {  	_ =	shalt  }
0x65: {  	_ =	shalt  }
0x66: {  	_ =	shalt  }
0x67: {  	_ =	shalt  }
0x68: {  	_ =	shalt  }
0x69: {  	_ =	shalt  }
0x6a: {  	_ =	shalt  }
0x6b: {  	_ =	shalt  }
0x6c: {  	_ =	shalt  }
0x6d: {  	_ =	shalt  }
0x6e: {  	_ =	shalt  }
0x6f: {  	_ =	shalt  }
0x70: {  	_ =	shalt  }
0x71: {  	_ =	shalt  }
0x72: {  	_ =	shalt  }
0x73: {  	_ =	shalt  }
0x74: {  	_ =	shalt  }
0x75: {  	_ =	shalt  }
0x76: {  	_ =	shalt  }
0x77: {  	_ =	shalt  }
0x78: {  	_ =	shalt  }
0x79: {  	_ =	shalt  }
0x7a: {  	_ =	shalt  }
0x7b: {  	_ =	shalt  }
0x7c: {  	_ =	shalt  }
0x7d: {  	_ =	shalt  }
0x7e: {  	_ =	shalt  }
0x7f: {  	_ =	shalt  }
0x80: {  	_ =	shalt  }
0x81: {  	_ =	shalt  }
0x82: {  	_ =	shalt  }
0x83: {  	_ =	shalt  }
0x84: {  	_ =	shalt  }
0x85: {  	_ =	shalt  }
0x86: {  	_ =	shalt  }
0x87: {  	_ =	shalt  }
.Lfunc_end0:
.L_simem_size_0:
called_computation_lowered:
.L_overlay_start_0:
0x88: {  	s2 =	sld [smem:$0x3FD9]  }
0x89: {  	s3 =	sld [smem:$0x3FFE];
	_ =	sdelay $0x1  }
0x8a: {  	s1 =	srdreg.scid  }
0x8b: {  	s0 =	sand.u32 $0x1, s1  }
0x8c: {  	s17 =	sshll.u32 s0, $0xA;
	s2 =	sadd.s32 s3, s2  }
0x8d: {  	s2 =	sadd.s32 s2, s17  }
0x8e: {  	[smem:$0x3FBE] =	sst s2  }
0x8f: {  	_ = 	snop  }
0x90: {  	s2 =	sld [smem:$0x3FC9];
	(tm) =	ssettm $0x1  }
0x91: {  	s18 =	sld [smem:$0x3FFB];
	_ =	sdelay $0x3  }
0x92: {  	_ =	strace s18  }
0x93: {  	s3 =	sld [smem:$0x3FFC];
	_ =	sdelay $0x3  }
0x94: {  	_ =	strace s3  }
0x95: {  	s3 =	sld [smem:$0x3FFD];
	_ =	sdelay $0x3  }
0x96: {  	_ =	strace s3  }
0x97: {  	_ =	strace $0x8FFFFFFF  }
0x98: {  	s19 =	sld [smem:$0x3FDB];
	_ =	sdelay $0x1  }
0x99: {  	s4 =	simm.s32 $_scs_section_size  }
0x9a: {  	s5 =	simm.s32 $_size__tile_overlayer_lowered;
	s6 =	simm.s32 $_tile_overlayer_lowered  }
0x9b: {  	s22 =	simm.s32 $0x1BFF;
	s21 =	sshll.u32 s6, $0x1;
	s3 =	sadd.s32 s4, s19  }
0x9c: {  	s7 =	simm.s32 $0x0;
	s20 =	sshll.u32 s5, $0x1;
	s5 =	sadd.s32 s21, s3  }
0x9d: {  	[timem:s7], [sflag:s22] =	dma.local [hbm:s5], s20  }
0x9e: {  	_ =	swait.ge [sflag:s22], s20  }
0x9f: {  	s4 =	ssub.s32 $0x0, s20;
	[sflag:s22] =	ssyncset.done $0x0  }
0xa0: {  	[sflag:s22] =	ssyncadd.s32 s4;
	_ =	sdelay $0x1  }
0xa1: {  	s23 =	simm.s32 $0x1B8B  }
0xa2: {  	_ =	swait.ge [sflag:s23], $0x1  }
0xa3: {  	[sflag:s23] =	ssyncset.done $0x0  }
0xa4: {  	s25 =	simm.s32 $0x1B8E;
	s24 =	sld [smem:$0x3FFE];
	[sflag:s23] =	ssyncadd.s32 $0xFFFFFFFF  }
0xa5: {  	s26 =	simm.s32 $execute0_lowered;
	[smem:$0x3FD2] =	sst s25  }
0xa6: {  	s5 =	sshll.u32 s26, $0x1;
	_ =	strace $0x80000046;
	[dreg:$0x1] =	wrdreg $0xFFFFFFFF  }
0xa7: {  	s28 =	simm.s32 $_size_execute0_lowered;
	s3 =	sadd.s32 s3, s5;
	[dreg:$0x0] =	wrdreg $0x0  }
0xa8: {  	s5 =	sshll.u32 s28, $0x1;
	[dreg:$0x2] =	wrdreg s3  }
0xa9: {  	[dreg:$0x3] =	wrdreg s5  }
0xaa: {  	[dreg:$0x4] =	wrdreg $0xC0  }
0xab: {  	_ =	task [dreg:s7], $0x5FFFF  }
0xac: {  	[dreg:$0x1] =	wrdreg $0xFFFFFFFF  }
0xad: {  	[dreg:$0x0] =	wrdreg $0x60  }
0xae: {  	[dreg:$0x2] =	wrdreg s2  }
0xaf: {  	[dreg:$0x3] =	wrdreg s24  }
0xb0: {  	[dreg:$0x4] =	wrdreg $0x29000  }
0xb1: {  	[dreg:$0x5] =	wrdreg $0x9  }
0xb2: {  	_ =	task.clear_ibuf [dreg:s7], $0x6FFFF;
	_ =	strace $0x90000046  }
0xb3: {  	s29 =	simm.s32 $0x9;
	_ =	strace $0x80000048  }
0xb4: {  	_ =	swait.ge [sflag:s29], $0x1  }
0xb5: {  	[sflag:s29] =	ssyncadd.s32 $0xFFFFFFFF  }
0xb6: {  	_ =	strace $0x90000048  }
0xb7: {  	_ =	sfence  }
0xb8: {  	s30 =	sld [smem:$0x0];
	_ =	sdelay $0x2  }
0xb9: {  	s31 =	sshll.u32 s1, $0xD;
	s1 =	sshrl.u32 s1, $0x2  }
0xba: {  	s3 =	sand.u32 $0x4000, s31;
	s1 =	sadd.s32 s1, s30  }
0xbb: {  	s0 =	sor.u32 s3, s0;
	s1 =	sshll.u32 s1, $0x11  }
0xbc: {  	s0 =	sor.u32 s1, s0  }
0xbd: {  	s0 =	sadd.s32 $0x8F2B, s0  }
0xbe: {  	[sflag:s0] =	ssyncadd.remote.s32 $0x1  }
0xbf: {  	_ =	sfence.sel $0xFFFF  }
0xc0: {  	[dreg:$0x0] =	wrdreg $0xFFFFFFFF;
	(pc) =	sbr.abs _section_cstart, $3  }
0xc1: {  	[dreg:$0x1] =	wrdreg $0xFFFFFFFF  }
0xc2: {  	_ =	task.clear_ibuf [dreg:s7], $0x2FFFF;
	_ =	strace $0x9FFFFFFF  }
0xc3: {  	(tm) =	ssettm $0x7FFFFFFF  }
tec
execute0_lowered:
.L_overlay_start_1:
0x0: {  	(tag) =	ssettag $0x1  }
0x1: {  	s1 =	rddreg [dreg:$0x0]  }
0x2: {  	s2 =	srdreg.scid;
	s5 =	rddreg [dreg:$0x1]  }
0x3: {  	s0 =	stileid.u32;
	s3 =	rddreg [dreg:$0x2];
	s4 =	simm.s32 $0x0  }
0x4: {  	s19 =	simm.s32 $0x100;
	s20 =	simm.s32 $0x2;
	s21 =	simm.s32 $0x80  }
0x5: {  	s22 =	simm.s32 $0x50;
	s23 =	simm.s32 $0x1;
	s6 =	smul.u32 $0x4E20, s0  }
0x6: {  	s7 =	sand.u32 $0x1, s2;
	s2 =	rddreg [dreg:$0x3];
	s30 =	smul.u32 $0x4E000, s0  }
0x7: {  	s24 =	simm.s32 $0x0;
	[smem:$0x7FF] =	sst s4;
	s15 =	smul.u32 $0x13800, s0  }
0x8: {  	s14 =	sadd.s32 $0x19E00, s5;
	p0 =	sne.s32 s0, $0xF;
	s8 =	smul.u32 $0x2710, s7  }
0x9: {  	_ =	strace $0x80000047;
	s31 =	ssub.s32 $0x2, s7;
	s13 =	smul.u32 $0x138800, s7  }
0xa: {  	s9 =	sshrl.u32 s31, $0x1;
	s6 =	sadd.s32 s8, s6;
	s8 =	sshrl.u32 s30, $0x2  }
0xb: {  	s16 =	ssub.s32 s31, s9;
	s15 =	sadd.s32 s15, s13;
	s17 =	sshrl.u32 s13, $0x3  }
0xc: {  	s13 =	sadd.s32 $0x138000, s3;
	s6 =	sshrl.u32 s6, $0x3;
	s15 =	sshrl.u32 s15, $0x3  }
0xd: {  	s17 =	sadd.s32 s14, s17;
	s16 =	smax.u32 s16, $0x1;
	s18 =	sadd.s32 s6, s5  }
0xe: {  	s5 =	sadd.s32 s8, s3;
	s14 =	sadd.s32 s14, s15;
	s15 =	sadd.s32 $0x27000, s17  }
0xf: {  	s6 =	sadd.s32 $0x2800, s5;
	s7 =	sadd.s32 $0x5000, s5;
	s8 =	sadd.s32 $0x7800, s5  }
0x10: {  	s9 =	sadd.s32 $0xA000, s5;
	s10 =	sadd.s32 $0xC800, s5;
	s11 =	sadd.s32 $0xF000, s5  }
0x11: {  	v0 =	vimm.f32 $0.0e+00;
	s12 =	sadd.s32 $0x11800, s5;
	s17 =	sadd.s32 $0x6200, s18;
	s18 =	sadd.s32 $0x10000, s18  }
.LBB2_1:
0x12: {  	s25 =	simm.s32 $0x70;
	s26 =	simm.s32 $0x3C0  }
.LBB2_2:
0x13: {  	p1 =	sne.s32 s26, $0x9FC0;
	[tilespmem:s25+$0x100] =	vst v0  }
0x14: {  	[tilespmem:s25+$0x90] =	vst v0  }
0x15: {  	[tilespmem:s25+$0xA0] =	vst v0  }
.Ltmp0:
0x16: {  	[tilespmem:s25+$0xB0] =	vst v0;
	(pc) =	sbr.rel @p1 .LBB2_2-.Ltmp0, $4  }
0x17: {  	[tilespmem:s25+$0xC0] =	vst v0  }
0x18: {  	[tilespmem:s25+$0xD0] =	vst v0  }
0x19: {  	[tilespmem:s25+$0xE0] =	vst v0  }
0x1a: {  	[tilespmem:s25+$0xF0] =	vst v0;
	s25 =	sshra.s32 s26, $0x2;
	s26 =	sadd.s32 $0x200, s26  }
0x1b: {  	[tilespmem:s25+$0x100] =	vst v0  }
0x1c: {  	[tilespmem:s25+$0x90] =	vst v0  }
0x1d: {  	[tilespmem:s25+$0xA0] =	vst v0  }
0x1e: {  	[tilespmem:s25+$0xB0] =	vst v0  }
0x1f: {  	[tilespmem:s25+$0xC0] =	vst v0  }
0x20: {  	[tilespmem:s25+$0xD0] =	vst v0  }
0x21: {  	[tilespmem:s25+$0xE0] =	vst v0  }
0x22: {  	[tilespmem:s25+$0xF0] =	vst v0  }
0x23: {  	[spmem:s5] =	stream.linear.scatter [tilespmem:s19], [sflag:$0x2], $0x2800, $0x38;
	[tilespmem:$0x16180] =	vst v63  }
0x24: {  	_ =	swait.ge [sflag:s20], $0x2800  }
0x25: {  	[sflag:s20] =	ssyncset.done $0x0  }
0x26: {  	[sflag:s20] =	ssyncadd.s32 $0xFFFFD800  }
0x27: {  	[spmem:s6] =	stream.linear.scatter [tilespmem:s19], [sflag:$0x2], $0x2800, $0x38;
	[tilespmem:$0x16180] =	vst v63  }
0x28: {  	_ =	swait.ge [sflag:s20], $0x2800  }
0x29: {  	[sflag:s20] =	ssyncset.done $0x0  }
0x2a: {  	[sflag:s20] =	ssyncadd.s32 $0xFFFFD800  }
0x2b: {  	[spmem:s7] =	stream.linear.scatter [tilespmem:s19], [sflag:$0x2], $0x2800, $0x38;
	[tilespmem:$0x16180] =	vst v63  }
0x2c: {  	_ =	swait.ge [sflag:s20], $0x2800  }
0x2d: {  	[sflag:s20] =	ssyncset.done $0x0  }
0x2e: {  	[sflag:s20] =	ssyncadd.s32 $0xFFFFD800  }
0x2f: {  	[spmem:s8] =	stream.linear.scatter [tilespmem:s19], [sflag:$0x2], $0x2800, $0x38;
	[tilespmem:$0x16180] =	vst v63  }
0x30: {  	_ =	swait.ge [sflag:s20], $0x2800  }
0x31: {  	[sflag:s20] =	ssyncset.done $0x0  }
0x32: {  	[sflag:s20] =	ssyncadd.s32 $0xFFFFD800  }
0x33: {  	[spmem:s9] =	stream.linear.scatter [tilespmem:s19], [sflag:$0x2], $0x2800, $0x38;
	[tilespmem:$0x16180] =	vst v63  }
0x34: {  	_ =	swait.ge [sflag:s20], $0x2800  }
0x35: {  	[sflag:s20] =	ssyncset.done $0x0  }
0x36: {  	[sflag:s20] =	ssyncadd.s32 $0xFFFFD800  }
0x37: {  	[spmem:s10] =	stream.linear.scatter [tilespmem:s19], [sflag:$0x2], $0x2800, $0x38;
	[tilespmem:$0x16180] =	vst v63  }
0x38: {  	_ =	swait.ge [sflag:s20], $0x2800  }
0x39: {  	[sflag:s20] =	ssyncset.done $0x0  }
0x3a: {  	[sflag:s20] =	ssyncadd.s32 $0xFFFFD800  }
0x3b: {  	[spmem:s11] =	stream.linear.scatter [tilespmem:s19], [sflag:$0x2], $0x2800, $0x38;
	[tilespmem:$0x16180] =	vst v63  }
0x3c: {  	_ =	swait.ge [sflag:s20], $0x2800  }
0x3d: {  	[sflag:s20] =	ssyncset.done $0x0  }
0x3e: {  	[sflag:s20] =	ssyncadd.s32 $0xFFFFD800  }
0x3f: {  	[spmem:s12] =	stream.linear.scatter [tilespmem:s19], [sflag:$0x2], $0x2000, $0x38;
	[tilespmem:$0x16180] =	vst v63  }
0x40: {  	_ =	swait.ge [sflag:s20], $0x2000  }
0x41: {  	[sflag:s20] =	ssyncset.done $0x0  }
0x42: {  	s25 =	simm.s32 @!p0 $0x100;
	[sflag:s20] =	ssyncadd.s32 $0xFFFFE000  }
0x43: {  	[spmem:s13] =	stream.linear.scatter @!p0 [tilespmem:s25], [sflag:$0x2], $0x800, $0x38;
	[tilespmem:$0x16180] =	vst v63  }
0x44: {  	s25 =	simm.s32 @!p0 $0x2  }
0x45: {  	_ =	swait.ge @!p0 [sflag:s25], $0x800  }
0x46: {  	[sflag:s25] =	ssyncset.done @!p0 $0x0  }
0x47: {  	[sflag:s25] =	ssyncadd.s32 @!p0 $0xFFFFF800  }
0x48: {  	s30 =	sadd.s32 $0x0, s18;
	[bflag:$0x0] =	sbarrier.arrive $0xFFFF  }
0x49: {  	[tilespmem:s4], [sflag:$0x2] =	stream.linear.gather [hbm4b:s30+s4], $0x50, $0x38;
	[tilespmem:$0x16180] =	vst v63  }
0x4a: {  	_ =	swait.ge [sflag:s20], $0x50  }
0x4b: {  	[sflag:s20] =	ssyncset.done $0x0  }
0x4c: {  	s31 =	sadd.s32 $0x0, s17;
	[sflag:s20] =	ssyncadd.s32 $0xFFFFFFB0  }
0x4d: {  	[tilespmem:s21], [sflag:$0x2] =	stream.linear.gather [hbm4b:s31+s4], $0x50, $0x38;
	[tilespmem:$0x16180] =	vst v63  }
0x4e: {  	_ =	swait.ge [sflag:s20], $0x50  }
0x4f: {  	[sflag:s20] =	ssyncset.done $0x0  }
0x50: {  	[sflag:s20] =	ssyncadd.s32 $0xFFFFFFB0  }
0x51: {  	[tilespmem:s19], [sflag:$0x1] =	stream.indirect.gather [hbm4b:s1+s22], $0x80, s4, s22, $0xb8;
	[tilespmem:$0x16180] =	vst v63  }
0x52: {  	_ =	swait.ge [sflag:s23], $0x2800  }
0x53: {  	[sflag:s23] =	ssyncset.done $0x0  }
0x54: {  	[sflag:s23] =	ssyncadd.s32 $0xFFFFD800  }
0x55: {  	[spmem:s3] =	stream.indirect.scatter.add.f32 [tilespmem:s19], [sflag:$0x2], $0x80, s21, s22, $0xb8;
	[tilespmem:$0x16180] =	vst v63  }
0x56: {  	_ =	swait.ge [sflag:s20], $0x2800  }
0x57: {  	s26 =	simm.s32 $0x14;
	s25 =	simm.s32 $0xA;
	[sflag:s20] =	ssyncset.done $0x0  }
.LBB2_4:
0x58: {  	s28 =	sadd.s32 s25, s18  }
0x59: {  	[sflag:s20] =	ssyncadd.s32 $0xFFFFD800;
	s29 =	smov.u32 s26;
	s30 =	sadd.s32 $0xA, s26  }
0x5a: {  	[tilespmem:s4], [sflag:$0x2] =	stream.linear.gather [hbm4b:s28+s4], $0x50, $0x38;
	[tilespmem:$0x16180] =	vst v63  }
0x5b: {  	p1 =	sne.s32 s26, $0x4D8;
	_ =	swait.ge [sflag:s20], $0x50  }
0x5c: {  	[sflag:s20] =	ssyncset.done $0x0  }
0x5d: {  	s26 =	sadd.s32 s25, s17;
	s25 =	smov.u32 s29;
	[sflag:s20] =	ssyncadd.s32 $0xFFFFFFB0  }
0x5e: {  	[tilespmem:s21], [sflag:$0x2] =	stream.linear.gather [hbm4b:s26+s4], $0x50, $0x38;
	[tilespmem:$0x16180] =	vst v63  }
0x5f: {  	_ =	swait.ge [sflag:s20], $0x50  }
0x60: {  	[sflag:s20] =	ssyncset.done $0x0  }
0x61: {  	[sflag:s20] =	ssyncadd.s32 $0xFFFFFFB0  }
0x62: {  	[tilespmem:s19], [sflag:$0x1] =	stream.indirect.gather [hbm4b:s1+s22], $0x80, s4, s22, $0xb8;
	[tilespmem:$0x16180] =	vst v63  }
0x63: {  	_ =	swait.ge [sflag:s23], $0x2800  }
.Ltmp1:
0x64: {  	[sflag:s23] =	ssyncset.done $0x0;
	(pc) =	sbr.rel @p1 .LBB2_4-.Ltmp1, $4  }
0x65: {  	[sflag:s23] =	ssyncadd.s32 $0xFFFFD800  }
0x66: {  	[spmem:s3] =	stream.indirect.scatter.add.f32 [tilespmem:s19], [sflag:$0x2], $0x80, s21, s22, $0xb8;
	[tilespmem:$0x16180] =	vst v63  }
0x67: {  	_ =	swait.ge [sflag:s20], $0x2800  }
0x68: {  	s26 =	smov.u32 s30;
	[sflag:s20] =	ssyncset.done $0x0  }
0x69: {  	s26 =	sadd.s32 s25, s18;
	[sflag:s20] =	ssyncadd.s32 $0xFFFFD800  }
0x6a: {  	[tilespmem:s4], [sflag:$0x2] =	stream.linear.gather [hbm4b:s26+s4], $0x50, $0x38;
	[tilespmem:$0x16180] =	vst v63  }
0x6b: {  	_ =	swait.ge [sflag:s20], $0x50  }
0x6c: {  	[sflag:s20] =	ssyncset.done $0x0  }
0x6d: {  	s29 =	sadd.s32 s25, s17;
	[sflag:s20] =	ssyncadd.s32 $0xFFFFFFB0  }
0x6e: {  	[tilespmem:s21], [sflag:$0x2] =	stream.linear.gather [hbm4b:s29+s4], $0x50, $0x38;
	[tilespmem:$0x16180] =	vst v63  }
0x6f: {  	_ =	swait.ge [sflag:s20], $0x50  }
0x70: {  	[sflag:s20] =	ssyncset.done $0x0  }
0x71: {  	[sflag:s20] =	ssyncadd.s32 $0xFFFFFFB0  }
0x72: {  	[tilespmem:s19], [sflag:$0x1] =	stream.indirect.gather [hbm4b:s1+s22], $0x80, s4, s22, $0xb8;
	[tilespmem:$0x16180] =	vst v63  }
0x73: {  	_ =	swait.ge [sflag:s23], $0x2800  }
0x74: {  	[sflag:s23] =	ssyncset.done $0x0  }
0x75: {  	[sflag:s23] =	ssyncadd.s32 $0xFFFFD800  }
0x76: {  	[spmem:s3] =	stream.indirect.scatter.add.f32 [tilespmem:s19], [sflag:$0x2], $0x80, s21, s22, $0xb8;
	[tilespmem:$0x16180] =	vst v63  }
0x77: {  	_ =	swait.ge [sflag:s20], $0x2800  }
0x78: {  	[sflag:s20] =	ssyncset.done $0x0  }
0x79: {  	s30 =	sshll.u32 s0, $0x6;
	[sflag:s20] =	ssyncadd.s32 $0xFFFFD800  }
0x7a: {  	s31 =	sshrl.u32 s5, $0x3;
	s25 =	sor.u32 $0x1C02, s30;
	[bflag:$0x0] =	sbarrier.arrive $0xFFFF  }
0x7b: {  	[hbm:s14], [sflag:s25] =	dma.local [spmem:s31], $0x2700  }
0x7c: {  	_ =	swait.ge [sflag:s20], $0x2700  }
0x7d: {  	s24 =	sadd.s32 $0x1, s24;
	[sflag:s20] =	ssyncset.done $0x0  }
0x7e: {  	s26 =	sshrl.u32 @!p0 s13, $0x3;
	p1 =	sne.s32 s24, s16;
	[sflag:s20] =	ssyncadd.s32 $0xFFFFD900  }
0x7f: {  	[hbm:s15], [sflag:s25] =	dma.local @!p0 [spmem:s26], $0x100  }
.Ltmp2:
0x80: {  	_ = 	snop;
	(pc) =	sbr.rel @p1 .LBB2_1-.Ltmp2, $4  }
0x81: {  	s25 =	simm.s32 @!p0 $0x2  }
0x82: {  	_ =	swait.ge @!p0 [sflag:s25], $0x100  }
0x83: {  	[sflag:s25] =	ssyncset.done @!p0 $0x0  }
0x84: {  	[sflag:s25] =	ssyncadd.s32 @!p0 $0xFFFFFF00  }
0x85: {  	_ =	sfence.sel $0x180000  }
0x86: {  	[bflag:$0x0] =	sbarrier.arrive $0xFFFF  }
0x87: {  	p0 =	sne.s32 s0, $0x0;
	_ =	strace $0x90000047  }
0x88: {  	s0 =	sadd.s32 @!p0 $0x100000, s2;
	[bflag:$0x2] =	sbarrier.arrive $0xFFFF  }
0x89: {  	[sflag:s0] =	ssyncadd.tile.s32 @!p0 $0x1;
	_ =	shalt  }
.Lfunc_end2:
_tile_overlayer_lowered:
.L_overlay_start_2:
0x8a: {  	(tag) =	ssettag $0x2  }
0x8b: {  	s0 =	rddreg [dreg:$0x0];
	s2 =	stileid.u32  }
0x8c: {  	s1 =	rddreg [dreg:$0x1];
	p0 =	sne.s32 s2, $0x0  }
0x8d: {  	s3 =	rddreg [dreg:$0x2];
	[bflag:$0x3] =	sbarrier.arrive $0xFFFF;
	s2 =	simm.s32 @!p0 $0x1C02  }
0x8e: {  	[timem:s3], [sflag:s2] =	dma.local @!p0 [hbm:s0], s1  }
0x8f: {  	s0 =	simm.s32 @!p0 $0x2  }
0x90: {  	_ =	swait.ge @!p0 [sflag:s0], s1  }
0x91: {  	s1 =	ssub.s32 @!p0 $0x0, s1;
	[sflag:s0] =	ssyncset.done @!p0 $0x0  }
0x92: {  	[sflag:s0] =	ssyncadd.s32 @!p0 s1  }
0x93: {  	[bflag:$0x3] =	sbarrier.arrive $0xFFFF  }
0x94: {  	_ =	shalt  }

// kernel: kernel.15.cloned.1.call-start
scs
__scs_entry_jumppad:
0x0: {  	(pc) =	sbr.rel $0x88, $3  }
0x1: {  	(tag) =	ssettag $0x0;
	lr =	simm.s32 $0x1  }
0x2: {  	[smem:$0x3F97] =	sst lr;
	_ =	strace $0xD0000000  }
0x3: {  	_ = 	snop  }
0x4: {  	_ = 	snop  }
0x5: {  	_ = 	snop  }
0x6: {  	_ = 	snop  }
0x7: {  	_ = 	snop  }
__scs_overlays_trampoline_lowered:
0x8: {  	[smem:$0x3FA6] =	sst s0  }
0x9: {  	[smem:$0x3FA7] =	sst s1  }
0xa: {  	[smem:$0x3FA8] =	sst s2  }
0xb: {  	[smem:$0x3FA9] =	sst s3  }
0xc: {  	[smem:$0x3FAA] =	sst s4  }
0xd: {  	[smem:$0x3FAB] =	sst s5  }
0xe: {  	[smem:$0x3FAC] =	sst s6  }
0xf: {  	[smem:$0x3FAD] =	sst s7  }
0x10: {  	[smem:$0x3FAE] =	sst s8  }
0x11: {  	[smem:$0x3FAF] =	sst s9;
	s0 =	simm.s32 @!p0 $0x0  }
0x12: {  	s1 =	sld [smem:$0x3F95];
	s0 =	simm.s32 @p0 $0x1  }
0x13: {  	[smem:$0x3FB0] =	sst s0;
	s0 =	simm.s32 @!p1 $0x0  }
0x14: {  	s2 =	sld [smem:$0x3F94];
	s0 =	simm.s32 @p1 $0x1  }
0x15: {  	[smem:$0x3FB1] =	sst s0;
	s0 =	simm.s32 @!p2 $0x0  }
0x16: {  	s3 =	sld [smem:$0x3FDB];
	s0 =	simm.s32 @p2 $0x1  }
0x17: {  	s4 =	simm.s32 $0x1BF5;
	[smem:$0x3FB3] =	sst s0  }
0x18: {  	s0 =	sld [smem:$0x3F96];
	_ =	swait.ge [sflag:s4], $0x0  }
0x19: {  	s7 =	sld [smem:$0x3F97]  }
0x1a: {  	s8 =	sadd.s32 $0xFFFFE003, lr  }
0x1b: {  	s9 =	sadd.s32 $0xFFFFFEF7, lr;
	s5 =	simm.s32 $0xFFFFFFFF;
	p2 =	slt.u32 s8, $0xFFFFF086  }
0x1c: {  	p1 =	slt.u32 s9, $0xF7A;
	s5 =	simm.s32 @!p2 $0x0  }
0x1d: {  	s5 =	simm.s32 @p1 $0x1;
	p0 =	seq.s32 s7, s2  }
0x1e: {  	s7 =	smul.u32 @!p0 $0xF7A, s2;
	p2 =	seq.s32 @!p0 s5, $0x0  }
0x1f: {  	s9 =	smul.u32 $0xF7A, s1;
	s8 =	simm.s32 @!p0 $0x1BF5;
	p2 =	por !p2, p0  }
0x20: {  	[sflag:s8] =	ssyncset.s32 @!p0 $0xFFFFF086;
	s6 =	sadd.s32 @!p0 s3, s7;
	s7 =	simm.s32 @!p0 $0x108  }
0x21: {  	s3 =	sadd.s32 s3, s9;
	s6 =	sadd.s32 @!p0 $0x88, s6;
	s7 =	simm.s32 @p2 $0x1082  }
0x22: {  	[simem:s7], [sflag:s8] =	dma.local @!p0 [hbm:s6], $0xF7A  }
0x23: {  	s9 =	sor.u32 $0xD0000000, s2;
	s6 =	simm.s32 $0x108;
	_ =	swait.ge @!p0 [sflag:s8], $0x0  }
0x24: {  	s3 =	sadd.s32 $0x88, s3;
	s6 =	simm.s32 @!p1 $0x1082;
	[sflag:s4] =	ssyncset.s32 $0xFFFFF086  }
0x25: {  	[simem:s6], [sflag:s4] =	dma.local [hbm:s3], $0xF7A  }
0x26: {  	[smem:$0x3F97] =	sst s1;
	(tag) =	ssettag s2;
	_ =	strace s9  }
0x27: {  	s1 =	sld [smem:$0x3FA7]  }
0x28: {  	s2 =	sld [smem:$0x3FA8]  }
0x29: {  	s4 =	sld [smem:$0x3FAA]  }
0x2a: {  	p0 =	seq.s32 s5, $0x0;
	s5 =	sld [smem:$0x3FAB]  }
0x2b: {  	s6 =	sld [smem:$0x3FAC]  }
0x2c: {  	s7 =	sld [smem:$0x3FAD]  }
0x2d: {  	s3 =	simm.s32 $0x108;
	s8 =	sld [smem:$0x3FAE]  }
0x2e: {  	s3 =	simm.s32 @!p0 $0x1082;
	s9 =	sld [smem:$0x3FAF]  }
0x2f: {  	lr =	sadd.s32 s0, s3;
	s0 =	sld [smem:$0x3FA6]  }
0x30: {  	s3 =	sld [smem:$0x3FA9]  }
0x31: {  	[smem:$0x3FB2] =	sst s10  }
0x32: {  	s10 =	sld [smem:$0x3FB0];
	_ =	sdelay $0x3  }
0x33: {  	p0 =	seq.s32 s10, $0x1;
	s10 =	sld [smem:$0x3FB2];
	_ =	sdelay $0x3  }
0x34: {  	[smem:$0x3FB2] =	sst s10  }
0x35: {  	s10 =	sld [smem:$0x3FB1];
	_ =	sdelay $0x3  }
0x36: {  	p1 =	seq.s32 s10, $0x1;
	s10 =	sld [smem:$0x3FB2];
	_ =	sdelay $0x3  }
0x37: {  	[smem:$0x3FB2] =	sst s10  }
0x38: {  	s10 =	sld [smem:$0x3FB3]  }
0x39: {  	_ = 	snop;
	(pc) =	sbr.ind lr, $3  }
0x3a: {  	_ = 	snop  }
0x3b: {  	_ = 	snop  }
0x3c: {  	p2 =	seq.s32 s10, $0x1;
	s10 =	sld [smem:$0x3FB2]  }
0x3d: {  	_ =	shalt  }
0x3e: {  	_ =	shalt  }
0x3f: {  	_ =	shalt  }
0x40: {  	_ =	shalt  }
0x41: {  	_ =	shalt  }
0x42: {  	_ =	shalt  }
0x43: {  	_ =	shalt  }
0x44: {  	_ =	shalt  }
0x45: {  	_ =	shalt  }
0x46: {  	_ =	shalt  }
0x47: {  	_ =	shalt  }
0x48: {  	_ =	shalt  }
0x49: {  	_ =	shalt  }
0x4a: {  	_ =	shalt  }
0x4b: {  	_ =	shalt  }
0x4c: {  	_ =	shalt  }
0x4d: {  	_ =	shalt  }
0x4e: {  	_ =	shalt  }
0x4f: {  	_ =	shalt  }
0x50: {  	_ =	shalt  }
0x51: {  	_ =	shalt  }
0x52: {  	_ =	shalt  }
0x53: {  	_ =	shalt  }
0x54: {  	_ =	shalt  }
0x55: {  	_ =	shalt  }
0x56: {  	_ =	shalt  }
0x57: {  	_ =	shalt  }
0x58: {  	_ =	shalt  }
0x59: {  	_ =	shalt  }
0x5a: {  	_ =	shalt  }
0x5b: {  	_ =	shalt  }
0x5c: {  	_ =	shalt  }
0x5d: {  	_ =	shalt  }
0x5e: {  	_ =	shalt  }
0x5f: {  	_ =	shalt  }
0x60: {  	_ =	shalt  }
0x61: {  	_ =	shalt  }
0x62: {  	_ =	shalt  }
0x63: {  	_ =	shalt  }
0x64: {  	_ =	shalt  }
0x65: {  	_ =	shalt  }
0x66: {  	_ =	shalt  }
0x67: {  	_ =	shalt  }
0x68: {  	_ =	shalt  }
0x69: {  	_ =	shalt  }
0x6a: {  	_ =	shalt  }
0x6b: {  	_ =	shalt  }
0x6c: {  	_ =	shalt  }
0x6d: {  	_ =	shalt  }
0x6e: {  	_ =	shalt  }
0x6f: {  	_ =	shalt  }
0x70: {  	_ =	shalt  }
0x71: {  	_ =	shalt  }
0x72: {  	_ =	shalt  }
0x73: {  	_ =	shalt  }
0x74: {  	_ =	shalt  }
0x75: {  	_ =	shalt  }
0x76: {  	_ =	shalt  }
0x77: {  	_ =	shalt  }
0x78: {  	_ =	shalt  }
0x79: {  	_ =	shalt  }
0x7a: {  	_ =	shalt  }
0x7b: {  	_ =	shalt  }
0x7c: {  	_ =	shalt  }
0x7d: {  	_ =	shalt  }
0x7e: {  	_ =	shalt  }
0x7f: {  	_ =	shalt  }
0x80: {  	_ =	shalt  }
0x81: {  	_ =	shalt  }
0x82: {  	_ =	shalt  }
0x83: {  	_ =	shalt  }
0x84: {  	_ =	shalt  }
0x85: {  	_ =	shalt  }
0x86: {  	_ =	shalt  }
0x87: {  	_ =	shalt  }
.Lfunc_end0:
.L_simem_size_0:
called_computation.1_lowered:
.L_overlay_start_0:
0x88: {  	s2 =	sld [smem:$0x3FD9]  }
0x89: {  	s3 =	sld [smem:$0x3FFE];
	_ =	sdelay $0x1  }
0x8a: {  	s1 =	srdreg.scid  }
0x8b: {  	s0 =	sand.u32 $0x1, s1  }
0x8c: {  	s16 =	sshll.u32 s0, $0xA;
	s2 =	sadd.s32 s3, s2  }
0x8d: {  	s2 =	sadd.s32 s2, s16  }
0x8e: {  	[smem:$0x3FBE] =	sst s2  }
0x8f: {  	_ = 	snop  }
0x90: {  	(tm) =	ssettm $0x1  }
0x91: {  	s17 =	sld [smem:$0x3FFB];
	_ =	sdelay $0x3  }
0x92: {  	_ =	strace s17  }
0x93: {  	s2 =	sld [smem:$0x3FFC];
	_ =	sdelay $0x3  }
0x94: {  	_ =	strace s2  }
0x95: {  	s2 =	sld [smem:$0x3FFD];
	_ =	sdelay $0x3  }
0x96: {  	_ =	strace s2  }
0x97: {  	_ =	strace $0x8FFFFFFF  }
0x98: {  	s18 =	sld [smem:$0x3FDB];
	_ =	sdelay $0x1  }
0x99: {  	s19 =	simm.s32 $_scs_section_size  }
0x9a: {  	s4 =	simm.s32 $_size__tile_overlayer_lowered;
	s5 =	simm.s32 $_tile_overlayer_lowered  }
0x9b: {  	s22 =	simm.s32 $0x1BFF;
	s21 =	sshll.u32 s5, $0x1;
	s2 =	sadd.s32 s19, s18  }
0x9c: {  	s6 =	simm.s32 $0x0;
	s20 =	sshll.u32 s4, $0x1;
	s4 =	sadd.s32 s21, s2  }
0x9d: {  	[timem:s6], [sflag:s22] =	dma.local [hbm:s4], s20  }
0x9e: {  	_ =	swait.ge [sflag:s22], s20  }
0x9f: {  	s3 =	ssub.s32 $0x0, s20;
	[sflag:s22] =	ssyncset.done $0x0  }
0xa0: {  	[sflag:s22] =	ssyncadd.s32 s3;
	_ =	sdelay $0x1  }
0xa1: {  	s23 =	simm.s32 $0x1B8B  }
0xa2: {  	_ =	swait.ge [sflag:s23], $0x1  }
0xa3: {  	[sflag:s23] =	ssyncset.done $0x0  }
0xa4: {  	s25 =	simm.s32 $0x1B8E;
	s24 =	sld [smem:$0x3FFE];
	[sflag:s23] =	ssyncadd.s32 $0xFFFFFFFF  }
0xa5: {  	s26 =	simm.s32 $execute0_lowered;
	[smem:$0x3FD2] =	sst s25  }
0xa6: {  	s4 =	sshll.u32 s26, $0x1;
	_ =	strace $0x80000049;
	[dreg:$0x1] =	wrdreg $0xFFFFFFFF  }
0xa7: {  	s28 =	simm.s32 $_size_execute0_lowered;
	s2 =	sadd.s32 s2, s4;
	[dreg:$0x0] =	wrdreg $0x0  }
0xa8: {  	s4 =	sshll.u32 s28, $0x1;
	[dreg:$0x2] =	wrdreg s2  }
0xa9: {  	[dreg:$0x3] =	wrdreg s4  }
0xaa: {  	[dreg:$0x4] =	wrdreg $0xC0  }
0xab: {  	_ =	task [dreg:s6], $0x5FFFF  }
0xac: {  	[dreg:$0x1] =	wrdreg $0xFFFFFFFF  }
0xad: {  	[dreg:$0x0] =	wrdreg $0x60  }
0xae: {  	[dreg:$0x2] =	wrdreg s24  }
0xaf: {  	[dreg:$0x3] =	wrdreg $0x29000  }
0xb0: {  	[dreg:$0x4] =	wrdreg $0x9  }
0xb1: {  	_ =	task.clear_ibuf [dreg:s6], $0x5FFFF;
	_ =	strace $0x90000049  }
0xb2: {  	s29 =	simm.s32 $0x9;
	_ =	strace $0x8000004B  }
0xb3: {  	_ =	swait.ge [sflag:s29], $0x1  }
0xb4: {  	[sflag:s29] =	ssyncadd.s32 $0xFFFFFFFF  }
0xb5: {  	_ =	strace $0x9000004B  }
0xb6: {  	_ =	sfence  }
0xb7: {  	s30 =	sld [smem:$0x0];
	_ =	sdelay $0x2  }
0xb8: {  	s31 =	sshll.u32 s1, $0xD;
	s1 =	sshrl.u32 s1, $0x2  }
0xb9: {  	s3 =	sand.u32 $0x4000, s31;
	s1 =	sadd.s32 s1, s30  }
0xba: {  	s0 =	sor.u32 s3, s0;
	s1 =	sshll.u32 s1, $0x11  }
0xbb: {  	s0 =	sor.u32 s1, s0  }
0xbc: {  	s0 =	sadd.s32 $0x8F2B, s0  }
0xbd: {  	[sflag:s0] =	ssyncadd.remote.s32 $0x1  }
0xbe: {  	_ =	sfence.sel $0xFFFF  }
0xbf: {  	[dreg:$0x0] =	wrdreg $0xFFFFFFFF;
	(pc) =	sbr.abs _section_cstart, $3  }
0xc0: {  	[dreg:$0x1] =	wrdreg $0xFFFFFFFF  }
0xc1: {  	_ =	task.clear_ibuf [dreg:s6], $0x2FFFF;
	_ =	strace $0x9FFFFFFF  }
0xc2: {  	(tm) =	ssettm $0x7FFFFFFF  }
0xc3: {  	_ =	shalt  }
tec
execute0_lowered:
.L_overlay_start_1:
0x0: {  	(tag) =	ssettag $0x1  }
0x1: {  	s1 =	srdreg.scid  }
0x2: {  	s0 =	stileid.u32;
	s5 =	rddreg [dreg:$0x0]  }
0x3: {  	s2 =	rddreg [dreg:$0x1];
	s3 =	simm.s32 $0x0;
	s19 =	simm.s32 $0x100  }
0x4: {  	s20 =	simm.s32 $0x2;
	s21 =	simm.s32 $0x80;
	s22 =	simm.s32 $0x50  }
0x5: {  	s23 =	simm.s32 $0x1;
	s24 =	simm.s32 $0x0;
	s4 =	smul.u32 $0x4E20, s0  }
0x6: {  	s7 =	sand.u32 $0x1, s1;
	s1 =	rddreg [dreg:$0x2];
	s8 =	smul.u32 $0x4E000, s0  }
0x7: {  	[smem:$0x7FF] =	sst s3;
	s14 =	sadd.s32 $0x68800, s5;
	s15 =	smul.u32 $0x13800, s0  }
0x8: {  	p0 =	sne.s32 s0, $0xF;
	s6 =	smul.u32 $0x2710, s7;
	_ =	strace $0x8000004A  }
0x9: {  	s31 =	ssub.s32 $0x2, s7;
	s13 =	smul.u32 $0x138800, s7;
	s8 =	sshrl.u32 s8, $0x2  }
0xa: {  	s9 =	sshrl.u32 s31, $0x1;
	s6 =	sadd.s32 s6, s4;
	s4 =	sadd.s32 $0x19E00, s5  }
0xb: {  	s16 =	ssub.s32 s31, s9;
	s15 =	sadd.s32 s15, s13;
	s17 =	sshrl.u32 s13, $0x3  }
0xc: {  	s13 =	sadd.s32 $0x138000, s2;
	s6 =	sshrl.u32 s6, $0x3;
	s15 =	sshrl.u32 s15, $0x3  }
0xd: {  	s17 =	sadd.s32 s14, s17;
	s16 =	smax.u32 s16, $0x1;
	s18 =	sadd.s32 s6, s5  }
0xe: {  	s5 =	sadd.s32 s8, s2;
	s14 =	sadd.s32 s14, s15;
	s15 =	sadd.s32 $0x27000, s17  }
0xf: {  	s6 =	sadd.s32 $0x2800, s5;
	s7 =	sadd.s32 $0x5000, s5;
	s8 =	sadd.s32 $0x7800, s5  }
0x10: {  	s9 =	sadd.s32 $0xA000, s5;
	s10 =	sadd.s32 $0xC800, s5;
	s11 =	sadd.s32 $0xF000, s5  }
0x11: {  	v0 =	vimm.f32 $0.0e+00;
	s12 =	sadd.s32 $0x11800, s5;
	s17 =	sadd.s32 $0x6200, s18;
	s18 =	sadd.s32 $0x10000, s18  }
.LBB2_1:
0x12: {  	s25 =	simm.s32 $0x70;
	s26 =	simm.s32 $0x3C0  }
.LBB2_2:
0x13: {  	p1 =	sne.s32 s26, $0x9FC0;
	[tilespmem:s25+$0x100] =	vst v0  }
0x14: {  	[tilespmem:s25+$0x90] =	vst v0  }
0x15: {  	[tilespmem:s25+$0xA0] =	vst v0  }
.Ltmp0:
0x16: {  	[tilespmem:s25+$0xB0] =	vst v0;
	(pc) =	sbr.rel @p1 .LBB2_2-.Ltmp0, $4  }
0x17: {  	[tilespmem:s25+$0xC0] =	vst v0  }
0x18: {  	[tilespmem:s25+$0xD0] =	vst v0  }
0x19: {  	[tilespmem:s25+$0xE0] =	vst v0  }
0x1a: {  	[tilespmem:s25+$0xF0] =	vst v0;
	s25 =	sshra.s32 s26, $0x2;
	s26 =	sadd.s32 $0x200, s26  }
0x1b: {  	[tilespmem:s25+$0x100] =	vst v0  }
0x1c: {  	[tilespmem:s25+$0x90] =	vst v0  }
0x1d: {  	[tilespmem:s25+$0xA0] =	vst v0  }
0x1e: {  	[tilespmem:s25+$0xB0] =	vst v0  }
0x1f: {  	[tilespmem:s25+$0xC0] =	vst v0  }
0x20: {  	[tilespmem:s25+$0xD0] =	vst v0  }
0x21: {  	[tilespmem:s25+$0xE0] =	vst v0  }
0x22: {  	[tilespmem:s25+$0xF0] =	vst v0  }
0x23: {  	[spmem:s5] =	stream.linear.scatter [tilespmem:s19], [sflag:$0x2], $0x2800, $0x38;
	[tilespmem:$0x16180] =	vst v63  }
0x24: {  	_ =	swait.ge [sflag:s20], $0x2800  }
0x25: {  	[sflag:s20] =	ssyncset.done $0x0  }
0x26: {  	[sflag:s20] =	ssyncadd.s32 $0xFFFFD800  }
0x27: {  	[spmem:s6] =	stream.linear.scatter [tilespmem:s19], [sflag:$0x2], $0x2800, $0x38;
	[tilespmem:$0x16180] =	vst v63  }
0x28: {  	_ =	swait.ge [sflag:s20], $0x2800  }
0x29: {  	[sflag:s20] =	ssyncset.done $0x0  }
0x2a: {  	[sflag:s20] =	ssyncadd.s32 $0xFFFFD800  }
0x2b: {  	[spmem:s7] =	stream.linear.scatter [tilespmem:s19], [sflag:$0x2], $0x2800, $0x38;
	[tilespmem:$0x16180] =	vst v63  }
0x2c: {  	_ =	swait.ge [sflag:s20], $0x2800  }
0x2d: {  	[sflag:s20] =	ssyncset.done $0x0  }
0x2e: {  	[sflag:s20] =	ssyncadd.s32 $0xFFFFD800  }
0x2f: {  	[spmem:s8] =	stream.linear.scatter [tilespmem:s19], [sflag:$0x2], $0x2800, $0x38;
	[tilespmem:$0x16180] =	vst v63  }
0x30: {  	_ =	swait.ge [sflag:s20], $0x2800  }
0x31: {  	[sflag:s20] =	ssyncset.done $0x0  }
0x32: {  	[sflag:s20] =	ssyncadd.s32 $0xFFFFD800  }
0x33: {  	[spmem:s9] =	stream.linear.scatter [tilespmem:s19], [sflag:$0x2], $0x2800, $0x38;
	[tilespmem:$0x16180] =	vst v63  }
0x34: {  	_ =	swait.ge [sflag:s20], $0x2800  }
0x35: {  	[sflag:s20] =	ssyncset.done $0x0  }
0x36: {  	[sflag:s20] =	ssyncadd.s32 $0xFFFFD800  }
0x37: {  	[spmem:s10] =	stream.linear.scatter [tilespmem:s19], [sflag:$0x2], $0x2800, $0x38;
	[tilespmem:$0x16180] =	vst v63  }
0x38: {  	_ =	swait.ge [sflag:s20], $0x2800  }
0x39: {  	[sflag:s20] =	ssyncset.done $0x0  }
0x3a: {  	[sflag:s20] =	ssyncadd.s32 $0xFFFFD800  }
0x3b: {  	[spmem:s11] =	stream.linear.scatter [tilespmem:s19], [sflag:$0x2], $0x2800, $0x38;
	[tilespmem:$0x16180] =	vst v63  }
0x3c: {  	_ =	swait.ge [sflag:s20], $0x2800  }
0x3d: {  	[sflag:s20] =	ssyncset.done $0x0  }
0x3e: {  	[sflag:s20] =	ssyncadd.s32 $0xFFFFD800  }
0x3f: {  	[spmem:s12] =	stream.linear.scatter [tilespmem:s19], [sflag:$0x2], $0x2000, $0x38;
	[tilespmem:$0x16180] =	vst v63  }
0x40: {  	_ =	swait.ge [sflag:s20], $0x2000  }
0x41: {  	[sflag:s20] =	ssyncset.done $0x0  }
0x42: {  	s25 =	simm.s32 @!p0 $0x100;
	[sflag:s20] =	ssyncadd.s32 $0xFFFFE000  }
0x43: {  	[spmem:s13] =	stream.linear.scatter @!p0 [tilespmem:s25], [sflag:$0x2], $0x800, $0x38;
	[tilespmem:$0x16180] =	vst v63  }
0x44: {  	s25 =	simm.s32 @!p0 $0x2  }
0x45: {  	_ =	swait.ge @!p0 [sflag:s25], $0x800  }
0x46: {  	[sflag:s25] =	ssyncset.done @!p0 $0x0  }
0x47: {  	[sflag:s25] =	ssyncadd.s32 @!p0 $0xFFFFF800  }
0x48: {  	s30 =	sadd.s32 $0x0, s18;
	[bflag:$0x0] =	sbarrier.arrive $0xFFFF  }
0x49: {  	[tilespmem:s3], [sflag:$0x2] =	stream.linear.gather [hbm4b:s30+s3], $0x50, $0x38;
	[tilespmem:$0x16180] =	vst v63  }
0x4a: {  	_ =	swait.ge [sflag:s20], $0x50  }
0x4b: {  	[sflag:s20] =	ssyncset.done $0x0  }
0x4c: {  	s31 =	sadd.s32 $0x0, s17;
	[sflag:s20] =	ssyncadd.s32 $0xFFFFFFB0  }
0x4d: {  	[tilespmem:s21], [sflag:$0x2] =	stream.linear.gather [hbm4b:s31+s3], $0x50, $0x38;
	[tilespmem:$0x16180] =	vst v63  }
0x4e: {  	_ =	swait.ge [sflag:s20], $0x50  }
0x4f: {  	[sflag:s20] =	ssyncset.done $0x0  }
0x50: {  	[sflag:s20] =	ssyncadd.s32 $0xFFFFFFB0  }
0x51: {  	[tilespmem:s19], [sflag:$0x1] =	stream.indirect.gather [hbm4b:s4+s22], $0x80, s3, s22, $0xb8;
	[tilespmem:$0x16180] =	vst v63  }
0x52: {  	_ =	swait.ge [sflag:s23], $0x2800  }
0x53: {  	[sflag:s23] =	ssyncset.done $0x0  }
0x54: {  	[sflag:s23] =	ssyncadd.s32 $0xFFFFD800  }
0x55: {  	[spmem:s2] =	stream.indirect.scatter.add.f32 [tilespmem:s19], [sflag:$0x2], $0x80, s21, s22, $0xb8;
	[tilespmem:$0x16180] =	vst v63  }
0x56: {  	_ =	swait.ge [sflag:s20], $0x2800  }
0x57: {  	s26 =	simm.s32 $0x14;
	s25 =	simm.s32 $0xA;
	[sflag:s20] =	ssyncset.done $0x0  }
.LBB2_4:
0x58: {  	s28 =	sadd.s32 s25, s18  }
0x59: {  	[sflag:s20] =	ssyncadd.s32 $0xFFFFD800;
	s29 =	smov.u32 s26;
	s30 =	sadd.s32 $0xA, s26  }
0x5a: {  	[tilespmem:s3], [sflag:$0x2] =	stream.linear.gather [hbm4b:s28+s3], $0x50, $0x38;
	[tilespmem:$0x16180] =	vst v63  }
0x5b: {  	p1 =	sne.s32 s26, $0x4D8;
	_ =	swait.ge [sflag:s20], $0x50  }
0x5c: {  	[sflag:s20] =	ssyncset.done $0x0  }
0x5d: {  	s26 =	sadd.s32 s25, s17;
	s25 =	smov.u32 s29;
	[sflag:s20] =	ssyncadd.s32 $0xFFFFFFB0  }
0x5e: {  	[tilespmem:s21], [sflag:$0x2] =	stream.linear.gather [hbm4b:s26+s3], $0x50, $0x38;
	[tilespmem:$0x16180] =	vst v63  }
0x5f: {  	_ =	swait.ge [sflag:s20], $0x50  }
0x60: {  	[sflag:s20] =	ssyncset.done $0x0  }
0x61: {  	[sflag:s20] =	ssyncadd.s32 $0xFFFFFFB0  }
0x62: {  	[tilespmem:s19], [sflag:$0x1] =	stream.indirect.gather [hbm4b:s4+s22], $0x80, s3, s22, $0xb8;
	[tilespmem:$0x16180] =	vst v63  }
0x63: {  	_ =	swait.ge [sflag:s23], $0x2800  }
.Ltmp1:
0x64: {  	[sflag:s23] =	ssyncset.done $0x0;
	(pc) =	sbr.rel @p1 .LBB2_4-.Ltmp1, $4  }
0x65: {  	[sflag:s23] =	ssyncadd.s32 $0xFFFFD800  }
0x66: {  	[spmem:s2] =	stream.indirect.scatter.add.f32 [tilespmem:s19], [sflag:$0x2], $0x80, s21, s22, $0xb8;
	[tilespmem:$0x16180] =	vst v63  }
0x67: {  	_ =	swait.ge [sflag:s20], $0x2800  }
0x68: {  	s26 =	smov.u32 s30;
	[sflag:s20] =	ssyncset.done $0x0  }
0x69: {  	s26 =	sadd.s32 s25, s18;
	[sflag:s20] =	ssyncadd.s32 $0xFFFFD800  }
0x6a: {  	[tilespmem:s3], [sflag:$0x2] =	stream.linear.gather [hbm4b:s26+s3], $0x50, $0x38;
	[tilespmem:$0x16180] =	vst v63  }
0x6b: {  	_ =	swait.ge [sflag:s20], $0x50  }
0x6c: {  	[sflag:s20] =	ssyncset.done $0x0  }
0x6d: {  	s29 =	sadd.s32 s25, s17;
	[sflag:s20] =	ssyncadd.s32 $0xFFFFFFB0  }
0x6e: {  	[tilespmem:s21], [sflag:$0x2] =	stream.linear.gather [hbm4b:s29+s3], $0x50, $0x38;
	[tilespmem:$0x16180] =	vst v63  }
0x6f: {  	_ =	swait.ge [sflag:s20], $0x50  }
0x70: {  	[sflag:s20] =	ssyncset.done $0x0  }
0x71: {  	[sflag:s20] =	ssyncadd.s32 $0xFFFFFFB0  }
0x72: {  	[tilespmem:s19], [sflag:$0x1] =	stream.indirect.gather [hbm4b:s4+s22], $0x80, s3, s22, $0xb8;
	[tilespmem:$0x16180] =	vst v63  }
0x73: {  	_ =	swait.ge [sflag:s23], $0x2800  }
0x74: {  	[sflag:s23] =	ssyncset.done $0x0  }
0x75: {  	[sflag:s23] =	ssyncadd.s32 $0xFFFFD800  }
0x76: {  	[spmem:s2] =	stream.indirect.scatter.add.f32 [tilespmem:s19], [sflag:$0x2], $0x80, s21, s22, $0xb8;
	[tilespmem:$0x16180] =	vst v63  }
0x77: {  	_ =	swait.ge [sflag:s20], $0x2800  }
0x78: {  	[sflag:s20] =	ssyncset.done $0x0  }
0x79: {  	s30 =	sshll.u32 s0, $0x6;
	[sflag:s20] =	ssyncadd.s32 $0xFFFFD800  }
0x7a: {  	s31 =	sshrl.u32 s5, $0x3;
	s25 =	sor.u32 $0x1C02, s30;
	[bflag:$0x0] =	sbarrier.arrive $0xFFFF  }
0x7b: {  	[hbm:s14], [sflag:s25] =	dma.local [spmem:s31], $0x2700  }
0x7c: {  	_ =	swait.ge [sflag:s20], $0x2700  }
0x7d: {  	s24 =	sadd.s32 $0x1, s24;
	[sflag:s20] =	ssyncset.done $0x0  }
0x7e: {  	s26 =	sshrl.u32 @!p0 s13, $0x3;
	p1 =	sne.s32 s24, s16;
	[sflag:s20] =	ssyncadd.s32 $0xFFFFD900  }
0x7f: {  	[hbm:s15], [sflag:s25] =	dma.local @!p0 [spmem:s26], $0x100  }
.Ltmp2:
0x80: {  	_ = 	snop;
	(pc) =	sbr.rel @p1 .LBB2_1-.Ltmp2, $4  }
0x81: {  	s25 =	simm.s32 @!p0 $0x2  }
0x82: {  	_ =	swait.ge @!p0 [sflag:s25], $0x100  }
0x83: {  	[sflag:s25] =	ssyncset.done @!p0 $0x0  }
0x84: {  	[sflag:s25] =	ssyncadd.s32 @!p0 $0xFFFFFF00  }
0x85: {  	_ =	sfence.sel $0x180000  }
0x86: {  	[bflag:$0x0] =	sbarrier.arrive $0xFFFF  }
0x87: {  	p0 =	sne.s32 s0, $0x0;
	_ =	strace $0x9000004A  }
0x88: {  	s0 =	sadd.s32 @!p0 $0x100000, s1;
	[bflag:$0x2] =	sbarrier.arrive $0xFFFF  }
0x89: {  	[sflag:s0] =	ssyncadd.tile.s32 @!p0 $0x1;
	_ =	shalt  }
.Lfunc_end2:
_tile_overlayer_lowered:
.L_overlay_start_2:
0x8a: {  	(tag) =	ssettag $0x2  }
0x8b: {  	s0 =	rddreg [dreg:$0x0];
	s2 =	stileid.u32  }
0x8c: {  	s1 =	rddreg [dreg:$0x1];
	p0 =	sne.s32 s2, $0x0  }
0x8d: {  	s3 =	rddreg [dreg:$0x2];
	[bflag:$0x3] =	sbarrier.arrive $0xFFFF;
	s2 =	simm.s32 @!p0 $0x1C02  }
0x8e: {  	[timem:s3], [sflag:s2] =	dma.local @!p0 [hbm:s0], s1  }
0x8f: {  	s0 =	simm.s32 @!p0 $0x2  }
0x90: {  	_ =	swait.ge @!p0 [sflag:s0], s1  }
0x91: {  	s1 =	ssub.s32 @!p0 $0x0, s1;
	[sflag:s0] =	ssyncset.done @!p0 $0x0  }
0x92: {  	[sflag:s0] =	ssyncadd.s32 @!p0 s1  }
0x93: {  	[bflag:$0x3] =	sbarrier.arrive $0xFFFF  }
0x94: {  	_ =	shalt  }

// kernel: kernel.18.cloned.1.call-start
scs
__scs_entry_jumppad:
0x0: {  	(pc) =	sbr.rel $0x88, $3  }
0x1: {  	(tag) =	ssettag $0x0;
	lr =	simm.s32 $0x1  }
0x2: {  	[smem:$0x3F97] =	sst lr;
	_ =	strace $0xD0000000  }
0x3: {  	_ = 	snop  }
0x4: {  	_ = 	snop  }
0x5: {  	_ = 	snop  }
0x6: {  	_ = 	snop  }
0x7: {  	_ = 	snop  }
__scs_overlays_trampoline_lowered:
0x8: {  	[smem:$0x3FA6] =	sst s0  }
0x9: {  	[smem:$0x3FA7] =	sst s1  }
0xa: {  	[smem:$0x3FA8] =	sst s2  }
0xb: {  	[smem:$0x3FA9] =	sst s3  }
0xc: {  	[smem:$0x3FAA] =	sst s4  }
0xd: {  	[smem:$0x3FAB] =	sst s5  }
0xe: {  	[smem:$0x3FAC] =	sst s6  }
0xf: {  	[smem:$0x3FAD] =	sst s7  }
0x10: {  	[smem:$0x3FAE] =	sst s8  }
0x11: {  	[smem:$0x3FAF] =	sst s9;
	s0 =	simm.s32 @!p0 $0x0  }
0x12: {  	s1 =	sld [smem:$0x3F95];
	s0 =	simm.s32 @p0 $0x1  }
0x13: {  	[smem:$0x3FB0] =	sst s0;
	s0 =	simm.s32 @!p1 $0x0  }
0x14: {  	s2 =	sld [smem:$0x3F94];
	s0 =	simm.s32 @p1 $0x1  }
0x15: {  	[smem:$0x3FB1] =	sst s0;
	s0 =	simm.s32 @!p2 $0x0  }
0x16: {  	s3 =	sld [smem:$0x3FDB];
	s0 =	simm.s32 @p2 $0x1  }
0x17: {  	s4 =	simm.s32 $0x1BF5;
	[smem:$0x3FB3] =	sst s0  }
0x18: {  	s0 =	sld [smem:$0x3F96];
	_ =	swait.ge [sflag:s4], $0x0  }
0x19: {  	s7 =	sld [smem:$0x3F97]  }
0x1a: {  	s8 =	sadd.s32 $0xFFFFE003, lr  }
0x1b: {  	s9 =	sadd.s32 $0xFFFFFEF7, lr;
	s5 =	simm.s32 $0xFFFFFFFF;
	p2 =	slt.u32 s8, $0xFFFFF086  }
0x1c: {  	p1 =	slt.u32 s9, $0xF7A;
	s5 =	simm.s32 @!p2 $0x0  }
0x1d: {  	s5 =	simm.s32 @p1 $0x1;
	p0 =	seq.s32 s7, s2  }
0x1e: {  	s7 =	smul.u32 @!p0 $0xF7A, s2;
	p2 =	seq.s32 @!p0 s5, $0x0  }
0x1f: {  	s9 =	smul.u32 $0xF7A, s1;
	s8 =	simm.s32 @!p0 $0x1BF5;
	p2 =	por !p2, p0  }
0x20: {  	[sflag:s8] =	ssyncset.s32 @!p0 $0xFFFFF086;
	s6 =	sadd.s32 @!p0 s3, s7;
	s7 =	simm.s32 @!p0 $0x108  }
0x21: {  	s3 =	sadd.s32 s3, s9;
	s6 =	sadd.s32 @!p0 $0x88, s6;
	s7 =	simm.s32 @p2 $0x1082  }
0x22: {  	[simem:s7], [sflag:s8] =	dma.local @!p0 [hbm:s6], $0xF7A  }
0x23: {  	s9 =	sor.u32 $0xD0000000, s2;
	s6 =	simm.s32 $0x108;
	_ =	swait.ge @!p0 [sflag:s8], $0x0  }
0x24: {  	s3 =	sadd.s32 $0x88, s3;
	s6 =	simm.s32 @!p1 $0x1082;
	[sflag:s4] =	ssyncset.s32 $0xFFFFF086  }
0x25: {  	[simem:s6], [sflag:s4] =	dma.local [hbm:s3], $0xF7A  }
0x26: {  	[smem:$0x3F97] =	sst s1;
	(tag) =	ssettag s2;
	_ =	strace s9  }
0x27: {  	s1 =	sld [smem:$0x3FA7]  }
0x28: {  	s2 =	sld [smem:$0x3FA8]  }
0x29: {  	s4 =	sld [smem:$0x3FAA]  }
0x2a: {  	p0 =	seq.s32 s5, $0x0;
	s5 =	sld [smem:$0x3FAB]  }
0x2b: {  	s6 =	sld [smem:$0x3FAC]  }
0x2c: {  	s7 =	sld [smem:$0x3FAD]  }
0x2d: {  	s3 =	simm.s32 $0x108;
	s8 =	sld [smem:$0x3FAE]  }
0x2e: {  	s3 =	simm.s32 @!p0 $0x1082;
	s9 =	sld [smem:$0x3FAF]  }
0x2f: {  	lr =	sadd.s32 s0, s3;
	s0 =	sld [smem:$0x3FA6]  }
0x30: {  	s3 =	sld [smem:$0x3FA9]  }
0x31: {  	[smem:$0x3FB2] =	sst s10  }
0x32: {  	s10 =	sld [smem:$0x3FB0];
	_ =	sdelay $0x3  }
0x33: {  	p0 =	seq.s32 s10, $0x1;
	s10 =	sld [smem:$0x3FB2];
	_ =	sdelay $0x3  }
0x34: {  	[smem:$0x3FB2] =	sst s10  }
0x35: {  	s10 =	sld [smem:$0x3FB1];
	_ =	sdelay $0x3  }
0x36: {  	p1 =	seq.s32 s10, $0x1;
	s10 =	sld [smem:$0x3FB2];
	_ =	sdelay $0x3  }
0x37: {  	[smem:$0x3FB2] =	sst s10  }
0x38: {  	s10 =	sld [smem:$0x3FB3]  }
0x39: {  	_ = 	snop;
	(pc) =	sbr.ind lr, $3  }
0x3a: {  	_ = 	snop  }
0x3b: {  	_ = 	snop  }
0x3c: {  	p2 =	seq.s32 s10, $0x1;
	s10 =	sld [smem:$0x3FB2]  }
0x3d: {  	_ =	shalt  }
0x3e: {  	_ =	shalt  }
0x3f: {  	_ =	shalt  }
0x40: {  	_ =	shalt  }
0x41: {  	_ =	shalt  }
0x42: {  	_ =	shalt  }
0x43: {  	_ =	shalt  }
0x44: {  	_ =	shalt  }
0x45: {  	_ =	shalt  }
0x46: {  	_ =	shalt  }
0x47: {  	_ =	shalt  }
0x48: {  	_ =	shalt  }
0x49: {  	_ =	shalt  }
0x4a: {  	_ =	shalt  }
0x4b: {  	_ =	shalt  }
0x4c: {  	_ =	shalt  }
0x4d: {  	_ =	shalt  }
0x4e: {  	_ =	shalt  }
0x4f: {  	_ =	shalt  }
0x50: {  	_ =	shalt  }
0x51: {  	_ =	shalt  }
0x52: {  	_ =	shalt  }
0x53: {  	_ =	shalt  }
0x54: {  	_ =	shalt  }
0x55: {  	_ =	shalt  }
0x56: {  	_ =	shalt  }
0x57: {  	_ =	shalt  }
0x58: {  	_ =	shalt  }
0x59: {  	_ =	shalt  }
0x5a: {  	_ =	shalt  }
0x5b: {  	_ =	shalt  }
0x5c: {  	_ =	shalt  }
0x5d: {  	_ =	shalt  }
0x5e: {  	_ =	shalt  }
0x5f: {  	_ =	shalt  }
0x60: {  	_ =	shalt  }
0x61: {  	_ =	shalt  }
0x62: {  	_ =	shalt  }
0x63: {  	_ =	shalt  }
0x64: {  	_ =	shalt  }
0x65: {  	_ =	shalt  }
0x66: {  	_ =	shalt  }
0x67: {  	_ =	shalt  }
0x68: {  	_ =	shalt  }
0x69: {  	_ =	shalt  }
0x6a: {  	_ =	shalt  }
0x6b: {  	_ =	shalt  }
0x6c: {  	_ =	shalt  }
0x6d: {  	_ =	shalt  }
0x6e: {  	_ =	shalt  }
0x6f: {  	_ =	shalt  }
0x70: {  	_ =	shalt  }
0x71: {  	_ =	shalt  }
0x72: {  	_ =	shalt  }
0x73: {  	_ =	shalt  }
0x74: {  	_ =	shalt  }
0x75: {  	_ =	shalt  }
0x76: {  	_ =	shalt  }
0x77: {  	_ =	shalt  }
0x78: {  	_ =	shalt  }
0x79: {  	_ =	shalt  }
0x7a: {  	_ =	shalt  }
0x7b: {  	_ =	shalt  }
0x7c: {  	_ =	shalt  }
0x7d: {  	_ =	shalt  }
0x7e: {  	_ =	shalt  }
0x7f: {  	_ =	shalt  }
0x80: {  	_ =	shalt  }
0x81: {  	_ =	shalt  }
0x82: {  	_ =	shalt  }
0x83: {  	_ =	shalt  }
0x84: {  	_ =	shalt  }
0x85: {  	_ =	shalt  }
0x86: {  	_ =	shalt  }
0x87: {  	_ =	shalt  }
.Lfunc_end0:
.L_simem_size_0:
called_computation.2_lowered:
.L_overlay_start_0:
0x88: {  	s2 =	sld [smem:$0x3FD9]  }
0x89: {  	s3 =	sld [smem:$0x3FFE];
	_ =	sdelay $0x1  }
0x8a: {  	s1 =	srdreg.scid  }
0x8b: {  	s0 =	sand.u32 $0x1, s1  }
0x8c: {  	s16 =	sshll.u32 s0, $0xA;
	s2 =	sadd.s32 s3, s2  }
0x8d: {  	s2 =	sadd.s32 s2, s16  }
0x8e: {  	[smem:$0x3FBE] =	sst s2  }
0x8f: {  	_ = 	snop  }
0x90: {  	(tm) =	ssettm $0x1  }
0x91: {  	s17 =	sld [smem:$0x3FFB];
	_ =	sdelay $0x3  }
0x92: {  	_ =	strace s17  }
0x93: {  	s2 =	sld [smem:$0x3FFC];
	_ =	sdelay $0x3  }
0x94: {  	_ =	strace s2  }
0x95: {  	s2 =	sld [smem:$0x3FFD];
	_ =	sdelay $0x3  }
0x96: {  	_ =	strace s2  }
0x97: {  	_ =	strace $0x8FFFFFFF  }
0x98: {  	s18 =	sld [smem:$0x3FDB];
	_ =	sdelay $0x1  }
0x99: {  	s19 =	simm.s32 $_scs_section_size  }
0x9a: {  	s4 =	simm.s32 $_size__tile_overlayer_lowered;
	s5 =	simm.s32 $_tile_overlayer_lowered  }
0x9b: {  	s22 =	simm.s32 $0x1BFF;
	s21 =	sshll.u32 s5, $0x1;
	s2 =	sadd.s32 s19, s18  }
0x9c: {  	s6 =	simm.s32 $0x0;
	s20 =	sshll.u32 s4, $0x1;
	s4 =	sadd.s32 s21, s2  }
0x9d: {  	[timem:s6], [sflag:s22] =	dma.local [hbm:s4], s20  }
0x9e: {  	_ =	swait.ge [sflag:s22], s20  }
0x9f: {  	s3 =	ssub.s32 $0x0, s20;
	[sflag:s22] =	ssyncset.done $0x0  }
0xa0: {  	[sflag:s22] =	ssyncadd.s32 s3;
	_ =	sdelay $0x1  }
0xa1: {  	s23 =	simm.s32 $0x1B8B  }
0xa2: {  	_ =	swait.ge [sflag:s23], $0x1  }
0xa3: {  	[sflag:s23] =	ssyncset.done $0x0  }
0xa4: {  	s25 =	simm.s32 $0x1B8E;
	s24 =	sld [smem:$0x3FFE];
	[sflag:s23] =	ssyncadd.s32 $0xFFFFFFFF  }
0xa5: {  	s26 =	simm.s32 $execute0_lowered;
	[smem:$0x3FD2] =	sst s25  }
0xa6: {  	s4 =	sshll.u32 s26, $0x1;
	_ =	strace $0x8000004C;
	[dreg:$0x1] =	wrdreg $0xFFFFFFFF  }
0xa7: {  	s28 =	simm.s32 $_size_execute0_lowered;
	s2 =	sadd.s32 s2, s4;
	[dreg:$0x0] =	wrdreg $0x0  }
0xa8: {  	s4 =	sshll.u32 s28, $0x1;
	[dreg:$0x2] =	wrdreg s2  }
0xa9: {  	[dreg:$0x3] =	wrdreg s4  }
0xaa: {  	[dreg:$0x4] =	wrdreg $0xC0  }
0xab: {  	_ =	task [dreg:s6], $0x5FFFF  }
0xac: {  	[dreg:$0x1] =	wrdreg $0xFFFFFFFF  }
0xad: {  	[dreg:$0x0] =	wrdreg $0x60  }
0xae: {  	[dreg:$0x2] =	wrdreg s24  }
0xaf: {  	[dreg:$0x3] =	wrdreg $0x29000  }
0xb0: {  	[dreg:$0x4] =	wrdreg $0x9  }
0xb1: {  	_ =	task.clear_ibuf [dreg:s6], $0x5FFFF;
	_ =	strace $0x9000004C  }
0xb2: {  	s29 =	simm.s32 $0x9;
	_ =	strace $0x8000004E  }
0xb3: {  	_ =	swait.ge [sflag:s29], $0x1  }
0xb4: {  	[sflag:s29] =	ssyncadd.s32 $0xFFFFFFFF  }
0xb5: {  	_ =	strace $0x9000004E  }
0xb6: {  	_ =	sfence  }
0xb7: {  	s30 =	sld [smem:$0x0];
	_ =	sdelay $0x2  }
0xb8: {  	s31 =	sshll.u32 s1, $0xD;
	s1 =	sshrl.u32 s1, $0x2  }
0xb9: {  	s3 =	sand.u32 $0x4000, s31;
	s1 =	sadd.s32 s1, s30  }
0xba: {  	s0 =	sor.u32 s3, s0;
	s1 =	sshll.u32 s1, $0x11  }
0xbb: {  	s0 =	sor.u32 s1, s0  }
0xbc: {  	s0 =	sadd.s32 $0x8F2B, s0  }
0xbd: {  	[sflag:s0] =	ssyncadd.remote.s32 $0x1  }
0xbe: {  	_ =	sfence.sel $0xFFFF  }
0xbf: {  	[dreg:$0x0] =	wrdreg $0xFFFFFFFF;
	(pc) =	sbr.abs _section_cstart, $3  }
0xc0: {  	[dreg:$0x1] =	wrdreg $0xFFFFFFFF  }
0xc1: {  	_ =	task.clear_ibuf [dreg:s6], $0x2FFFF;
	_ =	strace $0x9FFFFFFF  }
0xc2: {  	(tm) =	ssettm $0x7FFFFFFF  }
0xc3: {  	_ =	shalt  }
tec
execute0_lowered:
.L_overlay_start_1:
0x0: {  	(tag) =	ssettag $0x1  }
0x1: {  	s1 =	srdreg.scid  }
0x2: {  	s0 =	stileid.u32;
	s5 =	rddreg [dreg:$0x0]  }
0x3: {  	s2 =	rddreg [dreg:$0x1];
	s3 =	simm.s32 $0x0;
	s19 =	simm.s32 $0x100  }
0x4: {  	s20 =	simm.s32 $0x2;
	s21 =	simm.s32 $0x80;
	s22 =	simm.s32 $0x50  }
0x5: {  	s23 =	simm.s32 $0x1;
	s24 =	simm.s32 $0x0;
	s4 =	smul.u32 $0x4E20, s0  }
0x6: {  	s7 =	sand.u32 $0x1, s1;
	s1 =	rddreg [dreg:$0x2];
	s8 =	smul.u32 $0x4E000, s0  }
0x7: {  	[smem:$0x7FF] =	sst s3;
	s14 =	sadd.s32 $0x68800, s5;
	s15 =	smul.u32 $0x13800, s0  }
0x8: {  	p0 =	sne.s32 s0, $0xF;
	s6 =	smul.u32 $0x2710, s7;
	_ =	strace $0x8000004D  }
0x9: {  	s31 =	ssub.s32 $0x2, s7;
	s13 =	smul.u32 $0x138800, s7;
	s8 =	sshrl.u32 s8, $0x2  }
0xa: {  	s9 =	sshrl.u32 s31, $0x1;
	s6 =	sadd.s32 s6, s4;
	s4 =	sadd.s32 $0x19E00, s5  }
0xb: {  	s16 =	ssub.s32 s31, s9;
	s15 =	sadd.s32 s15, s13;
	s17 =	sshrl.u32 s13, $0x3  }
0xc: {  	s13 =	sadd.s32 $0x138000, s2;
	s6 =	sshrl.u32 s6, $0x3;
	s15 =	sshrl.u32 s15, $0x3  }
0xd: {  	s17 =	sadd.s32 s14, s17;
	s16 =	smax.u32 s16, $0x1;
	s18 =	sadd.s32 s6, s5  }
0xe: {  	s5 =	sadd.s32 s8, s2;
	s14 =	sadd.s32 s14, s15;
	s15 =	sadd.s32 $0x27000, s17  }
0xf: {  	s6 =	sadd.s32 $0x2800, s5;
	s7 =	sadd.s32 $0x5000, s5;
	s8 =	sadd.s32 $0x7800, s5  }
0x10: {  	s9 =	sadd.s32 $0xA000, s5;
	s10 =	sadd.s32 $0xC800, s5;
	s11 =	sadd.s32 $0xF000, s5  }
0x11: {  	v0 =	vimm.f32 $0.0e+00;
	s12 =	sadd.s32 $0x11800, s5;
	s17 =	sadd.s32 $0x6200, s18;
	s18 =	sadd.s32 $0x10000, s18  }
.LBB2_1:
0x12: {  	s25 =	simm.s32 $0x70;
	s26 =	simm.s32 $0x3C0  }
.LBB2_2:
0x13: {  	p1 =	sne.s32 s26, $0x9FC0;
	[tilespmem:s25+$0x100] =	vst v0  }
0x14: {  	[tilespmem:s25+$0x90] =	vst v0  }
0x15: {  	[tilespmem:s25+$0xA0] =	vst v0  }
.Ltmp0:
0x16: {  	[tilespmem:s25+$0xB0] =	vst v0;
	(pc) =	sbr.rel @p1 .LBB2_2-.Ltmp0, $4  }
0x17: {  	[tilespmem:s25+$0xC0] =	vst v0  }
0x18: {  	[tilespmem:s25+$0xD0] =	vst v0  }
0x19: {  	[tilespmem:s25+$0xE0] =	vst v0  }
0x1a: {  	[tilespmem:s25+$0xF0] =	vst v0;
	s25 =	sshra.s32 s26, $0x2;
	s26 =	sadd.s32 $0x200, s26  }
0x1b: {  	[tilespmem:s25+$0x100] =	vst v0  }
0x1c: {  	[tilespmem:s25+$0x90] =	vst v0  }
0x1d: {  	[tilespmem:s25+$0xA0] =	vst v0  }
0x1e: {  	[tilespmem:s25+$0xB0] =	vst v0  }
0x1f: {  	[tilespmem:s25+$0xC0] =	vst v0  }
0x20: {  	[tilespmem:s25+$0xD0] =	vst v0  }
0x21: {  	[tilespmem:s25+$0xE0] =	vst v0  }
0x22: {  	[tilespmem:s25+$0xF0] =	vst v0  }
0x23: {  	[spmem:s5] =	stream.linear.scatter [tilespmem:s19], [sflag:$0x2], $0x2800, $0x38;
	[tilespmem:$0x16180] =	vst v63  }
0x24: {  	_ =	swait.ge [sflag:s20], $0x2800  }
0x25: {  	[sflag:s20] =	ssyncset.done $0x0  }
0x26: {  	[sflag:s20] =	ssyncadd.s32 $0xFFFFD800  }
0x27: {  	[spmem:s6] =	stream.linear.scatter [tilespmem:s19], [sflag:$0x2], $0x2800, $0x38;
	[tilespmem:$0x16180] =	vst v63  }
0x28: {  	_ =	swait.ge [sflag:s20], $0x2800  }
0x29: {  	[sflag:s20] =	ssyncset.done $0x0  }
0x2a: {  	[sflag:s20] =	ssyncadd.s32 $0xFFFFD800  }
0x2b: {  	[spmem:s7] =	stream.linear.scatter [tilespmem:s19], [sflag:$0x2], $0x2800, $0x38;
	[tilespmem:$0x16180] =	vst v63  }
0x2c: {  	_ =	swait.ge [sflag:s20], $0x2800  }
0x2d: {  	[sflag:s20] =	ssyncset.done $0x0  }
0x2e: {  	[sflag:s20] =	ssyncadd.s32 $0xFFFFD800  }
0x2f: {  	[spmem:s8] =	stream.linear.scatter [tilespmem:s19], [sflag:$0x2], $0x2800, $0x38;
	[tilespmem:$0x16180] =	vst v63  }
0x30: {  	_ =	swait.ge [sflag:s20], $0x2800  }
0x31: {  	[sflag:s20] =	ssyncset.done $0x0  }
0x32: {  	[sflag:s20] =	ssyncadd.s32 $0xFFFFD800  }
0x33: {  	[spmem:s9] =	stream.linear.scatter [tilespmem:s19], [sflag:$0x2], $0x2800, $0x38;
	[tilespmem:$0x16180] =	vst v63  }
0x34: {  	_ =	swait.ge [sflag:s20], $0x2800  }
0x35: {  	[sflag:s20] =	ssyncset.done $0x0  }
0x36: {  	[sflag:s20] =	ssyncadd.s32 $0xFFFFD800  }
0x37: {  	[spmem:s10] =	stream.linear.scatter [tilespmem:s19], [sflag:$0x2], $0x2800, $0x38;
	[tilespmem:$0x16180] =	vst v63  }
0x38: {  	_ =	swait.ge [sflag:s20], $0x2800  }
0x39: {  	[sflag:s20] =	ssyncset.done $0x0  }
0x3a: {  	[sflag:s20] =	ssyncadd.s32 $0xFFFFD800  }
0x3b: {  	[spmem:s11] =	stream.linear.scatter [tilespmem:s19], [sflag:$0x2], $0x2800, $0x38;
	[tilespmem:$0x16180] =	vst v63  }
0x3c: {  	_ =	swait.ge [sflag:s20], $0x2800  }
0x3d: {  	[sflag:s20] =	ssyncset.done $0x0  }
0x3e: {  	[sflag:s20] =	ssyncadd.s32 $0xFFFFD800  }
0x3f: {  	[spmem:s12] =	stream.linear.scatter [tilespmem:s19], [sflag:$0x2], $0x2000, $0x38;
	[tilespmem:$0x16180] =	vst v63  }
0x40: {  	_ =	swait.ge [sflag:s20], $0x2000  }
0x41: {  	[sflag:s20] =	ssyncset.done $0x0  }
0x42: {  	s25 =	simm.s32 @!p0 $0x100;
	[sflag:s20] =	ssyncadd.s32 $0xFFFFE000  }
0x43: {  	[spmem:s13] =	stream.linear.scatter @!p0 [tilespmem:s25], [sflag:$0x2], $0x800, $0x38;
	[tilespmem:$0x16180] =	vst v63  }
0x44: {  	s25 =	simm.s32 @!p0 $0x2  }
0x45: {  	_ =	swait.ge @!p0 [sflag:s25], $0x800  }
0x46: {  	[sflag:s25] =	ssyncset.done @!p0 $0x0  }
0x47: {  	[sflag:s25] =	ssyncadd.s32 @!p0 $0xFFFFF800  }
0x48: {  	s30 =	sadd.s32 $0x0, s18;
	[bflag:$0x0] =	sbarrier.arrive $0xFFFF  }
0x49: {  	[tilespmem:s3], [sflag:$0x2] =	stream.linear.gather [hbm4b:s30+s3], $0x50, $0x38;
	[tilespmem:$0x16180] =	vst v63  }
0x4a: {  	_ =	swait.ge [sflag:s20], $0x50  }
0x4b: {  	[sflag:s20] =	ssyncset.done $0x0  }
0x4c: {  	s31 =	sadd.s32 $0x0, s17;
	[sflag:s20] =	ssyncadd.s32 $0xFFFFFFB0  }
0x4d: {  	[tilespmem:s21], [sflag:$0x2] =	stream.linear.gather [hbm4b:s31+s3], $0x50, $0x38;
	[tilespmem:$0x16180] =	vst v63  }
0x4e: {  	_ =	swait.ge [sflag:s20], $0x50  }
0x4f: {  	[sflag:s20] =	ssyncset.done $0x0  }
0x50: {  	[sflag:s20] =	ssyncadd.s32 $0xFFFFFFB0  }
0x51: {  	[tilespmem:s19], [sflag:$0x1] =	stream.indirect.gather [hbm4b:s4+s22], $0x80, s3, s22, $0xb8;
	[tilespmem:$0x16180] =	vst v63  }
0x52: {  	_ =	swait.ge [sflag:s23], $0x2800  }
0x53: {  	[sflag:s23] =	ssyncset.done $0x0  }
0x54: {  	[sflag:s23] =	ssyncadd.s32 $0xFFFFD800  }
0x55: {  	[spmem:s2] =	stream.indirect.scatter.add.f32 [tilespmem:s19], [sflag:$0x2], $0x80, s21, s22, $0xb8;
	[tilespmem:$0x16180] =	vst v63  }
0x56: {  	_ =	swait.ge [sflag:s20], $0x2800  }
0x57: {  	s26 =	simm.s32 $0x14;
	s25 =	simm.s32 $0xA;
	[sflag:s20] =	ssyncset.done $0x0  }
.LBB2_4:
0x58: {  	s28 =	sadd.s32 s25, s18  }
0x59: {  	[sflag:s20] =	ssyncadd.s32 $0xFFFFD800;
	s29 =	smov.u32 s26;
	s30 =	sadd.s32 $0xA, s26  }
0x5a: {  	[tilespmem:s3], [sflag:$0x2] =	stream.linear.gather [hbm4b:s28+s3], $0x50, $0x38;
	[tilespmem:$0x16180] =	vst v63  }
0x5b: {  	p1 =	sne.s32 s26, $0x4D8;
	_ =	swait.ge [sflag:s20], $0x50  }
0x5c: {  	[sflag:s20] =	ssyncset.done $0x0  }
0x5d: {  	s26 =	sadd.s32 s25, s17;
	s25 =	smov.u32 s29;
	[sflag:s20] =	ssyncadd.s32 $0xFFFFFFB0  }
0x5e: {  	[tilespmem:s21], [sflag:$0x2] =	stream.linear.gather [hbm4b:s26+s3], $0x50, $0x38;
	[tilespmem:$0x16180] =	vst v63  }
0x5f: {  	_ =	swait.ge [sflag:s20], $0x50  }
0x60: {  	[sflag:s20] =	ssyncset.done $0x0  }
0x61: {  	[sflag:s20] =	ssyncadd.s32 $0xFFFFFFB0  }
0x62: {  	[tilespmem:s19], [sflag:$0x1] =	stream.indirect.gather [hbm4b:s4+s22], $0x80, s3, s22, $0xb8;
	[tilespmem:$0x16180] =	vst v63  }
0x63: {  	_ =	swait.ge [sflag:s23], $0x2800  }
.Ltmp1:
0x64: {  	[sflag:s23] =	ssyncset.done $0x0;
	(pc) =	sbr.rel @p1 .LBB2_4-.Ltmp1, $4  }
0x65: {  	[sflag:s23] =	ssyncadd.s32 $0xFFFFD800  }
0x66: {  	[spmem:s2] =	stream.indirect.scatter.add.f32 [tilespmem:s19], [sflag:$0x2], $0x80, s21, s22, $0xb8;
	[tilespmem:$0x16180] =	vst v63  }
0x67: {  	_ =	swait.ge [sflag:s20], $0x2800  }
0x68: {  	s26 =	smov.u32 s30;
	[sflag:s20] =	ssyncset.done $0x0  }
0x69: {  	s26 =	sadd.s32 s25, s18;
	[sflag:s20] =	ssyncadd.s32 $0xFFFFD800  }
0x6a: {  	[tilespmem:s3], [sflag:$0x2] =	stream.linear.gather [hbm4b:s26+s3], $0x50, $0x38;
	[tilespmem:$0x16180] =	vst v63  }
0x6b: {  	_ =	swait.ge [sflag:s20], $0x50  }
0x6c: {  	[sflag:s20] =	ssyncset.done $0x0  }
0x6d: {  	s29 =	sadd.s32 s25, s17;
	[sflag:s20] =	ssyncadd.s32 $0xFFFFFFB0  }
0x6e: {  	[tilespmem:s21], [sflag:$0x2] =	stream.linear.gather [hbm4b:s29+s3], $0x50, $0x38;
	[tilespmem:$0x16180] =	vst v63  }
0x6f: {  	_ =	swait.ge [sflag:s20], $0x50  }
0x70: {  	[sflag:s20] =	ssyncset.done $0x0  }
0x71: {  	[sflag:s20] =	ssyncadd.s32 $0xFFFFFFB0  }
0x72: {  	[tilespmem:s19], [sflag:$0x1] =	stream.indirect.gather [hbm4b:s4+s22], $0x80, s3, s22, $0xb8;
	[tilespmem:$0x16180] =	vst v63  }
0x73: {  	_ =	swait.ge [sflag:s23], $0x2800  }
0x74: {  	[sflag:s23] =	ssyncset.done $0x0  }
0x75: {  	[sflag:s23] =	ssyncadd.s32 $0xFFFFD800  }
0x76: {  	[spmem:s2] =	stream.indirect.scatter.add.f32 [tilespmem:s19], [sflag:$0x2], $0x80, s21, s22, $0xb8;
	[tilespmem:$0x16180] =	vst v63  }
0x77: {  	_ =	swait.ge [sflag:s20], $0x2800  }
0x78: {  	[sflag:s20] =	ssyncset.done $0x0  }
0x79: {  	s30 =	sshll.u32 s0, $0x6;
	[sflag:s20] =	ssyncadd.s32 $0xFFFFD800  }
0x7a: {  	s31 =	sshrl.u32 s5, $0x3;
	s25 =	sor.u32 $0x1C02, s30;
	[bflag:$0x0] =	sbarrier.arrive $0xFFFF  }
0x7b: {  	[hbm:s14], [sflag:s25] =	dma.local [spmem:s31], $0x2700  }
0x7c: {  	_ =	swait.ge [sflag:s20], $0x2700  }
0x7d: {  	s24 =	sadd.s32 $0x1, s24;
	[sflag:s20] =	ssyncset.done $0x0  }
0x7e: {  	s26 =	sshrl.u32 @!p0 s13, $0x3;
	p1 =	sne.s32 s24, s16;
	[sflag:s20] =	ssyncadd.s32 $0xFFFFD900  }
0x7f: {  	[hbm:s15], [sflag:s25] =	dma.local @!p0 [spmem:s26], $0x100  }
.Ltmp2:
0x80: {  	_ = 	snop;
	(pc) =	sbr.rel @p1 .LBB2_1-.Ltmp2, $4  }
0x81: {  	s25 =	simm.s32 @!p0 $0x2  }
0x82: {  	_ =	swait.ge @!p0 [sflag:s25], $0x100  }
0x83: {  	[sflag:s25] =	ssyncset.done @!p0 $0x0  }
0x84: {  	[sflag:s25] =	ssyncadd.s32 @!p0 $0xFFFFFF00  }
0x85: {  	_ =	sfence.sel $0x180000  }
0x86: {  	[bflag:$0x0] =	sbarrier.arrive $0xFFFF  }
0x87: {  	p0 =	sne.s32 s0, $0x0;
	_ =	strace $0x9000004D  }
0x88: {  	s0 =	sadd.s32 @!p0 $0x100000, s1;
	[bflag:$0x2] =	sbarrier.arrive $0xFFFF  }
0x89: {  	[sflag:s0] =	ssyncadd.tile.s32 @!p0 $0x1;
	_ =	shalt  }
.Lfunc_end2:
_tile_overlayer_lowered:
.L_overlay_start_2:
0x8a: {  	(tag) =	ssettag $0x2  }
0x8b: {  	s0 =	rddreg [dreg:$0x0];
	s2 =	stileid.u32  }
0x8c: {  	s1 =	rddreg [dreg:$0x1];
	p0 =	sne.s32 s2, $0x0  }
0x8d: {  	s3 =	rddreg [dreg:$0x2];
	[bflag:$0x3] =	sbarrier.arrive $0xFFFF;
	s2 =	simm.s32 @!p0 $0x1C02  }
0x8e: {  	[timem:s3], [sflag:s2] =	dma.local @!p0 [hbm:s0], s1  }
0x8f: {  	s0 =	simm.s32 @!p0 $0x2  }
0x90: {  	_ =	swait.ge @!p0 [sflag:s0], s1  }
0x91: {  	s1 =	ssub.s32 @!p0 $0x0, s1;
	[sflag:s0] =	ssyncset.done @!p0 $0x0  }
0x92: {  	[sflag:s0] =	ssyncadd.s32 @!p0 s1  }
0x93: {  	[bflag:$0x3] =	sbarrier.arrive $0xFFFF  }
0x94: {  	_ =	shalt  }

// kernel: kernel.21.cloned.1.call-start
scs
__scs_entry_jumppad:
0x0: {  	(pc) =	sbr.rel $0x88, $3  }
0x1: {  	(tag) =	ssettag $0x0;
	lr =	simm.s32 $0x1  }
0x2: {  	[smem:$0x3F97] =	sst lr;
	_ =	strace $0xD0000000  }
0x3: {  	_ = 	snop  }
0x4: {  	_ = 	snop  }
0x5: {  	_ = 	snop  }
0x6: {  	_ = 	snop  }
0x7: {  	_ = 	snop  }
__scs_overlays_trampoline_lowered:
0x8: {  	[smem:$0x3FA6] =	sst s0  }
0x9: {  	[smem:$0x3FA7] =	sst s1  }
0xa: {  	[smem:$0x3FA8] =	sst s2  }
0xb: {  	[smem:$0x3FA9] =	sst s3  }
0xc: {  	[smem:$0x3FAA] =	sst s4  }
0xd: {  	[smem:$0x3FAB] =	sst s5  }
0xe: {  	[smem:$0x3FAC] =	sst s6  }
0xf: {  	[smem:$0x3FAD] =	sst s7  }
0x10: {  	[smem:$0x3FAE] =	sst s8  }
0x11: {  	[smem:$0x3FAF] =	sst s9;
	s0 =	simm.s32 @!p0 $0x0  }
0x12: {  	s1 =	sld [smem:$0x3F95];
	s0 =	simm.s32 @p0 $0x1  }
0x13: {  	[smem:$0x3FB0] =	sst s0;
	s0 =	simm.s32 @!p1 $0x0  }
0x14: {  	s2 =	sld [smem:$0x3F94];
	s0 =	simm.s32 @p1 $0x1  }
0x15: {  	[smem:$0x3FB1] =	sst s0;
	s0 =	simm.s32 @!p2 $0x0  }
0x16: {  	s3 =	sld [smem:$0x3FDB];
	s0 =	simm.s32 @p2 $0x1  }
0x17: {  	s4 =	simm.s32 $0x1BF5;
	[smem:$0x3FB3] =	sst s0  }
0x18: {  	s0 =	sld [smem:$0x3F96];
	_ =	swait.ge [sflag:s4], $0x0  }
0x19: {  	s7 =	sld [smem:$0x3F97]  }
0x1a: {  	s8 =	sadd.s32 $0xFFFFE003, lr  }
0x1b: {  	s9 =	sadd.s32 $0xFFFFFEF7, lr;
	s5 =	simm.s32 $0xFFFFFFFF;
	p2 =	slt.u32 s8, $0xFFFFF086  }
0x1c: {  	p1 =	slt.u32 s9, $0xF7A;
	s5 =	simm.s32 @!p2 $0x0  }
0x1d: {  	s5 =	simm.s32 @p1 $0x1;
	p0 =	seq.s32 s7, s2  }
0x1e: {  	s7 =	smul.u32 @!p0 $0xF7A, s2;
	p2 =	seq.s32 @!p0 s5, $0x0  }
0x1f: {  	s9 =	smul.u32 $0xF7A, s1;
	s8 =	simm.s32 @!p0 $0x1BF5;
	p2 =	por !p2, p0  }
0x20: {  	[sflag:s8] =	ssyncset.s32 @!p0 $0xFFFFF086;
	s6 =	sadd.s32 @!p0 s3, s7;
	s7 =	simm.s32 @!p0 $0x108  }
0x21: {  	s3 =	sadd.s32 s3, s9;
	s6 =	sadd.s32 @!p0 $0x88, s6;
	s7 =	simm.s32 @p2 $0x1082  }
0x22: {  	[simem:s7], [sflag:s8] =	dma.local @!p0 [hbm:s6], $0xF7A  }
0x23: {  	s9 =	sor.u32 $0xD0000000, s2;
	s6 =	simm.s32 $0x108;
	_ =	swait.ge @!p0 [sflag:s8], $0x0  }
0x24: {  	s3 =	sadd.s32 $0x88, s3;
	s6 =	simm.s32 @!p1 $0x1082;
	[sflag:s4] =	ssyncset.s32 $0xFFFFF086  }
0x25: {  	[simem:s6], [sflag:s4] =	dma.local [hbm:s3], $0xF7A  }
0x26: {  	[smem:$0x3F97] =	sst s1;
	(tag) =	ssettag s2;
	_ =	strace s9  }
0x27: {  	s1 =	sld [smem:$0x3FA7]  }
0x28: {  	s2 =	sld [smem:$0x3FA8]  }
0x29: {  	s4 =	sld [smem:$0x3FAA]  }
0x2a: {  	p0 =	seq.s32 s5, $0x0;
	s5 =	sld [smem:$0x3FAB]  }
0x2b: {  	s6 =	sld [smem:$0x3FAC]  }
0x2c: {  	s7 =	sld [smem:$0x3FAD]  }
0x2d: {  	s3 =	simm.s32 $0x108;
	s8 =	sld [smem:$0x3FAE]  }
0x2e: {  	s3 =	simm.s32 @!p0 $0x1082;
	s9 =	sld [smem:$0x3FAF]  }
0x2f: {  	lr =	sadd.s32 s0, s3;
	s0 =	sld [smem:$0x3FA6]  }
0x30: {  	s3 =	sld [smem:$0x3FA9]  }
0x31: {  	[smem:$0x3FB2] =	sst s10  }
0x32: {  	s10 =	sld [smem:$0x3FB0];
	_ =	sdelay $0x3  }
0x33: {  	p0 =	seq.s32 s10, $0x1;
	s10 =	sld [smem:$0x3FB2];
	_ =	sdelay $0x3  }
0x34: {  	[smem:$0x3FB2] =	sst s10  }
0x35: {  	s10 =	sld [smem:$0x3FB1];
	_ =	sdelay $0x3  }
0x36: {  	p1 =	seq.s32 s10, $0x1;
	s10 =	sld [smem:$0x3FB2];
	_ =	sdelay $0x3  }
0x37: {  	[smem:$0x3FB2] =	sst s10  }
0x38: {  	s10 =	sld [smem:$0x3FB3]  }
0x39: {  	_ = 	snop;
	(pc) =	sbr.ind lr, $3  }
0x3a: {  	_ = 	snop  }
0x3b: {  	_ = 	snop  }
0x3c: {  	p2 =	seq.s32 s10, $0x1;
	s10 =	sld [smem:$0x3FB2]  }
0x3d: {  	_ =	shalt  }
0x3e: {  	_ =	shalt  }
0x3f: {  	_ =	shalt  }
0x40: {  	_ =	shalt  }
0x41: {  	_ =	shalt  }
0x42: {  	_ =	shalt  }
0x43: {  	_ =	shalt  }
0x44: {  	_ =	shalt  }
0x45: {  	_ =	shalt  }
0x46: {  	_ =	shalt  }
0x47: {  	_ =	shalt  }
0x48: {  	_ =	shalt  }
0x49: {  	_ =	shalt  }
0x4a: {  	_ =	shalt  }
0x4b: {  	_ =	shalt  }
0x4c: {  	_ =	shalt  }
0x4d: {  	_ =	shalt  }
0x4e: {  	_ =	shalt  }
0x4f: {  	_ =	shalt  }
0x50: {  	_ =	shalt  }
0x51: {  	_ =	shalt  }
0x52: {  	_ =	shalt  }
0x53: {  	_ =	shalt  }
0x54: {  	_ =	shalt  }
0x55: {  	_ =	shalt  }
0x56: {  	_ =	shalt  }
0x57: {  	_ =	shalt  }
0x58: {  	_ =	shalt  }
0x59: {  	_ =	shalt  }
0x5a: {  	_ =	shalt  }
0x5b: {  	_ =	shalt  }
0x5c: {  	_ =	shalt  }
0x5d: {  	_ =	shalt  }
0x5e: {  	_ =	shalt  }
0x5f: {  	_ =	shalt  }
0x60: {  	_ =	shalt  }
0x61: {  	_ =	shalt  }
0x62: {  	_ =	shalt  }
0x63: {  	_ =	shalt  }
0x64: {  	_ =	shalt  }
0x65: {  	_ =	shalt  }
0x66: {  	_ =	shalt  }
0x67: {  	_ =	shalt  }
0x68: {  	_ =	shalt  }
0x69: {  	_ =	shalt  }
0x6a: {  	_ =	shalt  }
0x6b: {  	_ =	shalt  }
0x6c: {  	_ =	shalt  }
0x6d: {  	_ =	shalt  }
0x6e: {  	_ =	shalt  }
0x6f: {  	_ =	shalt  }
0x70: {  	_ =	shalt  }
0x71: {  	_ =	shalt  }
0x72: {  	_ =	shalt  }
0x73: {  	_ =	shalt  }
0x74: {  	_ =	shalt  }
0x75: {  	_ =	shalt  }
0x76: {  	_ =	shalt  }
0x77: {  	_ =	shalt  }
0x78: {  	_ =	shalt  }
0x79: {  	_ =	shalt  }
0x7a: {  	_ =	shalt  }
0x7b: {  	_ =	shalt  }
0x7c: {  	_ =	shalt  }
0x7d: {  	_ =	shalt  }
0x7e: {  	_ =	shalt  }
0x7f: {  	_ =	shalt  }
0x80: {  	_ =	shalt  }
0x81: {  	_ =	shalt  }
0x82: {  	_ =	shalt  }
0x83: {  	_ =	shalt  }
0x84: {  	_ =	shalt  }
0x85: {  	_ =	shalt  }
0x86: {  	_ =	shalt  }
0x87: {  	_ =	shalt  }
.Lfunc_end0:
.L_simem_size_0:
called_computation.3_lowered:
.L_overlay_start_0:
0x88: {  	s2 =	sld [smem:$0x3FD9]  }
0x89: {  	s3 =	sld [smem:$0x3FFE];
	_ =	sdelay $0x1  }
0x8a: {  	s1 =	srdreg.scid  }
0x8b: {  	s0 =	sand.u32 $0x1, s1  }
0x8c: {  	s16 =	sshll.u32 s0, $0xA;
	s2 =	sadd.s32 s3, s2  }
0x8d: {  	s2 =	sadd.s32 s2, s16  }
0x8e: {  	[smem:$0x3FBE] =	sst s2  }
0x8f: {  	_ = 	snop  }
0x90: {  	(tm) =	ssettm $0x1  }
0x91: {  	s17 =	sld [smem:$0x3FFB];
	_ =	sdelay $0x3  }
0x92: {  	_ =	strace s17  }
0x93: {  	s2 =	sld [smem:$0x3FFC];
	_ =	sdelay $0x3  }
0x94: {  	_ =	strace s2  }
0x95: {  	s2 =	sld [smem:$0x3FFD];
	_ =	sdelay $0x3  }
0x96: {  	_ =	strace s2  }
0x97: {  	_ =	strace $0x8FFFFFFF  }
0x98: {  	s18 =	sld [smem:$0x3FDB];
	_ =	sdelay $0x1  }
0x99: {  	s19 =	simm.s32 $_scs_section_size  }
0x9a: {  	s4 =	simm.s32 $_size__tile_overlayer_lowered;
	s5 =	simm.s32 $_tile_overlayer_lowered  }
0x9b: {  	s22 =	simm.s32 $0x1BFF;
	s21 =	sshll.u32 s5, $0x1;
	s2 =	sadd.s32 s19, s18  }
0x9c: {  	s6 =	simm.s32 $0x0;
	s20 =	sshll.u32 s4, $0x1;
	s4 =	sadd.s32 s21, s2  }
0x9d: {  	[timem:s6], [sflag:s22] =	dma.local [hbm:s4], s20  }
0x9e: {  	_ =	swait.ge [sflag:s22], s20  }
0x9f: {  	s3 =	ssub.s32 $0x0, s20;
	[sflag:s22] =	ssyncset.done $0x0  }
0xa0: {  	[sflag:s22] =	ssyncadd.s32 s3;
	_ =	sdelay $0x1  }
0xa1: {  	s23 =	simm.s32 $0x1B8B  }
0xa2: {  	_ =	swait.ge [sflag:s23], $0x1  }
0xa3: {  	[sflag:s23] =	ssyncset.done $0x0  }
0xa4: {  	s25 =	simm.s32 $0x1B8E;
	s24 =	sld [smem:$0x3FFE];
	[sflag:s23] =	ssyncadd.s32 $0xFFFFFFFF  }
0xa5: {  	s26 =	simm.s32 $execute0_lowered;
	[smem:$0x3FD2] =	sst s25  }
0xa6: {  	s4 =	sshll.u32 s26, $0x1;
	_ =	strace $0x8000004F;
	[dreg:$0x1] =	wrdreg $0xFFFFFFFF  }
0xa7: {  	s28 =	simm.s32 $_size_execute0_lowered;
	s2 =	sadd.s32 s2, s4;
	[dreg:$0x0] =	wrdreg $0x0  }
0xa8: {  	s4 =	sshll.u32 s28, $0x1;
	[dreg:$0x2] =	wrdreg s2  }
0xa9: {  	[dreg:$0x3] =	wrdreg s4  }
0xaa: {  	[dreg:$0x4] =	wrdreg $0xC0  }
0xab: {  	_ =	task [dreg:s6], $0x5FFFF  }
0xac: {  	[dreg:$0x1] =	wrdreg $0xFFFFFFFF  }
0xad: {  	[dreg:$0x0] =	wrdreg $0x60  }
0xae: {  	[dreg:$0x2] =	wrdreg s24  }
0xaf: {  	[dreg:$0x3] =	wrdreg $0x29000  }
0xb0: {  	[dreg:$0x4] =	wrdreg $0x9  }
0xb1: {  	_ =	task.clear_ibuf [dreg:s6], $0x5FFFF;
	_ =	strace $0x9000004F  }
0xb2: {  	s29 =	simm.s32 $0x9;
	_ =	strace $0x80000051  }
0xb3: {  	_ =	swait.ge [sflag:s29], $0x1  }
0xb4: {  	[sflag:s29] =	ssyncadd.s32 $0xFFFFFFFF  }
0xb5: {  	_ =	strace $0x90000051  }
0xb6: {  	_ =	sfence  }
0xb7: {  	s30 =	sld [smem:$0x0];
	_ =	sdelay $0x2  }
0xb8: {  	s31 =	sshll.u32 s1, $0xD;
	s1 =	sshrl.u32 s1, $0x2  }
0xb9: {  	s3 =	sand.u32 $0x4000, s31;
	s1 =	sadd.s32 s1, s30  }
0xba: {  	s0 =	sor.u32 s3, s0;
	s1 =	sshll.u32 s1, $0x11  }
0xbb: {  	s0 =	sor.u32 s1, s0  }
0xbc: {  	s0 =	sadd.s32 $0x8F2B, s0  }
0xbd: {  	[sflag:s0] =	ssyncadd.remote.s32 $0x1  }
0xbe: {  	_ =	sfence.sel $0xFFFF  }
0xbf: {  	[dreg:$0x0] =	wrdreg $0xFFFFFFFF;
	(pc) =	sbr.abs _section_cstart, $3  }
0xc0: {  	[dreg:$0x1] =	wrdreg $0xFFFFFFFF  }
0xc1: {  	_ =	task.clear_ibuf [dreg:s6], $0x2FFFF;
	_ =	strace $0x9FFFFFFF  }
0xc2: {  	(tm) =	ssettm $0x7FFFFFFF  }
0xc3: {  	_ =	shalt  }
tec
execute0_lowered:
.L_overlay_start_1:
0x0: {  	(tag) =	ssettag $0x1  }
0x1: {  	s1 =	srdreg.scid  }
0x2: {  	s0 =	stileid.u32;
	s5 =	rddreg [dreg:$0x0]  }
0x3: {  	s2 =	rddreg [dreg:$0x1];
	s3 =	simm.s32 $0x0;
	s19 =	simm.s32 $0x100  }
0x4: {  	s20 =	simm.s32 $0x2;
	s21 =	simm.s32 $0x80;
	s22 =	simm.s32 $0x50  }
0x5: {  	s23 =	simm.s32 $0x1;
	s24 =	simm.s32 $0x0;
	s4 =	smul.u32 $0x4E20, s0  }
0x6: {  	s7 =	sand.u32 $0x1, s1;
	s1 =	rddreg [dreg:$0x2];
	s8 =	smul.u32 $0x4E000, s0  }
0x7: {  	[smem:$0x7FF] =	sst s3;
	s14 =	sadd.s32 $0x68800, s5;
	s15 =	smul.u32 $0x13800, s0  }
0x8: {  	p0 =	sne.s32 s0, $0xF;
	s6 =	smul.u32 $0x2710, s7;
	_ =	strace $0x80000050  }
0x9: {  	s31 =	ssub.s32 $0x2, s7;
	s13 =	smul.u32 $0x138800, s7;
	s8 =	sshrl.u32 s8, $0x2  }
0xa: {  	s9 =	sshrl.u32 s31, $0x1;
	s6 =	sadd.s32 s6, s4;
	s4 =	sadd.s32 $0x19E00, s5  }
0xb: {  	s16 =	ssub.s32 s31, s9;
	s15 =	sadd.s32 s15, s13;
	s17 =	sshrl.u32 s13, $0x3  }
0xc: {  	s13 =	sadd.s32 $0x138000, s2;
	s6 =	sshrl.u32 s6, $0x3;
	s15 =	sshrl.u32 s15, $0x3  }
0xd: {  	s17 =	sadd.s32 s14, s17;
	s16 =	smax.u32 s16, $0x1;
	s18 =	sadd.s32 s6, s5  }
0xe: {  	s5 =	sadd.s32 s8, s2;
	s14 =	sadd.s32 s14, s15;
	s15 =	sadd.s32 $0x27000, s17  }
0xf: {  	s6 =	sadd.s32 $0x2800, s5;
	s7 =	sadd.s32 $0x5000, s5;
	s8 =	sadd.s32 $0x7800, s5  }
0x10: {  	s9 =	sadd.s32 $0xA000, s5;
	s10 =	sadd.s32 $0xC800, s5;
	s11 =	sadd.s32 $0xF000, s5  }
0x11: {  	v0 =	vimm.f32 $0.0e+00;
	s12 =	sadd.s32 $0x11800, s5;
	s17 =	sadd.s32 $0x6200, s18;
	s18 =	sadd.s32 $0x10000, s18  }
.LBB2_1:
0x12: {  	s25 =	simm.s32 $0x70;
	s26 =	simm.s32 $0x3C0  }
.LBB2_2:
0x13: {  	p1 =	sne.s32 s26, $0x9FC0;
	[tilespmem:s25+$0x100] =	vst v0  }
0x14: {  	[tilespmem:s25+$0x90] =	vst v0  }
0x15: {  	[tilespmem:s25+$0xA0] =	vst v0  }
.Ltmp0:
0x16: {  	[tilespmem:s25+$0xB0] =	vst v0;
	(pc) =	sbr.rel @p1 .LBB2_2-.Ltmp0, $4  }
0x17: {  	[tilespmem:s25+$0xC0] =	vst v0  }
0x18: {  	[tilespmem:s25+$0xD0] =	vst v0  }
0x19: {  	[tilespmem:s25+$0xE0] =	vst v0  }
0x1a: {  	[tilespmem:s25+$0xF0] =	vst v0;
	s25 =	sshra.s32 s26, $0x2;
	s26 =	sadd.s32 $0x200, s26  }
0x1b: {  	[tilespmem:s25+$0x100] =	vst v0  }
0x1c: {  	[tilespmem:s25+$0x90] =	vst v0  }
0x1d: {  	[tilespmem:s25+$0xA0] =	vst v0  }
0x1e: {  	[tilespmem:s25+$0xB0] =	vst v0  }
0x1f: {  	[tilespmem:s25+$0xC0] =	vst v0  }
0x20: {  	[tilespmem:s25+$0xD0] =	vst v0  }
0x21: {  	[tilespmem:s25+$0xE0] =	vst v0  }
0x22: {  	[tilespmem:s25+$0xF0] =	vst v0  }
0x23: {  	[spmem:s5] =	stream.linear.scatter [tilespmem:s19], [sflag:$0x2], $0x2800, $0x38;
	[tilespmem:$0x16180] =	vst v63  }
0x24: {  	_ =	swait.ge [sflag:s20], $0x2800  }
0x25: {  	[sflag:s20] =	ssyncset.done $0x0  }
0x26: {  	[sflag:s20] =	ssyncadd.s32 $0xFFFFD800  }
0x27: {  	[spmem:s6] =	stream.linear.scatter [tilespmem:s19], [sflag:$0x2], $0x2800, $0x38;
	[tilespmem:$0x16180] =	vst v63  }
0x28: {  	_ =	swait.ge [sflag:s20], $0x2800  }
0x29: {  	[sflag:s20] =	ssyncset.done $0x0  }
0x2a: {  	[sflag:s20] =	ssyncadd.s32 $0xFFFFD800  }
0x2b: {  	[spmem:s7] =	stream.linear.scatter [tilespmem:s19], [sflag:$0x2], $0x2800, $0x38;
	[tilespmem:$0x16180] =	vst v63  }
0x2c: {  	_ =	swait.ge [sflag:s20], $0x2800  }
0x2d: {  	[sflag:s20] =	ssyncset.done $0x0  }
0x2e: {  	[sflag:s20] =	ssyncadd.s32 $0xFFFFD800  }
0x2f: {  	[spmem:s8] =	stream.linear.scatter [tilespmem:s19], [sflag:$0x2], $0x2800, $0x38;
	[tilespmem:$0x16180] =	vst v63  }
0x30: {  	_ =	swait.ge [sflag:s20], $0x2800  }
0x31: {  	[sflag:s20] =	ssyncset.done $0x0  }
0x32: {  	[sflag:s20] =	ssyncadd.s32 $0xFFFFD800  }
0x33: {  	[spmem:s9] =	stream.linear.scatter [tilespmem:s19], [sflag:$0x2], $0x2800, $0x38;
	[tilespmem:$0x16180] =	vst v63  }
0x34: {  	_ =	swait.ge [sflag:s20], $0x2800  }
0x35: {  	[sflag:s20] =	ssyncset.done $0x0  }
0x36: {  	[sflag:s20] =	ssyncadd.s32 $0xFFFFD800  }
0x37: {  	[spmem:s10] =	stream.linear.scatter [tilespmem:s19], [sflag:$0x2], $0x2800, $0x38;
	[tilespmem:$0x16180] =	vst v63  }
0x38: {  	_ =	swait.ge [sflag:s20], $0x2800  }
0x39: {  	[sflag:s20] =	ssyncset.done $0x0  }
0x3a: {  	[sflag:s20] =	ssyncadd.s32 $0xFFFFD800  }
0x3b: {  	[spmem:s11] =	stream.linear.scatter [tilespmem:s19], [sflag:$0x2], $0x2800, $0x38;
	[tilespmem:$0x16180] =	vst v63  }
0x3c: {  	_ =	swait.ge [sflag:s20], $0x2800  }
0x3d: {  	[sflag:s20] =	ssyncset.done $0x0  }
0x3e: {  	[sflag:s20] =	ssyncadd.s32 $0xFFFFD800  }
0x3f: {  	[spmem:s12] =	stream.linear.scatter [tilespmem:s19], [sflag:$0x2], $0x2000, $0x38;
	[tilespmem:$0x16180] =	vst v63  }
0x40: {  	_ =	swait.ge [sflag:s20], $0x2000  }
0x41: {  	[sflag:s20] =	ssyncset.done $0x0  }
0x42: {  	s25 =	simm.s32 @!p0 $0x100;
	[sflag:s20] =	ssyncadd.s32 $0xFFFFE000  }
0x43: {  	[spmem:s13] =	stream.linear.scatter @!p0 [tilespmem:s25], [sflag:$0x2], $0x800, $0x38;
	[tilespmem:$0x16180] =	vst v63  }
0x44: {  	s25 =	simm.s32 @!p0 $0x2  }
0x45: {  	_ =	swait.ge @!p0 [sflag:s25], $0x800  }
0x46: {  	[sflag:s25] =	ssyncset.done @!p0 $0x0  }
0x47: {  	[sflag:s25] =	ssyncadd.s32 @!p0 $0xFFFFF800  }
0x48: {  	s30 =	sadd.s32 $0x0, s18;
	[bflag:$0x0] =	sbarrier.arrive $0xFFFF  }
0x49: {  	[tilespmem:s3], [sflag:$0x2] =	stream.linear.gather [hbm4b:s30+s3], $0x50, $0x38;
	[tilespmem:$0x16180] =	vst v63  }
0x4a: {  	_ =	swait.ge [sflag:s20], $0x50  }
0x4b: {  	[sflag:s20] =	ssyncset.done $0x0  }
0x4c: {  	s31 =	sadd.s32 $0x0, s17;
	[sflag:s20] =	ssyncadd.s32 $0xFFFFFFB0  }
0x4d: {  	[tilespmem:s21], [sflag:$0x2] =	stream.linear.gather [hbm4b:s31+s3], $0x50, $0x38;
	[tilespmem:$0x16180] =	vst v63  }
0x4e: {  	_ =	swait.ge [sflag:s20], $0x50  }
0x4f: {  	[sflag:s20] =	ssyncset.done $0x0  }
0x50: {  	[sflag:s20] =	ssyncadd.s32 $0xFFFFFFB0  }
0x51: {  	[tilespmem:s19], [sflag:$0x1] =	stream.indirect.gather [hbm4b:s4+s22], $0x80, s3, s22, $0xb8;
	[tilespmem:$0x16180] =	vst v63  }
0x52: {  	_ =	swait.ge [sflag:s23], $0x2800  }
0x53: {  	[sflag:s23] =	ssyncset.done $0x0  }
0x54: {  	[sflag:s23] =	ssyncadd.s32 $0xFFFFD800  }
0x55: {  	[spmem:s2] =	stream.indirect.scatter.add.f32 [tilespmem:s19], [sflag:$0x2], $0x80, s21, s22, $0xb8;
	[tilespmem:$0x16180] =	vst v63  }
0x56: {  	_ =	swait.ge [sflag:s20], $0x2800  }
0x57: {  	s26 =	simm.s32 $0x14;
	s25 =	simm.s32 $0xA;
	[sflag:s20] =	ssyncset.done $0x0  }
.LBB2_4:
0x58: {  	s28 =	sadd.s32 s25, s18  }
0x59: {  	[sflag:s20] =	ssyncadd.s32 $0xFFFFD800;
	s29 =	smov.u32 s26;
	s30 =	sadd.s32 $0xA, s26  }
0x5a: {  	[tilespmem:s3], [sflag:$0x2] =	stream.linear.gather [hbm4b:s28+s3], $0x50, $0x38;
	[tilespmem:$0x16180] =	vst v63  }
0x5b: {  	p1 =	sne.s32 s26, $0x4D8;
	_ =	swait.ge [sflag:s20], $0x50  }
0x5c: {  	[sflag:s20] =	ssyncset.done $0x0  }
0x5d: {  	s26 =	sadd.s32 s25, s17;
	s25 =	smov.u32 s29;
	[sflag:s20] =	ssyncadd.s32 $0xFFFFFFB0  }
0x5e: {  	[tilespmem:s21], [sflag:$0x2] =	stream.linear.gather [hbm4b:s26+s3], $0x50, $0x38;
	[tilespmem:$0x16180] =	vst v63  }
0x5f: {  	_ =	swait.ge [sflag:s20], $0x50  }
0x60: {  	[sflag:s20] =	ssyncset.done $0x0  }
0x61: {  	[sflag:s20] =	ssyncadd.s32 $0xFFFFFFB0  }
0x62: {  	[tilespmem:s19], [sflag:$0x1] =	stream.indirect.gather [hbm4b:s4+s22], $0x80, s3, s22, $0xb8;
	[tilespmem:$0x16180] =	vst v63  }
0x63: {  	_ =	swait.ge [sflag:s23], $0x2800  }
.Ltmp1:
0x64: {  	[sflag:s23] =	ssyncset.done $0x0;
	(pc) =	sbr.rel @p1 .LBB2_4-.Ltmp1, $4  }
0x65: {  	[sflag:s23] =	ssyncadd.s32 $0xFFFFD800  }
0x66: {  	[spmem:s2] =	stream.indirect.scatter.add.f32 [tilespmem:s19], [sflag:$0x2], $0x80, s21, s22, $0xb8;
	[tilespmem:$0x16180] =	vst v63  }
0x67: {  	_ =	swait.ge [sflag:s20], $0x2800  }
0x68: {  	s26 =	smov.u32 s30;
	[sflag:s20] =	ssyncset.done $0x0  }
0x69: {  	s26 =	sadd.s32 s25, s18;
	[sflag:s20] =	ssyncadd.s32 $0xFFFFD800  }
0x6a: {  	[tilespmem:s3], [sflag:$0x2] =	stream.linear.gather [hbm4b:s26+s3], $0x50, $0x38;
	[tilespmem:$0x16180] =	vst v63  }
0x6b: {  	_ =	swait.ge [sflag:s20], $0x50  }
0x6c: {  	[sflag:s20] =	ssyncset.done $0x0  }
0x6d: {  	s29 =	sadd.s32 s25, s17;
	[sflag:s20] =	ssyncadd.s32 $0xFFFFFFB0  }
0x6e: {  	[tilespmem:s21], [sflag:$0x2] =	stream.linear.gather [hbm4b:s29+s3], $0x50, $0x38;
	[tilespmem:$0x16180] =	vst v63  }
0x6f: {  	_ =	swait.ge [sflag:s20], $0x50  }
0x70: {  	[sflag:s20] =	ssyncset.done $0x0  }
0x71: {  	[sflag:s20] =	ssyncadd.s32 $0xFFFFFFB0  }
0x72: {  	[tilespmem:s19], [sflag:$0x1] =	stream.indirect.gather [hbm4b:s4+s22], $0x80, s3, s22, $0xb8;
	[tilespmem:$0x16180] =	vst v63  }
0x73: {  	_ =	swait.ge [sflag:s23], $0x2800  }
0x74: {  	[sflag:s23] =	ssyncset.done $0x0  }
0x75: {  	[sflag:s23] =	ssyncadd.s32 $0xFFFFD800  }
0x76: {  	[spmem:s2] =	stream.indirect.scatter.add.f32 [tilespmem:s19], [sflag:$0x2], $0x80, s21, s22, $0xb8;
	[tilespmem:$0x16180] =	vst v63  }
0x77: {  	_ =	swait.ge [sflag:s20], $0x2800  }
0x78: {  	[sflag:s20] =	ssyncset.done $0x0  }
0x79: {  	s30 =	sshll.u32 s0, $0x6;
	[sflag:s20] =	ssyncadd.s32 $0xFFFFD800  }
0x7a: {  	s31 =	sshrl.u32 s5, $0x3;
	s25 =	sor.u32 $0x1C02, s30;
	[bflag:$0x0] =	sbarrier.arrive $0xFFFF  }
0x7b: {  	[hbm:s14], [sflag:s25] =	dma.local [spmem:s31], $0x2700  }
0x7c: {  	_ =	swait.ge [sflag:s20], $0x2700  }
0x7d: {  	s24 =	sadd.s32 $0x1, s24;
	[sflag:s20] =	ssyncset.done $0x0  }
0x7e: {  	s26 =	sshrl.u32 @!p0 s13, $0x3;
	p1 =	sne.s32 s24, s16;
	[sflag:s20] =	ssyncadd.s32 $0xFFFFD900  }
0x7f: {  	[hbm:s15], [sflag:s25] =	dma.local @!p0 [spmem:s26], $0x100  }
.Ltmp2:
0x80: {  	_ = 	snop;
	(pc) =	sbr.rel @p1 .LBB2_1-.Ltmp2, $4  }
0x81: {  	s25 =	simm.s32 @!p0 $0x2  }
0x82: {  	_ =	swait.ge @!p0 [sflag:s25], $0x100  }
0x83: {  	[sflag:s25] =	ssyncset.done @!p0 $0x0  }
0x84: {  	[sflag:s25] =	ssyncadd.s32 @!p0 $0xFFFFFF00  }
0x85: {  	_ =	sfence.sel $0x180000  }
0x86: {  	[bflag:$0x0] =	sbarrier.arrive $0xFFFF  }
0x87: {  	p0 =	sne.s32 s0, $0x0;
	_ =	strace $0x90000050  }
0x88: {  	s0 =	sadd.s32 @!p0 $0x100000, s1;
	[bflag:$0x2] =	sbarrier.arrive $0xFFFF  }
0x89: {  	[sflag:s0] =	ssyncadd.tile.s32 @!p0 $0x1;
	_ =	shalt  }
.Lfunc_end2:
_tile_overlayer_lowered:
.L_overlay_start_2:
0x8a: {  	(tag) =	ssettag $0x2  }
0x8b: {  	s0 =	rddreg [dreg:$0x0];
	s2 =	stileid.u32  }
0x8c: {  	s1 =	rddreg [dreg:$0x1];
	p0 =	sne.s32 s2, $0x0  }
0x8d: {  	s3 =	rddreg [dreg:$0x2];
	[bflag:$0x3] =	sbarrier.arrive $0xFFFF;
	s2 =	simm.s32 @!p0 $0x1C02  }
0x8e: {  	[timem:s3], [sflag:s2] =	dma.local @!p0 [hbm:s0], s1  }
0x8f: {  	s0 =	simm.s32 @!p0 $0x2  }
0x90: {  	_ =	swait.ge @!p0 [sflag:s0], s1  }
0x91: {  	s1 =	ssub.s32 @!p0 $0x0, s1;
	[sflag:s0] =	ssyncset.done @!p0 $0x0  }
0x92: {  	[sflag:s0] =	ssyncadd.s32 @!p0 s1  }
0x93: {  	[bflag:$0x3] =	sbarrier.arrive $0xFFFF  }
0x94: {  	_ =	shalt  }

// kernel: kernel.24.cloned.1.call-start
scs
__scs_entry_jumppad:
0x0: {  	(pc) =	sbr.rel $0x88, $3  }
0x1: {  	(tag) =	ssettag $0x0;
	lr =	simm.s32 $0x1  }
0x2: {  	[smem:$0x3F97] =	sst lr;
	_ =	strace $0xD0000000  }
0x3: {  	_ = 	snop  }
0x4: {  	_ = 	snop  }
0x5: {  	_ = 	snop  }
0x6: {  	_ = 	snop  }
0x7: {  	_ = 	snop  }
__scs_overlays_trampoline_lowered:
0x8: {  	[smem:$0x3FA6] =	sst s0  }
0x9: {  	[smem:$0x3FA7] =	sst s1  }
0xa: {  	[smem:$0x3FA8] =	sst s2  }
0xb: {  	[smem:$0x3FA9] =	sst s3  }
0xc: {  	[smem:$0x3FAA] =	sst s4  }
0xd: {  	[smem:$0x3FAB] =	sst s5  }
0xe: {  	[smem:$0x3FAC] =	sst s6  }
0xf: {  	[smem:$0x3FAD] =	sst s7  }
0x10: {  	[smem:$0x3FAE] =	sst s8  }
0x11: {  	[smem:$0x3FAF] =	sst s9;
	s0 =	simm.s32 @!p0 $0x0  }
0x12: {  	s1 =	sld [smem:$0x3F95];
	s0 =	simm.s32 @p0 $0x1  }
0x13: {  	[smem:$0x3FB0] =	sst s0;
	s0 =	simm.s32 @!p1 $0x0  }
0x14: {  	s2 =	sld [smem:$0x3F94];
	s0 =	simm.s32 @p1 $0x1  }
0x15: {  	[smem:$0x3FB1] =	sst s0;
	s0 =	simm.s32 @!p2 $0x0  }
0x16: {  	s3 =	sld [smem:$0x3FDB];
	s0 =	simm.s32 @p2 $0x1  }
0x17: {  	s4 =	simm.s32 $0x1BF5;
	[smem:$0x3FB3] =	sst s0  }
0x18: {  	s0 =	sld [smem:$0x3F96];
	_ =	swait.ge [sflag:s4], $0x0  }
0x19: {  	s7 =	sld [smem:$0x3F97]  }
0x1a: {  	s8 =	sadd.s32 $0xFFFFE003, lr  }
0x1b: {  	s9 =	sadd.s32 $0xFFFFFEF7, lr;
	s5 =	simm.s32 $0xFFFFFFFF;
	p2 =	slt.u32 s8, $0xFFFFF086  }
0x1c: {  	p1 =	slt.u32 s9, $0xF7A;
	s5 =	simm.s32 @!p2 $0x0  }
0x1d: {  	s5 =	simm.s32 @p1 $0x1;
	p0 =	seq.s32 s7, s2  }
0x1e: {  	s7 =	smul.u32 @!p0 $0xF7A, s2;
	p2 =	seq.s32 @!p0 s5, $0x0  }
0x1f: {  	s9 =	smul.u32 $0xF7A, s1;
	s8 =	simm.s32 @!p0 $0x1BF5;
	p2 =	por !p2, p0  }
0x20: {  	[sflag:s8] =	ssyncset.s32 @!p0 $0xFFFFF086;
	s6 =	sadd.s32 @!p0 s3, s7;
	s7 =	simm.s32 @!p0 $0x108  }
0x21: {  	s3 =	sadd.s32 s3, s9;
	s6 =	sadd.s32 @!p0 $0x88, s6;
	s7 =	simm.s32 @p2 $0x1082  }
0x22: {  	[simem:s7], [sflag:s8] =	dma.local @!p0 [hbm:s6], $0xF7A  }
0x23: {  	s9 =	sor.u32 $0xD0000000, s2;
	s6 =	simm.s32 $0x108;
	_ =	swait.ge @!p0 [sflag:s8], $0x0  }
0x24: {  	s3 =	sadd.s32 $0x88, s3;
	s6 =	simm.s32 @!p1 $0x1082;
	[sflag:s4] =	ssyncset.s32 $0xFFFFF086  }
0x25: {  	[simem:s6], [sflag:s4] =	dma.local [hbm:s3], $0xF7A  }
0x26: {  	[smem:$0x3F97] =	sst s1;
	(tag) =	ssettag s2;
	_ =	strace s9  }
0x27: {  	s1 =	sld [smem:$0x3FA7]  }
0x28: {  	s2 =	sld [smem:$0x3FA8]  }
0x29: {  	s4 =	sld [smem:$0x3FAA]  }
0x2a: {  	p0 =	seq.s32 s5, $0x0;
	s5 =	sld [smem:$0x3FAB]  }
0x2b: {  	s6 =	sld [smem:$0x3FAC]  }
0x2c: {  	s7 =	sld [smem:$0x3FAD]  }
0x2d: {  	s3 =	simm.s32 $0x108;
	s8 =	sld [smem:$0x3FAE]  }
0x2e: {  	s3 =	simm.s32 @!p0 $0x1082;
	s9 =	sld [smem:$0x3FAF]  }
0x2f: {  	lr =	sadd.s32 s0, s3;
	s0 =	sld [smem:$0x3FA6]  }
0x30: {  	s3 =	sld [smem:$0x3FA9]  }
0x31: {  	[smem:$0x3FB2] =	sst s10  }
0x32: {  	s10 =	sld [smem:$0x3FB0];
	_ =	sdelay $0x3  }
0x33: {  	p0 =	seq.s32 s10, $0x1;
	s10 =	sld [smem:$0x3FB2];
	_ =	sdelay $0x3  }
0x34: {  	[smem:$0x3FB2] =	sst s10  }
0x35: {  	s10 =	sld [smem:$0x3FB1];
	_ =	sdelay $0x3  }
0x36: {  	p1 =	seq.s32 s10, $0x1;
	s10 =	sld [smem:$0x3FB2];
	_ =	sdelay $0x3  }
0x37: {  	[smem:$0x3FB2] =	sst s10  }
0x38: {  	s10 =	sld [smem:$0x3FB3]  }
0x39: {  	_ = 	snop;
	(pc) =	sbr.ind lr, $3  }
0x3a: {  	_ = 	snop  }
0x3b: {  	_ = 	snop  }
0x3c: {  	p2 =	seq.s32 s10, $0x1;
	s10 =	sld [smem:$0x3FB2]  }
0x3d: {  	_ =	shalt  }
0x3e: {  	_ =	shalt  }
0x3f: {  	_ =	shalt  }
0x40: {  	_ =	shalt  }
0x41: {  	_ =	shalt  }
0x42: {  	_ =	shalt  }
0x43: {  	_ =	shalt  }
0x44: {  	_ =	shalt  }
0x45: {  	_ =	shalt  }
0x46: {  	_ =	shalt  }
0x47: {  	_ =	shalt  }
0x48: {  	_ =	shalt  }
0x49: {  	_ =	shalt  }
0x4a: {  	_ =	shalt  }
0x4b: {  	_ =	shalt  }
0x4c: {  	_ =	shalt  }
0x4d: {  	_ =	shalt  }
0x4e: {  	_ =	shalt  }
0x4f: {  	_ =	shalt  }
0x50: {  	_ =	shalt  }
0x51: {  	_ =	shalt  }
0x52: {  	_ =	shalt  }
0x53: {  	_ =	shalt  }
0x54: {  	_ =	shalt  }
0x55: {  	_ =	shalt  }
0x56: {  	_ =	shalt  }
0x57: {  	_ =	shalt  }
0x58: {  	_ =	shalt  }
0x59: {  	_ =	shalt  }
0x5a: {  	_ =	shalt  }
0x5b: {  	_ =	shalt  }
0x5c: {  	_ =	shalt  }
0x5d: {  	_ =	shalt  }
0x5e: {  	_ =	shalt  }
0x5f: {  	_ =	shalt  }
0x60: {  	_ =	shalt  }
0x61: {  	_ =	shalt  }
0x62: {  	_ =	shalt  }
0x63: {  	_ =	shalt  }
0x64: {  	_ =	shalt  }
0x65: {  	_ =	shalt  }
0x66: {  	_ =	shalt  }
0x67: {  	_ =	shalt  }
0x68: {  	_ =	shalt  }
0x69: {  	_ =	shalt  }
0x6a: {  	_ =	shalt  }
0x6b: {  	_ =	shalt  }
0x6c: {  	_ =	shalt  }
0x6d: {  	_ =	shalt  }
0x6e: {  	_ =	shalt  }
0x6f: {  	_ =	shalt  }
0x70: {  	_ =	shalt  }
0x71: {  	_ =	shalt  }
0x72: {  	_ =	shalt  }
0x73: {  	_ =	shalt  }
0x74: {  	_ =	shalt  }
0x75: {  	_ =	shalt  }
0x76: {  	_ =	shalt  }
0x77: {  	_ =	shalt  }
0x78: {  	_ =	shalt  }
0x79: {  	_ =	shalt  }
0x7a: {  	_ =	shalt  }
0x7b: {  	_ =	shalt  }
0x7c: {  	_ =	shalt  }
0x7d: {  	_ =	shalt  }
0x7e: {  	_ =	shalt  }
0x7f: {  	_ =	shalt  }
0x80: {  	_ =	shalt  }
0x81: {  	_ =	shalt  }
0x82: {  	_ =	shalt  }
0x83: {  	_ =	shalt  }
0x84: {  	_ =	shalt  }
0x85: {  	_ =	shalt  }
0x86: {  	_ =	shalt  }
0x87: {  	_ =	shalt  }
.Lfunc_end0:
.L_simem_size_0:
called_computation.4_lowered:
.L_overlay_start_0:
0x88: {  	s2 =	sld [smem:$0x3FD9]  }
0x89: {  	s3 =	sld [smem:$0x3FFE];
	_ =	sdelay $0x1  }
0x8a: {  	s1 =	srdreg.scid  }
0x8b: {  	s0 =	sand.u32 $0x1, s1  }
0x8c: {  	s16 =	sshll.u32 s0, $0xA;
	s2 =	sadd.s32 s3, s2  }
0x8d: {  	s2 =	sadd.s32 s2, s16  }
0x8e: {  	[smem:$0x3FBE] =	sst s2  }
0x8f: {  	_ = 	snop  }
0x90: {  	(tm) =	ssettm $0x1  }
0x91: {  	s17 =	sld [smem:$0x3FFB];
	_ =	sdelay $0x3  }
0x92: {  	_ =	strace s17  }
0x93: {  	s2 =	sld [smem:$0x3FFC];
	_ =	sdelay $0x3  }
0x94: {  	_ =	strace s2  }
0x95: {  	s2 =	sld [smem:$0x3FFD];
	_ =	sdelay $0x3  }
0x96: {  	_ =	strace s2  }
0x97: {  	_ =	strace $0x8FFFFFFF  }
0x98: {  	s18 =	sld [smem:$0x3FDB];
	_ =	sdelay $0x1  }
0x99: {  	s19 =	simm.s32 $_scs_section_size  }
0x9a: {  	s4 =	simm.s32 $_size__tile_overlayer_lowered;
	s5 =	simm.s32 $_tile_overlayer_lowered  }
0x9b: {  	s22 =	simm.s32 $0x1BFF;
	s21 =	sshll.u32 s5, $0x1;
	s2 =	sadd.s32 s19, s18  }
0x9c: {  	s6 =	simm.s32 $0x0;
	s20 =	sshll.u32 s4, $0x1;
	s4 =	sadd.s32 s21, s2  }
0x9d: {  	[timem:s6], [sflag:s22] =	dma.local [hbm:s4], s20  }
0x9e: {  	_ =	swait.ge [sflag:s22], s20  }
0x9f: {  	s3 =	ssub.s32 $0x0, s20;
	[sflag:s22] =	ssyncset.done $0x0  }
0xa0: {  	[sflag:s22] =	ssyncadd.s32 s3;
	_ =	sdelay $0x1  }
0xa1: {  	s23 =	simm.s32 $0x1B8B  }
0xa2: {  	_ =	swait.ge [sflag:s23], $0x1  }
0xa3: {  	[sflag:s23] =	ssyncset.done $0x0  }
0xa4: {  	s25 =	simm.s32 $0x1B8E;
	s24 =	sld [smem:$0x3FFE];
	[sflag:s23] =	ssyncadd.s32 $0xFFFFFFFF  }
0xa5: {  	s26 =	simm.s32 $execute0_lowered;
	[smem:$0x3FD2] =	sst s25  }
0xa6: {  	s4 =	sshll.u32 s26, $0x1;
	_ =	strace $0x80000052;
	[dreg:$0x1] =	wrdreg $0xFFFFFFFF  }
0xa7: {  	s28 =	simm.s32 $_size_execute0_lowered;
	s2 =	sadd.s32 s2, s4;
	[dreg:$0x0] =	wrdreg $0x0  }
0xa8: {  	s4 =	sshll.u32 s28, $0x1;
	[dreg:$0x2] =	wrdreg s2  }
0xa9: {  	[dreg:$0x3] =	wrdreg s4  }
0xaa: {  	[dreg:$0x4] =	wrdreg $0xC0  }
0xab: {  	_ =	task [dreg:s6], $0x5FFFF  }
0xac: {  	[dreg:$0x1] =	wrdreg $0xFFFFFFFF  }
0xad: {  	[dreg:$0x0] =	wrdreg $0x60  }
0xae: {  	[dreg:$0x2] =	wrdreg s24  }
0xaf: {  	[dreg:$0x3] =	wrdreg $0x29000  }
0xb0: {  	[dreg:$0x4] =	wrdreg $0x9  }
0xb1: {  	_ =	task.clear_ibuf [dreg:s6], $0x5FFFF;
	_ =	strace $0x90000052  }
0xb2: {  	s29 =	simm.s32 $0x9;
	_ =	strace $0x80000054  }
0xb3: {  	_ =	swait.ge [sflag:s29], $0x1  }
0xb4: {  	[sflag:s29] =	ssyncadd.s32 $0xFFFFFFFF  }
0xb5: {  	_ =	strace $0x90000054  }
0xb6: {  	_ =	sfence  }
0xb7: {  	s30 =	sld [smem:$0x0];
	_ =	sdelay $0x2  }
0xb8: {  	s31 =	sshll.u32 s1, $0xD;
	s1 =	sshrl.u32 s1, $0x2  }
0xb9: {  	s3 =	sand.u32 $0x4000, s31;
	s1 =	sadd.s32 s1, s30  }
0xba: {  	s0 =	sor.u32 s3, s0;
	s1 =	sshll.u32 s1, $0x11  }
0xbb: {  	s0 =	sor.u32 s1, s0  }
0xbc: {  	s0 =	sadd.s32 $0x8F2B, s0  }
0xbd: {  	[sflag:s0] =	ssyncadd.remote.s32 $0x1  }
0xbe: {  	_ =	sfence.sel $0xFFFF  }
0xbf: {  	[dreg:$0x0] =	wrdreg $0xFFFFFFFF;
	(pc) =	sbr.abs _section_cstart, $3  }
0xc0: {  	[dreg:$0x1] =	wrdreg $0xFFFFFFFF  }
0xc1: {  	_ =	task.clear_ibuf [dreg:s6], $0x2FFFF;
	_ =	strace $0x9FFFFFFF  }
0xc2: {  	(tm) =	ssettm $0x7FFFFFFF  }
0xc3: {  	_ =	shalt  }
tec
execute0_lowered:
.L_overlay_start_1:
0x0: {  	(tag) =	ssettag $0x1  }
0x1: {  	s1 =	srdreg.scid  }
0x2: {  	s0 =	stileid.u32;
	s5 =	rddreg [dreg:$0x0]  }
0x3: {  	s2 =	rddreg [dreg:$0x1];
	s3 =	simm.s32 $0x0;
	s19 =	simm.s32 $0x100  }
0x4: {  	s20 =	simm.s32 $0x2;
	s21 =	simm.s32 $0x80;
	s22 =	simm.s32 $0x50  }
0x5: {  	s23 =	simm.s32 $0x1;
	s24 =	simm.s32 $0x0;
	s4 =	smul.u32 $0x4E20, s0  }
0x6: {  	s7 =	sand.u32 $0x1, s1;
	s1 =	rddreg [dreg:$0x2];
	s8 =	smul.u32 $0x4E000, s0  }
0x7: {  	[smem:$0x7FF] =	sst s3;
	s14 =	sadd.s32 $0x68800, s5;
	s15 =	smul.u32 $0x13800, s0  }
0x8: {  	p0 =	sne.s32 s0, $0xF;
	s6 =	smul.u32 $0x2710, s7;
	_ =	strace $0x80000053  }
0x9: {  	s31 =	ssub.s32 $0x2, s7;
	s13 =	smul.u32 $0x138800, s7;
	s8 =	sshrl.u32 s8, $0x2  }
0xa: {  	s9 =	sshrl.u32 s31, $0x1;
	s6 =	sadd.s32 s6, s4;
	s4 =	sadd.s32 $0x19E00, s5  }
0xb: {  	s16 =	ssub.s32 s31, s9;
	s15 =	sadd.s32 s15, s13;
	s17 =	sshrl.u32 s13, $0x3  }
0xc: {  	s13 =	sadd.s32 $0x138000, s2;
	s6 =	sshrl.u32 s6, $0x3;
	s15 =	sshrl.u32 s15, $0x3  }
0xd: {  	s17 =	sadd.s32 s14, s17;
	s16 =	smax.u32 s16, $0x1;
	s18 =	sadd.s32 s6, s5  }
0xe: {  	s5 =	sadd.s32 s8, s2;
	s14 =	sadd.s32 s14, s15;
	s15 =	sadd.s32 $0x27000, s17  }
0xf: {  	s6 =	sadd.s32 $0x2800, s5;
	s7 =	sadd.s32 $0x5000, s5;
	s8 =	sadd.s32 $0x7800, s5  }
0x10: {  	s9 =	sadd.s32 $0xA000, s5;
	s10 =	sadd.s32 $0xC800, s5;
	s11 =	sadd.s32 $0xF000, s5  }
0x11: {  	v0 =	vimm.f32 $0.0e+00;
	s12 =	sadd.s32 $0x11800, s5;
	s17 =	sadd.s32 $0x6200, s18;
	s18 =	sadd.s32 $0x10000, s18  }
.LBB2_1:
0x12: {  	s25 =	simm.s32 $0x70;
	s26 =	simm.s32 $0x3C0  }
.LBB2_2:
0x13: {  	p1 =	sne.s32 s26, $0x9FC0;
	[tilespmem:s25+$0x100] =	vst v0  }
0x14: {  	[tilespmem:s25+$0x90] =	vst v0  }
0x15: {  	[tilespmem:s25+$0xA0] =	vst v0  }
.Ltmp0:
0x16: {  	[tilespmem:s25+$0xB0] =	vst v0;
	(pc) =	sbr.rel @p1 .LBB2_2-.Ltmp0, $4  }
0x17: {  	[tilespmem:s25+$0xC0] =	vst v0  }
0x18: {  	[tilespmem:s25+$0xD0] =	vst v0  }
0x19: {  	[tilespmem:s25+$0xE0] =	vst v0  }
0x1a: {  	[tilespmem:s25+$0xF0] =	vst v0;
	s25 =	sshra.s32 s26, $0x2;
	s26 =	sadd.s32 $0x200, s26  }
0x1b: {  	[tilespmem:s25+$0x100] =	vst v0  }
0x1c: {  	[tilespmem:s25+$0x90] =	vst v0  }
0x1d: {  	[tilespmem:s25+$0xA0] =	vst v0  }
0x1e: {  	[tilespmem:s25+$0xB0] =	vst v0  }
0x1f: {  	[tilespmem:s25+$0xC0] =	vst v0  }
0x20: {  	[tilespmem:s25+$0xD0] =	vst v0  }
0x21: {  	[tilespmem:s25+$0xE0] =	vst v0  }
0x22: {  	[tilespmem:s25+$0xF0] =	vst v0  }
0x23: {  	[spmem:s5] =	stream.linear.scatter [tilespmem:s19], [sflag:$0x2], $0x2800, $0x38;
	[tilespmem:$0x16180] =	vst v63  }
0x24: {  	_ =	swait.ge [sflag:s20], $0x2800  }
0x25: {  	[sflag:s20] =	ssyncset.done $0x0  }
0x26: {  	[sflag:s20] =	ssyncadd.s32 $0xFFFFD800  }
0x27: {  	[spmem:s6] =	stream.linear.scatter [tilespmem:s19], [sflag:$0x2], $0x2800, $0x38;
	[tilespmem:$0x16180] =	vst v63  }
0x28: {  	_ =	swait.ge [sflag:s20], $0x2800  }
0x29: {  	[sflag:s20] =	ssyncset.done $0x0  }
0x2a: {  	[sflag:s20] =	ssyncadd.s32 $0xFFFFD800  }
0x2b: {  	[spmem:s7] =	stream.linear.scatter [tilespmem:s19], [sflag:$0x2], $0x2800, $0x38;
	[tilespmem:$0x16180] =	vst v63  }
0x2c: {  	_ =	swait.ge [sflag:s20], $0x2800  }
0x2d: {  	[sflag:s20] =	ssyncset.done $0x0  }
0x2e: {  	[sflag:s20] =	ssyncadd.s32 $0xFFFFD800  }
0x2f: {  	[spmem:s8] =	stream.linear.scatter [tilespmem:s19], [sflag:$0x2], $0x2800, $0x38;
	[tilespmem:$0x16180] =	vst v63  }
0x30: {  	_ =	swait.ge [sflag:s20], $0x2800  }
0x31: {  	[sflag:s20] =	ssyncset.done $0x0  }
0x32: {  	[sflag:s20] =	ssyncadd.s32 $0xFFFFD800  }
0x33: {  	[spmem:s9] =	stream.linear.scatter [tilespmem:s19], [sflag:$0x2], $0x2800, $0x38;
	[tilespmem:$0x16180] =	vst v63  }
0x34: {  	_ =	swait.ge [sflag:s20], $0x2800  }
0x35: {  	[sflag:s20] =	ssyncset.done $0x0  }
0x36: {  	[sflag:s20] =	ssyncadd.s32 $0xFFFFD800  }
0x37: {  	[spmem:s10] =	stream.linear.scatter [tilespmem:s19], [sflag:$0x2], $0x2800, $0x38;
	[tilespmem:$0x16180] =	vst v63  }
0x38: {  	_ =	swait.ge [sflag:s20], $0x2800  }
0x39: {  	[sflag:s20] =	ssyncset.done $0x0  }
0x3a: {  	[sflag:s20] =	ssyncadd.s32 $0xFFFFD800  }
0x3b: {  	[spmem:s11] =	stream.linear.scatter [tilespmem:s19], [sflag:$0x2], $0x2800, $0x38;
	[tilespmem:$0x16180] =	vst v63  }
0x3c: {  	_ =	swait.ge [sflag:s20], $0x2800  }
0x3d: {  	[sflag:s20] =	ssyncset.done $0x0  }
0x3e: {  	[sflag:s20] =	ssyncadd.s32 $0xFFFFD800  }
0x3f: {  	[spmem:s12] =	stream.linear.scatter [tilespmem:s19], [sflag:$0x2], $0x2000, $0x38;
	[tilespmem:$0x16180] =	vst v63  }
0x40: {  	_ =	swait.ge [sflag:s20], $0x2000  }
0x41: {  	[sflag:s20] =	ssyncset.done $0x0  }
0x42: {  	s25 =	simm.s32 @!p0 $0x100;
	[sflag:s20] =	ssyncadd.s32 $0xFFFFE000  }
0x43: {  	[spmem:s13] =	stream.linear.scatter @!p0 [tilespmem:s25], [sflag:$0x2], $0x800, $0x38;
	[tilespmem:$0x16180] =	vst v63  }
0x44: {  	s25 =	simm.s32 @!p0 $0x2  }
0x45: {  	_ =	swait.ge @!p0 [sflag:s25], $0x800  }
0x46: {  	[sflag:s25] =	ssyncset.done @!p0 $0x0  }
0x47: {  	[sflag:s25] =	ssyncadd.s32 @!p0 $0xFFFFF800  }
0x48: {  	s30 =	sadd.s32 $0x0, s18;
	[bflag:$0x0] =	sbarrier.arrive $0xFFFF  }
0x49: {  	[tilespmem:s3], [sflag:$0x2] =	stream.linear.gather [hbm4b:s30+s3], $0x50, $0x38;
	[tilespmem:$0x16180] =	vst v63  }
0x4a: {  	_ =	swait.ge [sflag:s20], $0x50  }
0x4b: {  	[sflag:s20] =	ssyncset.done $0x0  }
0x4c: {  	s31 =	sadd.s32 $0x0, s17;
	[sflag:s20] =	ssyncadd.s32 $0xFFFFFFB0  }
0x4d: {  	[tilespmem:s21], [sflag:$0x2] =	stream.linear.gather [hbm4b:s31+s3], $0x50, $0x38;
	[tilespmem:$0x16180] =	vst v63  }
0x4e: {  	_ =	swait.ge [sflag:s20], $0x50  }
0x4f: {  	[sflag:s20] =	ssyncset.done $0x0  }
0x50: {  	[sflag:s20] =	ssyncadd.s32 $0xFFFFFFB0  }
0x51: {  	[tilespmem:s19], [sflag:$0x1] =	stream.indirect.gather [hbm4b:s4+s22], $0x80, s3, s22, $0xb8;
	[tilespmem:$0x16180] =	vst v63  }
0x52: {  	_ =	swait.ge [sflag:s23], $0x2800  }
0x53: {  	[sflag:s23] =	ssyncset.done $0x0  }
0x54: {  	[sflag:s23] =	ssyncadd.s32 $0xFFFFD800  }
0x55: {  	[spmem:s2] =	stream.indirect.scatter.add.f32 [tilespmem:s19], [sflag:$0x2], $0x80, s21, s22, $0xb8;
	[tilespmem:$0x16180] =	vst v63  }
0x56: {  	_ =	swait.ge [sflag:s20], $0x2800  }
0x57: {  	s26 =	simm.s32 $0x14;
	s25 =	simm.s32 $0xA;
	[sflag:s20] =	ssyncset.done $0x0  }
.LBB2_4:
0x58: {  	s28 =	sadd.s32 s25, s18  }
0x59: {  	[sflag:s20] =	ssyncadd.s32 $0xFFFFD800;
	s29 =	smov.u32 s26;
	s30 =	sadd.s32 $0xA, s26  }
0x5a: {  	[tilespmem:s3], [sflag:$0x2] =	stream.linear.gather [hbm4b:s28+s3], $0x50, $0x38;
	[tilespmem:$0x16180] =	vst v63  }
0x5b: {  	p1 =	sne.s32 s26, $0x4D8;
	_ =	swait.ge [sflag:s20], $0x50  }
0x5c: {  	[sflag:s20] =	ssyncset.done $0x0  }
0x5d: {  	s26 =	sadd.s32 s25, s17;
	s25 =	smov.u32 s29;
	[sflag:s20] =	ssyncadd.s32 $0xFFFFFFB0  }
0x5e: {  	[tilespmem:s21], [sflag:$0x2] =	stream.linear.gather [hbm4b:s26+s3], $0x50, $0x38;
	[tilespmem:$0x16180] =	vst v63  }
0x5f: {  	_ =	swait.ge [sflag:s20], $0x50  }
0x60: {  	[sflag:s20] =	ssyncset.done $0x0  }
0x61: {  	[sflag:s20] =	ssyncadd.s32 $0xFFFFFFB0  }
0x62: {  	[tilespmem:s19], [sflag:$0x1] =	stream.indirect.gather [hbm4b:s4+s22], $0x80, s3, s22, $0xb8;
	[tilespmem:$0x16180] =	vst v63  }
0x63: {  	_ =	swait.ge [sflag:s23], $0x2800  }
.Ltmp1:
0x64: {  	[sflag:s23] =	ssyncset.done $0x0;
	(pc) =	sbr.rel @p1 .LBB2_4-.Ltmp1, $4  }
0x65: {  	[sflag:s23] =	ssyncadd.s32 $0xFFFFD800  }
0x66: {  	[spmem:s2] =	stream.indirect.scatter.add.f32 [tilespmem:s19], [sflag:$0x2], $0x80, s21, s22, $0xb8;
	[tilespmem:$0x16180] =	vst v63  }
0x67: {  	_ =	swait.ge [sflag:s20], $0x2800  }
0x68: {  	s26 =	smov.u32 s30;
	[sflag:s20] =	ssyncset.done $0x0  }
0x69: {  	s26 =	sadd.s32 s25, s18;
	[sflag:s20] =	ssyncadd.s32 $0xFFFFD800  }
0x6a: {  	[tilespmem:s3], [sflag:$0x2] =	stream.linear.gather [hbm4b:s26+s3], $0x50, $0x38;
	[tilespmem:$0x16180] =	vst v63  }
0x6b: {  	_ =	swait.ge [sflag:s20], $0x50  }
0x6c: {  	[sflag:s20] =	ssyncset.done $0x0  }
0x6d: {  	s29 =	sadd.s32 s25, s17;
	[sflag:s20] =	ssyncadd.s32 $0xFFFFFFB0  }
0x6e: {  	[tilespmem:s21], [sflag:$0x2] =	stream.linear.gather [hbm4b:s29+s3], $0x50, $0x38;
	[tilespmem:$0x16180] =	vst v63  }
0x6f: {  	_ =	swait.ge [sflag:s20], $0x50  }
0x70: {  	[sflag:s20] =	ssyncset.done $0x0  }
0x71: {  	[sflag:s20] =	ssyncadd.s32 $0xFFFFFFB0  }
0x72: {  	[tilespmem:s19], [sflag:$0x1] =	stream.indirect.gather [hbm4b:s4+s22], $0x80, s3, s22, $0xb8;
	[tilespmem:$0x16180] =	vst v63  }
0x73: {  	_ =	swait.ge [sflag:s23], $0x2800  }
0x74: {  	[sflag:s23] =	ssyncset.done $0x0  }
0x75: {  	[sflag:s23] =	ssyncadd.s32 $0xFFFFD800  }
0x76: {  	[spmem:s2] =	stream.indirect.scatter.add.f32 [tilespmem:s19], [sflag:$0x2], $0x80, s21, s22, $0xb8;
	[tilespmem:$0x16180] =	vst v63  }
0x77: {  	_ =	swait.ge [sflag:s20], $0x2800  }
0x78: {  	[sflag:s20] =	ssyncset.done $0x0  }
0x79: {  	s30 =	sshll.u32 s0, $0x6;
	[sflag:s20] =	ssyncadd.s32 $0xFFFFD800  }
0x7a: {  	s31 =	sshrl.u32 s5, $0x3;
	s25 =	sor.u32 $0x1C02, s30;
	[bflag:$0x0] =	sbarrier.arrive $0xFFFF  }
0x7b: {  	[hbm:s14], [sflag:s25] =	dma.local [spmem:s31], $0x2700  }
0x7c: {  	_ =	swait.ge [sflag:s20], $0x2700  }
0x7d: {  	s24 =	sadd.s32 $0x1, s24;
	[sflag:s20] =	ssyncset.done $0x0  }
0x7e: {  	s26 =	sshrl.u32 @!p0 s13, $0x3;
	p1 =	sne.s32 s24, s16;
	[sflag:s20] =	ssyncadd.s32 $0xFFFFD900  }
0x7f: {  	[hbm:s15], [sflag:s25] =	dma.local @!p0 [spmem:s26], $0x100  }
.Ltmp2:
0x80: {  	_ = 	snop;
	(pc) =	sbr.rel @p1 .LBB2_1-.Ltmp2, $4  }
0x81: {  	s25 =	simm.s32 @!p0 $0x2  }
0x82: {  	_ =	swait.ge @!p0 [sflag:s25], $0x100  }
0x83: {  	[sflag:s25] =	ssyncset.done @!p0 $0x0  }
0x84: {  	[sflag:s25] =	ssyncadd.s32 @!p0 $0xFFFFFF00  }
0x85: {  	_ =	sfence.sel $0x180000  }
0x86: {  	[bflag:$0x0] =	sbarrier.arrive $0xFFFF  }
0x87: {  	p0 =	sne.s32 s0, $0x0;
	_ =	strace $0x90000053  }
0x88: {  	s0 =	sadd.s32 @!p0 $0x100000, s1;
	[bflag:$0x2] =	sbarrier.arrive $0xFFFF  }
0x89: {  	[sflag:s0] =	ssyncadd.tile.s32 @!p0 $0x1;
	_ =	shalt  }
.Lfunc_end2:
_tile_overlayer_lowered:
.L_overlay_start_2:
0x8a: {  	(tag) =	ssettag $0x2  }
0x8b: {  	s0 =	rddreg [dreg:$0x0];
	s2 =	stileid.u32  }
0x8c: {  	s1 =	rddreg [dreg:$0x1];
	p0 =	sne.s32 s2, $0x0  }
0x8d: {  	s3 =	rddreg [dreg:$0x2];
	[bflag:$0x3] =	sbarrier.arrive $0xFFFF;
	s2 =	simm.s32 @!p0 $0x1C02  }
0x8e: {  	[timem:s3], [sflag:s2] =	dma.local @!p0 [hbm:s0], s1  }
0x8f: {  	s0 =	simm.s32 @!p0 $0x2  }
0x90: {  	_ =	swait.ge @!p0 [sflag:s0], s1  }
0x91: {  	s1 =	ssub.s32 @!p0 $0x0, s1;
	[sflag:s0] =	ssyncset.done @!p0 $0x0  }
0x92: {  	[sflag:s0] =	ssyncadd.s32 @!p0 s1  }
0x93: {  	[bflag:$0x3] =	sbarrier.arrive $0xFFFF  }
0x94: {  	_ =	shalt  }

</sc_bundles>
